<compile_context>
chip_gen: v7x
topology: tpu7x:2x2x1
jax: 0.10.2.dev20260603
libtpu: 0.0.44.dev20260713+nightly
codegen_flags: <defaults>
</compile_context>

<pallas_src>
import functools

import jax
import jax.numpy as jnp
from jax import lax
from jax.experimental import pallas as pl
from jax.experimental.pallas import tpu as pltpu
from jax.experimental.pallas import tpu_sc as plsc

_NC = 2
_NS = 16
_NW = _NC * _NS
_L = 16


@functools.lru_cache(maxsize=None)
def _make_gather(N, D, B):
    b_per_w = B // _NW
    C = 64
    n_chunks = b_per_w // C
    NBUF = 8
    PD = 4
    n_passes = (n_chunks - NBUF) // NBUF
    assert (n_chunks - NBUF) % NBUF == 0 and 0 < PD < NBUF and n_passes >= 1
    mesh = plsc.VectorSubcoreMesh(core_axis_name="c", subcore_axis_name="s")

    @functools.partial(
        pl.kernel,
        mesh=mesh,
        out_type=jax.ShapeDtypeStruct((B, D), jnp.float32),
        scratch_types=[
            pltpu.VMEM((b_per_w,), jnp.int32),
            pltpu.VMEM((_L,), jnp.int32),
        ]
        + [pltpu.VMEM((C, D), jnp.float32) for _ in range(NBUF)]
        + [pltpu.SemaphoreType.DMA for _ in range(2 * NBUF)],
    )
    def k(x_hbm, idx_hbm, shift_hbm, out_hbm, idx_v, shift_v, *scratch):
        bufs = scratch[:NBUF]
        gsems = scratch[NBUF:2 * NBUF]
        ssems = scratch[2 * NBUF:]
        wid = lax.axis_index("s") * _NC + lax.axis_index("c")
        base = wid * b_per_w
        pltpu.sync_copy(idx_hbm.at[pl.ds(base, b_per_w)], idx_v)
        pltpu.sync_copy(shift_hbm, shift_v)
        sh = shift_v[...]

        def adjust(g):
            for j in range(C // _L):
                sl = pl.ds(g * C + j * _L, _L)
                v = idx_v[sl] - sh
                idx_v[sl] = jnp.where(v < 0, v + N, v)

        def start_gather(g, b):
            pltpu.async_copy(
                x_hbm.at[idx_v.at[pl.ds(g * C, C)]], bufs[b], gsems[b]
            )

        def start_scatter(g, b):
            pltpu.async_copy(
                bufs[b], out_hbm.at[pl.ds(base + g * C, C)], ssems[b]
            )

        def wait_gather(g, b):
            pltpu.make_async_copy(
                x_hbm.at[idx_v.at[pl.ds(g * C, C)]], bufs[b], gsems[b]
            ).wait()

        def wait_scatter(g, b):
            pltpu.make_async_copy(
                bufs[b], out_hbm.at[pl.ds(base + g * C, C)], ssems[b]
            ).wait()

        def step(g, r, drain):
            bg = r
            bn = (r + PD) % NBUF
            wait_gather(g, bg)
            start_scatter(g, bg)
            adjust(g + PD)
            if drain:
                wait_scatter(g + PD - NBUF, bn)
            start_gather(g + PD, bn)

        for g in range(PD):
            adjust(g)
            start_gather(g, g % NBUF)
        for g in range(NBUF - PD):
            step(g, g % NBUF, drain=False)

        def body(p, carry):
            for b in range(NBUF):
                step((NBUF - PD) + p * NBUF + b,
                     ((NBUF - PD) + b) % NBUF, drain=True)
            return carry

        lax.fori_loop(0, n_passes, body, 0)

        for g in range(n_chunks - PD, n_chunks):
            wait_gather(g, g % NBUF)
            start_scatter(g, g % NBUF)
        for g in range(n_chunks - NBUF, n_chunks):
            wait_scatter(g, g % NBUF)

    return k


def kernel(x, idx, shift):
    N, D = x.shape
    B = idx.shape[0]
    shift_vec = jnp.full(
        (_L,), jnp.asarray(shift, jnp.int32) % jnp.int32(N), dtype=jnp.int32
    )
    return _make_gather(N, D, B)(x, idx.astype(jnp.int32), shift_vec)

# --- scband reference (transcript-rebuilt; emitter-appended) ---
"""Pipeline reference for scband-batched-11519102288394 (READ-ONLY COPY).

The authoritative reference and input builder live on the scoring server;
editing this copy changes nothing except your own understanding.
"""

import jax, jax.numpy as jnp
import numpy as np


def _handle_one(f, shape, *bufs):
    # Faithful translation of batched_treemap.handle_one: recursively vmap over
    # the ITEM shape dims (trailing axes), applying f to the remaining buffer
    # (which carries the batch dims as leading axes).
    if len(shape) == 0:
        return f(*bufs)
    return jax.vmap(lambda *b: _handle_one(f, shape[:-1], *b), in_axes=-1, out_axes=-1, axis_size=shape[-1])(*bufs)


def setup_inputs(seed: int = 0) -> dict:
    key = jax.random.key(seed)
    N, d = 262144, 128
    x = jax.random.normal(jax.random.fold_in(key, 0), (N, d), dtype=jnp.float32)
    idx = jax.random.randint(jax.random.fold_in(key, 1), (N,), 0, N)
    shift = 12345
    return {"x": x, "idx": idx, "shift": shift}


def reference(x, idx, shift):
    # Emulates:
    #   b = batched.create(x, batch_dims=(N,))   # pytree = single leaf, item shape (d,)
    #   r = b.roll(shift)                        # _batched_treemap_of_one(jnp.roll)
    #   out = r[idx]                             # __getitem__ -> tree_map(lambda a: a[idx])
    item_shape = x.shape[1:]
    rolled = _handle_one(lambda buf: jnp.roll(buf, shift), item_shape, x)
    # batch_dims() consistency check is a no-op on shapes; __getitem__ gathers rows
    out = rolled[idx]
    return out

if __name__ == "__main__":
    import jax
    _d = setup_inputs()
    print(jax.jit(kernel)(*tuple(_d.values())))

</pallas_src>

<mosaic_0001>
#map = affine_map<(d0, d1) -> (0, 0)>
#map1 = affine_map<(d0, d1) -> (0)>
module attributes {stable_mosaic.version = 14 : i64} {
  func.func @k(%arg0: i32, %arg1: i32, %arg2: memref<262144x128xf32, #tpu.memory_space<hbm>>, %arg3: memref<262144xi32, #tpu.memory_space<hbm>>, %arg4: memref<16xi32, #tpu.memory_space<hbm>>, %arg5: memref<262144x128xf32, #tpu.memory_space<hbm>>, %arg6: memref<8192xi32, #tpu.memory_space<vmem>>, %arg7: memref<16xi32, #tpu.memory_space<vmem>>, %arg8: memref<64x128xf32, #tpu.memory_space<vmem>>, %arg9: memref<64x128xf32, #tpu.memory_space<vmem>>, %arg10: memref<64x128xf32, #tpu.memory_space<vmem>>, %arg11: memref<64x128xf32, #tpu.memory_space<vmem>>, %arg12: memref<64x128xf32, #tpu.memory_space<vmem>>, %arg13: memref<64x128xf32, #tpu.memory_space<vmem>>, %arg14: memref<64x128xf32, #tpu.memory_space<vmem>>, %arg15: memref<64x128xf32, #tpu.memory_space<vmem>>, %arg16: memref<!tpu.dma_semaphore, #tpu.memory_space<semaphore_mem>>, %arg17: memref<!tpu.dma_semaphore, #tpu.memory_space<semaphore_mem>>, %arg18: memref<!tpu.dma_semaphore, #tpu.memory_space<semaphore_mem>>, %arg19: memref<!tpu.dma_semaphore, #tpu.memory_space<semaphore_mem>>, %arg20: memref<!tpu.dma_semaphore, #tpu.memory_space<semaphore_mem>>, %arg21: memref<!tpu.dma_semaphore, #tpu.memory_space<semaphore_mem>>, %arg22: memref<!tpu.dma_semaphore, #tpu.memory_space<semaphore_mem>>, %arg23: memref<!tpu.dma_semaphore, #tpu.memory_space<semaphore_mem>>, %arg24: memref<!tpu.dma_semaphore, #tpu.memory_space<semaphore_mem>>, %arg25: memref<!tpu.dma_semaphore, #tpu.memory_space<semaphore_mem>>, %arg26: memref<!tpu.dma_semaphore, #tpu.memory_space<semaphore_mem>>, %arg27: memref<!tpu.dma_semaphore, #tpu.memory_space<semaphore_mem>>, %arg28: memref<!tpu.dma_semaphore, #tpu.memory_space<semaphore_mem>>, %arg29: memref<!tpu.dma_semaphore, #tpu.memory_space<semaphore_mem>>, %arg30: memref<!tpu.dma_semaphore, #tpu.memory_space<semaphore_mem>>, %arg31: memref<!tpu.dma_semaphore, #tpu.memory_space<semaphore_mem>>) attributes {dimension_semantics = [#tpu.dimension_semantics<core_parallel>, #tpu.dimension_semantics<subcore_parallel>], iteration_bounds = array<i64: 2, 16>, scalar_prefetch = 0 : i64, scratch_operands = 26 : i64, tpu.core_type = #tpu.core_type<sc_vector_subcore>, window_params = [{transform_indices = #map}, {transform_indices = #map1}, {transform_indices = #map1}, {transform_indices = #map}]} {
    %mul3A = arith.constant 2 : i32
    %mul3A_0 = arith.muli %arg1, %mul3A : i32
    %add3A = arith.addi %mul3A_0, %arg0 : i32
    %mul3A_1 = arith.constant 8192 : i32
    %mul3A_2 = arith.muli %add3A, %mul3A_1 : i32
    "tpu.region"() ({
      %run_scoped3A = tpu.sem_alloc : memref<!tpu.dma_semaphore, #tpu.memory_space<semaphore_mem>>
      %dma_start3A_660 = tpu.memref_slice %arg3[%mul3A_2] : memref<262144xi32, #tpu.memory_space<hbm>> -> memref<8192xi32, #tpu.memory_space<hbm>>
      %dma_start3A_661 = tpu.memref_slice %arg3[%mul3A_2] : memref<262144xi32, #tpu.memory_space<hbm>> -> memref<8192xi32, #tpu.memory_space<hbm>>
      tpu.enqueue_dma source(%dma_start3A_661 : memref<8192xi32, #tpu.memory_space<hbm>>) target(%arg6 : memref<8192xi32, #tpu.memory_space<vmem>>) target_semaphore(%run_scoped3A : memref<!tpu.dma_semaphore, #tpu.memory_space<semaphore_mem>>)
      %dma_wait3A_662 = tpu.memref_slice %arg3[%mul3A_2] : memref<262144xi32, #tpu.memory_space<hbm>> -> memref<8192xi32, #tpu.memory_space<hbm>>
      %dma_wait3A_663 = tpu.memref_slice %arg3[%mul3A_2] : memref<262144xi32, #tpu.memory_space<hbm>> -> memref<8192xi32, #tpu.memory_space<hbm>>
      tpu.wait_dma2 semaphore(%run_scoped3A : memref<!tpu.dma_semaphore, #tpu.memory_space<semaphore_mem>>) src(%dma_wait3A_663 : memref<8192xi32, #tpu.memory_space<hbm>>) dst(%arg6 : memref<8192xi32, #tpu.memory_space<vmem>>)
      tpu.yield
    }) : () -> ()
    "tpu.region"() ({
      %run_scoped3A = tpu.sem_alloc : memref<!tpu.dma_semaphore, #tpu.memory_space<semaphore_mem>>
      tpu.enqueue_dma source(%arg4 : memref<16xi32, #tpu.memory_space<hbm>>) target(%arg7 : memref<16xi32, #tpu.memory_space<vmem>>) target_semaphore(%run_scoped3A : memref<!tpu.dma_semaphore, #tpu.memory_space<semaphore_mem>>)
      tpu.wait_dma2 semaphore(%run_scoped3A : memref<!tpu.dma_semaphore, #tpu.memory_space<semaphore_mem>>) src(%arg4 : memref<16xi32, #tpu.memory_space<hbm>>) dst(%arg7 : memref<16xi32, #tpu.memory_space<vmem>>)
      tpu.yield
    }) : () -> ()
    %get3A = arith.constant 0 : index
    %get3A_3 = tpu.vector_load %arg7[%get3A] {strides = array<i32>} : memref<16xi32, #tpu.memory_space<vmem>>, vector<16xi32>,
    %get3A_4 = vector.shape_cast %get3A_3 : vector<16xi32> to vector<16xi32>
    %get3A_5 = arith.constant 0 : index
    %get3A_6 = tpu.vector_load %arg6[%get3A_5] {strides = array<i32>} : memref<8192xi32, #tpu.memory_space<vmem>>, vector<16xi32>,
    %get3A_7 = vector.shape_cast %get3A_6 : vector<16xi32> to vector<16xi32>
    %sub3A = arith.subi %get3A_7, %get3A_4 : vector<16xi32>
    %lt3A = arith.constant 0 : i32
    %lt3A_8 = vector.broadcast %lt3A : i32 to vector<16xi32>
    %lt3A_9 = arith.cmpi slt, %sub3A, %lt3A_8 : vector<16xi32>
    %add3A_10 = arith.constant 262144 : i32
    %add3A_11 = vector.broadcast %add3A_10 : i32 to vector<16xi32>
    %add3A_12 = arith.addi %sub3A, %add3A_11 : vector<16xi32>
    %select_n3A = arith.select %lt3A_9, %add3A_12, %sub3A : vector<16xi1>, vector<16xi32>
    %swap3A = arith.constant 0 : index
    %swap3A_13 = tpu.vector_load %arg6[%swap3A] {strides = array<i32>} : memref<8192xi32, #tpu.memory_space<vmem>>, vector<16xi32>,
    %swap3A_14 = vector.shape_cast %swap3A_13 : vector<16xi32> to vector<16xi32>
    %swap3A_15 = vector.shape_cast %select_n3A : vector<16xi32> to vector<16xi32>
    tpu.vector_store %arg6[%swap3A], %swap3A_15 {strides = array<i32>} : memref<8192xi32, #tpu.memory_space<vmem>>, vector<16xi32>,
    %get3A_16 = arith.constant 16 : index
    %get3A_17 = tpu.vector_load %arg6[%get3A_16] {strides = array<i32>} : memref<8192xi32, #tpu.memory_space<vmem>>, vector<16xi32>,
    %get3A_18 = vector.shape_cast %get3A_17 : vector<16xi32> to vector<16xi32>
    %sub3A_19 = arith.subi %get3A_18, %get3A_4 : vector<16xi32>
    %lt3A_20 = arith.constant 0 : i32
    %lt3A_21 = vector.broadcast %lt3A_20 : i32 to vector<16xi32>
    %lt3A_22 = arith.cmpi slt, %sub3A_19, %lt3A_21 : vector<16xi32>
    %add3A_23 = arith.constant 262144 : i32
    %add3A_24 = vector.broadcast %add3A_23 : i32 to vector<16xi32>
    %add3A_25 = arith.addi %sub3A_19, %add3A_24 : vector<16xi32>
    %select_n3A_26 = arith.select %lt3A_22, %add3A_25, %sub3A_19 : vector<16xi1>, vector<16xi32>
    %swap3A_27 = arith.constant 16 : index
    %swap3A_28 = tpu.vector_load %arg6[%swap3A_27] {strides = array<i32>} : memref<8192xi32, #tpu.memory_space<vmem>>, vector<16xi32>,
    %swap3A_29 = vector.shape_cast %swap3A_28 : vector<16xi32> to vector<16xi32>
    %swap3A_30 = vector.shape_cast %select_n3A_26 : vector<16xi32> to vector<16xi32>
    tpu.vector_store %arg6[%swap3A_27], %swap3A_30 {strides = array<i32>} : memref<8192xi32, #tpu.memory_space<vmem>>, vector<16xi32>,
    %get3A_31 = arith.constant 32 : index
    %get3A_32 = tpu.vector_load %arg6[%get3A_31] {strides = array<i32>} : memref<8192xi32, #tpu.memory_space<vmem>>, vector<16xi32>,
    %get3A_33 = vector.shape_cast %get3A_32 : vector<16xi32> to vector<16xi32>
    %sub3A_34 = arith.subi %get3A_33, %get3A_4 : vector<16xi32>
    %lt3A_35 = arith.constant 0 : i32
    %lt3A_36 = vector.broadcast %lt3A_35 : i32 to vector<16xi32>
    %lt3A_37 = arith.cmpi slt, %sub3A_34, %lt3A_36 : vector<16xi32>
    %add3A_38 = arith.constant 262144 : i32
    %add3A_39 = vector.broadcast %add3A_38 : i32 to vector<16xi32>
    %add3A_40 = arith.addi %sub3A_34, %add3A_39 : vector<16xi32>
    %select_n3A_41 = arith.select %lt3A_37, %add3A_40, %sub3A_34 : vector<16xi1>, vector<16xi32>
    %swap3A_42 = arith.constant 32 : index
    %swap3A_43 = tpu.vector_load %arg6[%swap3A_42] {strides = array<i32>} : memref<8192xi32, #tpu.memory_space<vmem>>, vector<16xi32>,
    %swap3A_44 = vector.shape_cast %swap3A_43 : vector<16xi32> to vector<16xi32>
    %swap3A_45 = vector.shape_cast %select_n3A_41 : vector<16xi32> to vector<16xi32>
    tpu.vector_store %arg6[%swap3A_42], %swap3A_45 {strides = array<i32>} : memref<8192xi32, #tpu.memory_space<vmem>>, vector<16xi32>,
    %get3A_46 = arith.constant 48 : index
    %get3A_47 = tpu.vector_load %arg6[%get3A_46] {strides = array<i32>} : memref<8192xi32, #tpu.memory_space<vmem>>, vector<16xi32>,
    %get3A_48 = vector.shape_cast %get3A_47 : vector<16xi32> to vector<16xi32>
    %sub3A_49 = arith.subi %get3A_48, %get3A_4 : vector<16xi32>
    %lt3A_50 = arith.constant 0 : i32
    %lt3A_51 = vector.broadcast %lt3A_50 : i32 to vector<16xi32>
    %lt3A_52 = arith.cmpi slt, %sub3A_49, %lt3A_51 : vector<16xi32>
    %add3A_53 = arith.constant 262144 : i32
    %add3A_54 = vector.broadcast %add3A_53 : i32 to vector<16xi32>
    %add3A_55 = arith.addi %sub3A_49, %add3A_54 : vector<16xi32>
    %select_n3A_56 = arith.select %lt3A_52, %add3A_55, %sub3A_49 : vector<16xi1>, vector<16xi32>
    %swap3A_57 = arith.constant 48 : index
    %swap3A_58 = tpu.vector_load %arg6[%swap3A_57] {strides = array<i32>} : memref<8192xi32, #tpu.memory_space<vmem>>, vector<16xi32>,
    %swap3A_59 = vector.shape_cast %swap3A_58 : vector<16xi32> to vector<16xi32>
    %swap3A_60 = vector.shape_cast %select_n3A_56 : vector<16xi32> to vector<16xi32>
    tpu.vector_store %arg6[%swap3A_57], %swap3A_60 {strides = array<i32>} : memref<8192xi32, #tpu.memory_space<vmem>>, vector<16xi32>,
    %dma_start3A = arith.constant 0 : i32
    %dma_start3A_61 = tpu.memref_slice %arg6[%dma_start3A] : memref<8192xi32, #tpu.memory_space<vmem>> -> memref<64xi32, #tpu.memory_space<vmem>>
    %dma_start3A_62 = arith.constant 0 : i32
    %dma_start3A_63 = arith.constant 0 : i32
    %dma_start3A_64 = tpu.memref_slice %arg2[%dma_start3A_62, %dma_start3A_63] : memref<262144x128xf32, #tpu.memory_space<hbm>> -> memref<262144x128xf32, #tpu.memory_space<hbm>>
    tpu.enqueue_indirect_dma source(%dma_start3A_64 : memref<262144x128xf32, #tpu.memory_space<hbm>>) target(%arg8 : memref<64x128xf32, #tpu.memory_space<vmem>>) offsets(%dma_start3A_61 : memref<64xi32, #tpu.memory_space<vmem>>) semaphore(%arg16 : memref<!tpu.dma_semaphore, #tpu.memory_space<semaphore_mem>>)
    %get3A_65 = arith.constant 64 : index
    %get3A_66 = tpu.vector_load %arg6[%get3A_65] {strides = array<i32>} : memref<8192xi32, #tpu.memory_space<vmem>>, vector<16xi32>,
    %get3A_67 = vector.shape_cast %get3A_66 : vector<16xi32> to vector<16xi32>
    %sub3A_68 = arith.subi %get3A_67, %get3A_4 : vector<16xi32>
    %lt3A_69 = arith.constant 0 : i32
    %lt3A_70 = vector.broadcast %lt3A_69 : i32 to vector<16xi32>
    %lt3A_71 = arith.cmpi slt, %sub3A_68, %lt3A_70 : vector<16xi32>
    %add3A_72 = arith.constant 262144 : i32
    %add3A_73 = vector.broadcast %add3A_72 : i32 to vector<16xi32>
    %add3A_74 = arith.addi %sub3A_68, %add3A_73 : vector<16xi32>
    %select_n3A_75 = arith.select %lt3A_71, %add3A_74, %sub3A_68 : vector<16xi1>, vector<16xi32>
    %swap3A_76 = arith.constant 64 : index
    %swap3A_77 = tpu.vector_load %arg6[%swap3A_76] {strides = array<i32>} : memref<8192xi32, #tpu.memory_space<vmem>>, vector<16xi32>,
    %swap3A_78 = vector.shape_cast %swap3A_77 : vector<16xi32> to vector<16xi32>
    %swap3A_79 = vector.shape_cast %select_n3A_75 : vector<16xi32> to vector<16xi32>
    tpu.vector_store %arg6[%swap3A_76], %swap3A_79 {strides = array<i32>} : memref<8192xi32, #tpu.memory_space<vmem>>, vector<16xi32>,
    %get3A_80 = arith.constant 80 : index
    %get3A_81 = tpu.vector_load %arg6[%get3A_80] {strides = array<i32>} : memref<8192xi32, #tpu.memory_space<vmem>>, vector<16xi32>,
    %get3A_82 = vector.shape_cast %get3A_81 : vector<16xi32> to vector<16xi32>
    %sub3A_83 = arith.subi %get3A_82, %get3A_4 : vector<16xi32>
    %lt3A_84 = arith.constant 0 : i32
    %lt3A_85 = vector.broadcast %lt3A_84 : i32 to vector<16xi32>
    %lt3A_86 = arith.cmpi slt, %sub3A_83, %lt3A_85 : vector<16xi32>
    %add3A_87 = arith.constant 262144 : i32
    %add3A_88 = vector.broadcast %add3A_87 : i32 to vector<16xi32>
    %add3A_89 = arith.addi %sub3A_83, %add3A_88 : vector<16xi32>
    %select_n3A_90 = arith.select %lt3A_86, %add3A_89, %sub3A_83 : vector<16xi1>, vector<16xi32>
    %swap3A_91 = arith.constant 80 : index
    %swap3A_92 = tpu.vector_load %arg6[%swap3A_91] {strides = array<i32>} : memref<8192xi32, #tpu.memory_space<vmem>>, vector<16xi32>,
    %swap3A_93 = vector.shape_cast %swap3A_92 : vector<16xi32> to vector<16xi32>
    %swap3A_94 = vector.shape_cast %select_n3A_90 : vector<16xi32> to vector<16xi32>
    tpu.vector_store %arg6[%swap3A_91], %swap3A_94 {strides = array<i32>} : memref<8192xi32, #tpu.memory_space<vmem>>, vector<16xi32>,
    %get3A_95 = arith.constant 96 : index
    %get3A_96 = tpu.vector_load %arg6[%get3A_95] {strides = array<i32>} : memref<8192xi32, #tpu.memory_space<vmem>>, vector<16xi32>,
    %get3A_97 = vector.shape_cast %get3A_96 : vector<16xi32> to vector<16xi32>
    %sub3A_98 = arith.subi %get3A_97, %get3A_4 : vector<16xi32>
    %lt3A_99 = arith.constant 0 : i32
    %lt3A_100 = vector.broadcast %lt3A_99 : i32 to vector<16xi32>
    %lt3A_101 = arith.cmpi slt, %sub3A_98, %lt3A_100 : vector<16xi32>
    %add3A_102 = arith.constant 262144 : i32
    %add3A_103 = vector.broadcast %add3A_102 : i32 to vector<16xi32>
    %add3A_104 = arith.addi %sub3A_98, %add3A_103 : vector<16xi32>
    %select_n3A_105 = arith.select %lt3A_101, %add3A_104, %sub3A_98 : vector<16xi1>, vector<16xi32>
    %swap3A_106 = arith.constant 96 : index
    %swap3A_107 = tpu.vector_load %arg6[%swap3A_106] {strides = array<i32>} : memref<8192xi32, #tpu.memory_space<vmem>>, vector<16xi32>,
    %swap3A_108 = vector.shape_cast %swap3A_107 : vector<16xi32> to vector<16xi32>
    %swap3A_109 = vector.shape_cast %select_n3A_105 : vector<16xi32> to vector<16xi32>
    tpu.vector_store %arg6[%swap3A_106], %swap3A_109 {strides = array<i32>} : memref<8192xi32, #tpu.memory_space<vmem>>, vector<16xi32>,
    %get3A_110 = arith.constant 112 : index
    %get3A_111 = tpu.vector_load %arg6[%get3A_110] {strides = array<i32>} : memref<8192xi32, #tpu.memory_space<vmem>>, vector<16xi32>,
    %get3A_112 = vector.shape_cast %get3A_111 : vector<16xi32> to vector<16xi32>
    %sub3A_113 = arith.subi %get3A_112, %get3A_4 : vector<16xi32>
    %lt3A_114 = arith.constant 0 : i32
    %lt3A_115 = vector.broadcast %lt3A_114 : i32 to vector<16xi32>
    %lt3A_116 = arith.cmpi slt, %sub3A_113, %lt3A_115 : vector<16xi32>
    %add3A_117 = arith.constant 262144 : i32
    %add3A_118 = vector.broadcast %add3A_117 : i32 to vector<16xi32>
    %add3A_119 = arith.addi %sub3A_113, %add3A_118 : vector<16xi32>
    %select_n3A_120 = arith.select %lt3A_116, %add3A_119, %sub3A_113 : vector<16xi1>, vector<16xi32>
    %swap3A_121 = arith.constant 112 : index
    %swap3A_122 = tpu.vector_load %arg6[%swap3A_121] {strides = array<i32>} : memref<8192xi32, #tpu.memory_space<vmem>>, vector<16xi32>,
    %swap3A_123 = vector.shape_cast %swap3A_122 : vector<16xi32> to vector<16xi32>
    %swap3A_124 = vector.shape_cast %select_n3A_120 : vector<16xi32> to vector<16xi32>
    tpu.vector_store %arg6[%swap3A_121], %swap3A_124 {strides = array<i32>} : memref<8192xi32, #tpu.memory_space<vmem>>, vector<16xi32>,
    %dma_start3A_125 = arith.constant 64 : i32
    %dma_start3A_126 = tpu.memref_slice %arg6[%dma_start3A_125] : memref<8192xi32, #tpu.memory_space<vmem>> -> memref<64xi32, #tpu.memory_space<vmem>>
    %dma_start3A_127 = arith.constant 0 : i32
    %dma_start3A_128 = arith.constant 0 : i32
    %dma_start3A_129 = tpu.memref_slice %arg2[%dma_start3A_127, %dma_start3A_128] : memref<262144x128xf32, #tpu.memory_space<hbm>> -> memref<262144x128xf32, #tpu.memory_space<hbm>>
    tpu.enqueue_indirect_dma source(%dma_start3A_129 : memref<262144x128xf32, #tpu.memory_space<hbm>>) target(%arg9 : memref<64x128xf32, #tpu.memory_space<vmem>>) offsets(%dma_start3A_126 : memref<64xi32, #tpu.memory_space<vmem>>) semaphore(%arg17 : memref<!tpu.dma_semaphore, #tpu.memory_space<semaphore_mem>>)
    %get3A_130 = arith.constant 128 : index
    %get3A_131 = tpu.vector_load %arg6[%get3A_130] {strides = array<i32>} : memref<8192xi32, #tpu.memory_space<vmem>>, vector<16xi32>,
    %get3A_132 = vector.shape_cast %get3A_131 : vector<16xi32> to vector<16xi32>
    %sub3A_133 = arith.subi %get3A_132, %get3A_4 : vector<16xi32>
    %lt3A_134 = arith.constant 0 : i32
    %lt3A_135 = vector.broadcast %lt3A_134 : i32 to vector<16xi32>
    %lt3A_136 = arith.cmpi slt, %sub3A_133, %lt3A_135 : vector<16xi32>
    %add3A_137 = arith.constant 262144 : i32
    %add3A_138 = vector.broadcast %add3A_137 : i32 to vector<16xi32>
    %add3A_139 = arith.addi %sub3A_133, %add3A_138 : vector<16xi32>
    %select_n3A_140 = arith.select %lt3A_136, %add3A_139, %sub3A_133 : vector<16xi1>, vector<16xi32>
    %swap3A_141 = arith.constant 128 : index
    %swap3A_142 = tpu.vector_load %arg6[%swap3A_141] {strides = array<i32>} : memref<8192xi32, #tpu.memory_space<vmem>>, vector<16xi32>,
    %swap3A_143 = vector.shape_cast %swap3A_142 : vector<16xi32> to vector<16xi32>
    %swap3A_144 = vector.shape_cast %select_n3A_140 : vector<16xi32> to vector<16xi32>
    tpu.vector_store %arg6[%swap3A_141], %swap3A_144 {strides = array<i32>} : memref<8192xi32, #tpu.memory_space<vmem>>, vector<16xi32>,
    %get3A_145 = arith.constant 144 : index
    %get3A_146 = tpu.vector_load %arg6[%get3A_145] {strides = array<i32>} : memref<8192xi32, #tpu.memory_space<vmem>>, vector<16xi32>,
    %get3A_147 = vector.shape_cast %get3A_146 : vector<16xi32> to vector<16xi32>
    %sub3A_148 = arith.subi %get3A_147, %get3A_4 : vector<16xi32>
    %lt3A_149 = arith.constant 0 : i32
    %lt3A_150 = vector.broadcast %lt3A_149 : i32 to vector<16xi32>
    %lt3A_151 = arith.cmpi slt, %sub3A_148, %lt3A_150 : vector<16xi32>
    %add3A_152 = arith.constant 262144 : i32
    %add3A_153 = vector.broadcast %add3A_152 : i32 to vector<16xi32>
    %add3A_154 = arith.addi %sub3A_148, %add3A_153 : vector<16xi32>
    %select_n3A_155 = arith.select %lt3A_151, %add3A_154, %sub3A_148 : vector<16xi1>, vector<16xi32>
    %swap3A_156 = arith.constant 144 : index
    %swap3A_157 = tpu.vector_load %arg6[%swap3A_156] {strides = array<i32>} : memref<8192xi32, #tpu.memory_space<vmem>>, vector<16xi32>,
    %swap3A_158 = vector.shape_cast %swap3A_157 : vector<16xi32> to vector<16xi32>
    %swap3A_159 = vector.shape_cast %select_n3A_155 : vector<16xi32> to vector<16xi32>
    tpu.vector_store %arg6[%swap3A_156], %swap3A_159 {strides = array<i32>} : memref<8192xi32, #tpu.memory_space<vmem>>, vector<16xi32>,
    %get3A_160 = arith.constant 160 : index
    %get3A_161 = tpu.vector_load %arg6[%get3A_160] {strides = array<i32>} : memref<8192xi32, #tpu.memory_space<vmem>>, vector<16xi32>,
    %get3A_162 = vector.shape_cast %get3A_161 : vector<16xi32> to vector<16xi32>
    %sub3A_163 = arith.subi %get3A_162, %get3A_4 : vector<16xi32>
    %lt3A_164 = arith.constant 0 : i32
    %lt3A_165 = vector.broadcast %lt3A_164 : i32 to vector<16xi32>
    %lt3A_166 = arith.cmpi slt, %sub3A_163, %lt3A_165 : vector<16xi32>
    %add3A_167 = arith.constant 262144 : i32
    %add3A_168 = vector.broadcast %add3A_167 : i32 to vector<16xi32>
    %add3A_169 = arith.addi %sub3A_163, %add3A_168 : vector<16xi32>
    %select_n3A_170 = arith.select %lt3A_166, %add3A_169, %sub3A_163 : vector<16xi1>, vector<16xi32>
    %swap3A_171 = arith.constant 160 : index
    %swap3A_172 = tpu.vector_load %arg6[%swap3A_171] {strides = array<i32>} : memref<8192xi32, #tpu.memory_space<vmem>>, vector<16xi32>,
    %swap3A_173 = vector.shape_cast %swap3A_172 : vector<16xi32> to vector<16xi32>
    %swap3A_174 = vector.shape_cast %select_n3A_170 : vector<16xi32> to vector<16xi32>
    tpu.vector_store %arg6[%swap3A_171], %swap3A_174 {strides = array<i32>} : memref<8192xi32, #tpu.memory_space<vmem>>, vector<16xi32>,
    %get3A_175 = arith.constant 176 : index
    %get3A_176 = tpu.vector_load %arg6[%get3A_175] {strides = array<i32>} : memref<8192xi32, #tpu.memory_space<vmem>>, vector<16xi32>,
    %get3A_177 = vector.shape_cast %get3A_176 : vector<16xi32> to vector<16xi32>
    %sub3A_178 = arith.subi %get3A_177, %get3A_4 : vector<16xi32>
    %lt3A_179 = arith.constant 0 : i32
    %lt3A_180 = vector.broadcast %lt3A_179 : i32 to vector<16xi32>
    %lt3A_181 = arith.cmpi slt, %sub3A_178, %lt3A_180 : vector<16xi32>
    %add3A_182 = arith.constant 262144 : i32
    %add3A_183 = vector.broadcast %add3A_182 : i32 to vector<16xi32>
    %add3A_184 = arith.addi %sub3A_178, %add3A_183 : vector<16xi32>
    %select_n3A_185 = arith.select %lt3A_181, %add3A_184, %sub3A_178 : vector<16xi1>, vector<16xi32>
    %swap3A_186 = arith.constant 176 : index
    %swap3A_187 = tpu.vector_load %arg6[%swap3A_186] {strides = array<i32>} : memref<8192xi32, #tpu.memory_space<vmem>>, vector<16xi32>,
    %swap3A_188 = vector.shape_cast %swap3A_187 : vector<16xi32> to vector<16xi32>
    %swap3A_189 = vector.shape_cast %select_n3A_185 : vector<16xi32> to vector<16xi32>
    tpu.vector_store %arg6[%swap3A_186], %swap3A_189 {strides = array<i32>} : memref<8192xi32, #tpu.memory_space<vmem>>, vector<16xi32>,
    %dma_start3A_190 = arith.constant 128 : i32
    %dma_start3A_191 = tpu.memref_slice %arg6[%dma_start3A_190] : memref<8192xi32, #tpu.memory_space<vmem>> -> memref<64xi32, #tpu.memory_space<vmem>>
    %dma_start3A_192 = arith.constant 0 : i32
    %dma_start3A_193 = arith.constant 0 : i32
    %dma_start3A_194 = tpu.memref_slice %arg2[%dma_start3A_192, %dma_start3A_193] : memref<262144x128xf32, #tpu.memory_space<hbm>> -> memref<262144x128xf32, #tpu.memory_space<hbm>>
    tpu.enqueue_indirect_dma source(%dma_start3A_194 : memref<262144x128xf32, #tpu.memory_space<hbm>>) target(%arg10 : memref<64x128xf32, #tpu.memory_space<vmem>>) offsets(%dma_start3A_191 : memref<64xi32, #tpu.memory_space<vmem>>) semaphore(%arg18 : memref<!tpu.dma_semaphore, #tpu.memory_space<semaphore_mem>>)
    %get3A_195 = arith.constant 192 : index
    %get3A_196 = tpu.vector_load %arg6[%get3A_195] {strides = array<i32>} : memref<8192xi32, #tpu.memory_space<vmem>>, vector<16xi32>,
    %get3A_197 = vector.shape_cast %get3A_196 : vector<16xi32> to vector<16xi32>
    %sub3A_198 = arith.subi %get3A_197, %get3A_4 : vector<16xi32>
    %lt3A_199 = arith.constant 0 : i32
    %lt3A_200 = vector.broadcast %lt3A_199 : i32 to vector<16xi32>
    %lt3A_201 = arith.cmpi slt, %sub3A_198, %lt3A_200 : vector<16xi32>
    %add3A_202 = arith.constant 262144 : i32
    %add3A_203 = vector.broadcast %add3A_202 : i32 to vector<16xi32>
    %add3A_204 = arith.addi %sub3A_198, %add3A_203 : vector<16xi32>
    %select_n3A_205 = arith.select %lt3A_201, %add3A_204, %sub3A_198 : vector<16xi1>, vector<16xi32>
    %swap3A_206 = arith.constant 192 : index
    %swap3A_207 = tpu.vector_load %arg6[%swap3A_206] {strides = array<i32>} : memref<8192xi32, #tpu.memory_space<vmem>>, vector<16xi32>,
    %swap3A_208 = vector.shape_cast %swap3A_207 : vector<16xi32> to vector<16xi32>
    %swap3A_209 = vector.shape_cast %select_n3A_205 : vector<16xi32> to vector<16xi32>
    tpu.vector_store %arg6[%swap3A_206], %swap3A_209 {strides = array<i32>} : memref<8192xi32, #tpu.memory_space<vmem>>, vector<16xi32>,
    %get3A_210 = arith.constant 208 : index
    %get3A_211 = tpu.vector_load %arg6[%get3A_210] {strides = array<i32>} : memref<8192xi32, #tpu.memory_space<vmem>>, vector<16xi32>,
    %get3A_212 = vector.shape_cast %get3A_211 : vector<16xi32> to vector<16xi32>
    %sub3A_213 = arith.subi %get3A_212, %get3A_4 : vector<16xi32>
    %lt3A_214 = arith.constant 0 : i32
    %lt3A_215 = vector.broadcast %lt3A_214 : i32 to vector<16xi32>
    %lt3A_216 = arith.cmpi slt, %sub3A_213, %lt3A_215 : vector<16xi32>
    %add3A_217 = arith.constant 262144 : i32
    %add3A_218 = vector.broadcast %add3A_217 : i32 to vector<16xi32>
    %add3A_219 = arith.addi %sub3A_213, %add3A_218 : vector<16xi32>
    %select_n3A_220 = arith.select %lt3A_216, %add3A_219, %sub3A_213 : vector<16xi1>, vector<16xi32>
    %swap3A_221 = arith.constant 208 : index
    %swap3A_222 = tpu.vector_load %arg6[%swap3A_221] {strides = array<i32>} : memref<8192xi32, #tpu.memory_space<vmem>>, vector<16xi32>,
    %swap3A_223 = vector.shape_cast %swap3A_222 : vector<16xi32> to vector<16xi32>
    %swap3A_224 = vector.shape_cast %select_n3A_220 : vector<16xi32> to vector<16xi32>
    tpu.vector_store %arg6[%swap3A_221], %swap3A_224 {strides = array<i32>} : memref<8192xi32, #tpu.memory_space<vmem>>, vector<16xi32>,
    %get3A_225 = arith.constant 224 : index
    %get3A_226 = tpu.vector_load %arg6[%get3A_225] {strides = array<i32>} : memref<8192xi32, #tpu.memory_space<vmem>>, vector<16xi32>,
    %get3A_227 = vector.shape_cast %get3A_226 : vector<16xi32> to vector<16xi32>
    %sub3A_228 = arith.subi %get3A_227, %get3A_4 : vector<16xi32>
    %lt3A_229 = arith.constant 0 : i32
    %lt3A_230 = vector.broadcast %lt3A_229 : i32 to vector<16xi32>
    %lt3A_231 = arith.cmpi slt, %sub3A_228, %lt3A_230 : vector<16xi32>
    %add3A_232 = arith.constant 262144 : i32
    %add3A_233 = vector.broadcast %add3A_232 : i32 to vector<16xi32>
    %add3A_234 = arith.addi %sub3A_228, %add3A_233 : vector<16xi32>
    %select_n3A_235 = arith.select %lt3A_231, %add3A_234, %sub3A_228 : vector<16xi1>, vector<16xi32>
    %swap3A_236 = arith.constant 224 : index
    %swap3A_237 = tpu.vector_load %arg6[%swap3A_236] {strides = array<i32>} : memref<8192xi32, #tpu.memory_space<vmem>>, vector<16xi32>,
    %swap3A_238 = vector.shape_cast %swap3A_237 : vector<16xi32> to vector<16xi32>
    %swap3A_239 = vector.shape_cast %select_n3A_235 : vector<16xi32> to vector<16xi32>
    tpu.vector_store %arg6[%swap3A_236], %swap3A_239 {strides = array<i32>} : memref<8192xi32, #tpu.memory_space<vmem>>, vector<16xi32>,
    %get3A_240 = arith.constant 240 : index
    %get3A_241 = tpu.vector_load %arg6[%get3A_240] {strides = array<i32>} : memref<8192xi32, #tpu.memory_space<vmem>>, vector<16xi32>,
    %get3A_242 = vector.shape_cast %get3A_241 : vector<16xi32> to vector<16xi32>
    %sub3A_243 = arith.subi %get3A_242, %get3A_4 : vector<16xi32>
    %lt3A_244 = arith.constant 0 : i32
    %lt3A_245 = vector.broadcast %lt3A_244 : i32 to vector<16xi32>
    %lt3A_246 = arith.cmpi slt, %sub3A_243, %lt3A_245 : vector<16xi32>
    %add3A_247 = arith.constant 262144 : i32
    %add3A_248 = vector.broadcast %add3A_247 : i32 to vector<16xi32>
    %add3A_249 = arith.addi %sub3A_243, %add3A_248 : vector<16xi32>
    %select_n3A_250 = arith.select %lt3A_246, %add3A_249, %sub3A_243 : vector<16xi1>, vector<16xi32>
    %swap3A_251 = arith.constant 240 : index
    %swap3A_252 = tpu.vector_load %arg6[%swap3A_251] {strides = array<i32>} : memref<8192xi32, #tpu.memory_space<vmem>>, vector<16xi32>,
    %swap3A_253 = vector.shape_cast %swap3A_252 : vector<16xi32> to vector<16xi32>
    %swap3A_254 = vector.shape_cast %select_n3A_250 : vector<16xi32> to vector<16xi32>
    tpu.vector_store %arg6[%swap3A_251], %swap3A_254 {strides = array<i32>} : memref<8192xi32, #tpu.memory_space<vmem>>, vector<16xi32>,
    %dma_start3A_255 = arith.constant 192 : i32
    %dma_start3A_256 = tpu.memref_slice %arg6[%dma_start3A_255] : memref<8192xi32, #tpu.memory_space<vmem>> -> memref<64xi32, #tpu.memory_space<vmem>>
    %dma_start3A_257 = arith.constant 0 : i32
    %dma_start3A_258 = arith.constant 0 : i32
    %dma_start3A_259 = tpu.memref_slice %arg2[%dma_start3A_257, %dma_start3A_258] : memref<262144x128xf32, #tpu.memory_space<hbm>> -> memref<262144x128xf32, #tpu.memory_space<hbm>>
    tpu.enqueue_indirect_dma source(%dma_start3A_259 : memref<262144x128xf32, #tpu.memory_space<hbm>>) target(%arg11 : memref<64x128xf32, #tpu.memory_space<vmem>>) offsets(%dma_start3A_256 : memref<64xi32, #tpu.memory_space<vmem>>) semaphore(%arg19 : memref<!tpu.dma_semaphore, #tpu.memory_space<semaphore_mem>>)
    %dma_wait3A = arith.constant 0 : i32
    %dma_wait3A_260 = tpu.memref_slice %arg6[%dma_wait3A] : memref<8192xi32, #tpu.memory_space<vmem>> -> memref<64xi32, #tpu.memory_space<vmem>>
    %dma_wait3A_261 = arith.constant 0 : i32
    %dma_wait3A_262 = arith.constant 0 : i32
    %dma_wait3A_263 = tpu.memref_slice %arg2[%dma_wait3A_261, %dma_wait3A_262] : memref<262144x128xf32, #tpu.memory_space<hbm>> -> memref<262144x128xf32, #tpu.memory_space<hbm>>
    tpu.wait_indirect_dma semaphore(%arg16 : memref<!tpu.dma_semaphore, #tpu.memory_space<semaphore_mem>>) src(%dma_wait3A_263 : memref<262144x128xf32, #tpu.memory_space<hbm>>) dst(%arg8 : memref<64x128xf32, #tpu.memory_space<vmem>>)
    %add3A_264 = arith.constant 0 : i32
    %add3A_265 = arith.addi %mul3A_2, %add3A_264 : i32
    %dma_start3A_266 = arith.constant 0 : i32
    %dma_start3A_267 = tpu.memref_slice %arg5[%add3A_265, %dma_start3A_266] : memref<262144x128xf32, #tpu.memory_space<hbm>> -> memref<64x128xf32, #tpu.memory_space<hbm>>
    %dma_start3A_268 = arith.constant 0 : i32
    %dma_start3A_269 = tpu.memref_slice %arg5[%add3A_265, %dma_start3A_268] : memref<262144x128xf32, #tpu.memory_space<hbm>> -> memref<64x128xf32, #tpu.memory_space<hbm>>
    tpu.enqueue_dma source(%arg8 : memref<64x128xf32, #tpu.memory_space<vmem>>) target(%dma_start3A_269 : memref<64x128xf32, #tpu.memory_space<hbm>>) target_semaphore(%arg24 : memref<!tpu.dma_semaphore, #tpu.memory_space<semaphore_mem>>)
    %get3A_270 = arith.constant 256 : index
    %get3A_271 = tpu.vector_load %arg6[%get3A_270] {strides = array<i32>} : memref<8192xi32, #tpu.memory_space<vmem>>, vector<16xi32>,
    %get3A_272 = vector.shape_cast %get3A_271 : vector<16xi32> to vector<16xi32>
    %sub3A_273 = arith.subi %get3A_272, %get3A_4 : vector<16xi32>
    %lt3A_274 = arith.constant 0 : i32
    %lt3A_275 = vector.broadcast %lt3A_274 : i32 to vector<16xi32>
    %lt3A_276 = arith.cmpi slt, %sub3A_273, %lt3A_275 : vector<16xi32>
    %add3A_277 = arith.constant 262144 : i32
    %add3A_278 = vector.broadcast %add3A_277 : i32 to vector<16xi32>
    %add3A_279 = arith.addi %sub3A_273, %add3A_278 : vector<16xi32>
    %select_n3A_280 = arith.select %lt3A_276, %add3A_279, %sub3A_273 : vector<16xi1>, vector<16xi32>
    %swap3A_281 = arith.constant 256 : index
    %swap3A_282 = tpu.vector_load %arg6[%swap3A_281] {strides = array<i32>} : memref<8192xi32, #tpu.memory_space<vmem>>, vector<16xi32>,
    %swap3A_283 = vector.shape_cast %swap3A_282 : vector<16xi32> to vector<16xi32>
    %swap3A_284 = vector.shape_cast %select_n3A_280 : vector<16xi32> to vector<16xi32>
    tpu.vector_store %arg6[%swap3A_281], %swap3A_284 {strides = array<i32>} : memref<8192xi32, #tpu.memory_space<vmem>>, vector<16xi32>,
    %get3A_285 = arith.constant 272 : index
    %get3A_286 = tpu.vector_load %arg6[%get3A_285] {strides = array<i32>} : memref<8192xi32, #tpu.memory_space<vmem>>, vector<16xi32>,
    %get3A_287 = vector.shape_cast %get3A_286 : vector<16xi32> to vector<16xi32>
    %sub3A_288 = arith.subi %get3A_287, %get3A_4 : vector<16xi32>
    %lt3A_289 = arith.constant 0 : i32
    %lt3A_290 = vector.broadcast %lt3A_289 : i32 to vector<16xi32>
    %lt3A_291 = arith.cmpi slt, %sub3A_288, %lt3A_290 : vector<16xi32>
    %add3A_292 = arith.constant 262144 : i32
    %add3A_293 = vector.broadcast %add3A_292 : i32 to vector<16xi32>
    %add3A_294 = arith.addi %sub3A_288, %add3A_293 : vector<16xi32>
    %select_n3A_295 = arith.select %lt3A_291, %add3A_294, %sub3A_288 : vector<16xi1>, vector<16xi32>
    %swap3A_296 = arith.constant 272 : index
    %swap3A_297 = tpu.vector_load %arg6[%swap3A_296] {strides = array<i32>} : memref<8192xi32, #tpu.memory_space<vmem>>, vector<16xi32>,
    %swap3A_298 = vector.shape_cast %swap3A_297 : vector<16xi32> to vector<16xi32>
    %swap3A_299 = vector.shape_cast %select_n3A_295 : vector<16xi32> to vector<16xi32>
    tpu.vector_store %arg6[%swap3A_296], %swap3A_299 {strides = array<i32>} : memref<8192xi32, #tpu.memory_space<vmem>>, vector<16xi32>,
    %get3A_300 = arith.constant 288 : index
    %get3A_301 = tpu.vector_load %arg6[%get3A_300] {strides = array<i32>} : memref<8192xi32, #tpu.memory_space<vmem>>, vector<16xi32>,
    %get3A_302 = vector.shape_cast %get3A_301 : vector<16xi32> to vector<16xi32>
    %sub3A_303 = arith.subi %get3A_302, %get3A_4 : vector<16xi32>
    %lt3A_304 = arith.constant 0 : i32
    %lt3A_305 = vector.broadcast %lt3A_304 : i32 to vector<16xi32>
    %lt3A_306 = arith.cmpi slt, %sub3A_303, %lt3A_305 : vector<16xi32>
    %add3A_307 = arith.constant 262144 : i32
    %add3A_308 = vector.broadcast %add3A_307 : i32 to vector<16xi32>
    %add3A_309 = arith.addi %sub3A_303, %add3A_308 : vector<16xi32>
    %select_n3A_310 = arith.select %lt3A_306, %add3A_309, %sub3A_303 : vector<16xi1>, vector<16xi32>
    %swap3A_311 = arith.constant 288 : index
    %swap3A_312 = tpu.vector_load %arg6[%swap3A_311] {strides = array<i32>} : memref<8192xi32, #tpu.memory_space<vmem>>, vector<16xi32>,
    %swap3A_313 = vector.shape_cast %swap3A_312 : vector<16xi32> to vector<16xi32>
    %swap3A_314 = vector.shape_cast %select_n3A_310 : vector<16xi32> to vector<16xi32>
    tpu.vector_store %arg6[%swap3A_311], %swap3A_314 {strides = array<i32>} : memref<8192xi32, #tpu.memory_space<vmem>>, vector<16xi32>,
    %get3A_315 = arith.constant 304 : index
    %get3A_316 = tpu.vector_load %arg6[%get3A_315] {strides = array<i32>} : memref<8192xi32, #tpu.memory_space<vmem>>, vector<16xi32>,
    %get3A_317 = vector.shape_cast %get3A_316 : vector<16xi32> to vector<16xi32>
    %sub3A_318 = arith.subi %get3A_317, %get3A_4 : vector<16xi32>
    %lt3A_319 = arith.constant 0 : i32
    %lt3A_320 = vector.broadcast %lt3A_319 : i32 to vector<16xi32>
    %lt3A_321 = arith.cmpi slt, %sub3A_318, %lt3A_320 : vector<16xi32>
    %add3A_322 = arith.constant 262144 : i32
    %add3A_323 = vector.broadcast %add3A_322 : i32 to vector<16xi32>
    %add3A_324 = arith.addi %sub3A_318, %add3A_323 : vector<16xi32>
    %select_n3A_325 = arith.select %lt3A_321, %add3A_324, %sub3A_318 : vector<16xi1>, vector<16xi32>
    %swap3A_326 = arith.constant 304 : index
    %swap3A_327 = tpu.vector_load %arg6[%swap3A_326] {strides = array<i32>} : memref<8192xi32, #tpu.memory_space<vmem>>, vector<16xi32>,
    %swap3A_328 = vector.shape_cast %swap3A_327 : vector<16xi32> to vector<16xi32>
    %swap3A_329 = vector.shape_cast %select_n3A_325 : vector<16xi32> to vector<16xi32>
    tpu.vector_store %arg6[%swap3A_326], %swap3A_329 {strides = array<i32>} : memref<8192xi32, #tpu.memory_space<vmem>>, vector<16xi32>,
    %dma_start3A_330 = arith.constant 256 : i32
    %dma_start3A_331 = tpu.memref_slice %arg6[%dma_start3A_330] : memref<8192xi32, #tpu.memory_space<vmem>> -> memref<64xi32, #tpu.memory_space<vmem>>
    %dma_start3A_332 = arith.constant 0 : i32
    %dma_start3A_333 = arith.constant 0 : i32
    %dma_start3A_334 = tpu.memref_slice %arg2[%dma_start3A_332, %dma_start3A_333] : memref<262144x128xf32, #tpu.memory_space<hbm>> -> memref<262144x128xf32, #tpu.memory_space<hbm>>
    tpu.enqueue_indirect_dma source(%dma_start3A_334 : memref<262144x128xf32, #tpu.memory_space<hbm>>) target(%arg12 : memref<64x128xf32, #tpu.memory_space<vmem>>) offsets(%dma_start3A_331 : memref<64xi32, #tpu.memory_space<vmem>>) semaphore(%arg20 : memref<!tpu.dma_semaphore, #tpu.memory_space<semaphore_mem>>)
    %dma_wait3A_335 = arith.constant 64 : i32
    %dma_wait3A_336 = tpu.memref_slice %arg6[%dma_wait3A_335] : memref<8192xi32, #tpu.memory_space<vmem>> -> memref<64xi32, #tpu.memory_space<vmem>>
    %dma_wait3A_337 = arith.constant 0 : i32
    %dma_wait3A_338 = arith.constant 0 : i32
    %dma_wait3A_339 = tpu.memref_slice %arg2[%dma_wait3A_337, %dma_wait3A_338] : memref<262144x128xf32, #tpu.memory_space<hbm>> -> memref<262144x128xf32, #tpu.memory_space<hbm>>
    tpu.wait_indirect_dma semaphore(%arg17 : memref<!tpu.dma_semaphore, #tpu.memory_space<semaphore_mem>>) src(%dma_wait3A_339 : memref<262144x128xf32, #tpu.memory_space<hbm>>) dst(%arg9 : memref<64x128xf32, #tpu.memory_space<vmem>>)
    %add3A_340 = arith.constant 64 : i32
    %add3A_341 = arith.addi %mul3A_2, %add3A_340 : i32
    %dma_start3A_342 = arith.constant 0 : i32
    %dma_start3A_343 = tpu.memref_slice %arg5[%add3A_341, %dma_start3A_342] : memref<262144x128xf32, #tpu.memory_space<hbm>> -> memref<64x128xf32, #tpu.memory_space<hbm>>
    %dma_start3A_344 = arith.constant 0 : i32
    %dma_start3A_345 = tpu.memref_slice %arg5[%add3A_341, %dma_start3A_344] : memref<262144x128xf32, #tpu.memory_space<hbm>> -> memref<64x128xf32, #tpu.memory_space<hbm>>
    tpu.enqueue_dma source(%arg9 : memref<64x128xf32, #tpu.memory_space<vmem>>) target(%dma_start3A_345 : memref<64x128xf32, #tpu.memory_space<hbm>>) target_semaphore(%arg25 : memref<!tpu.dma_semaphore, #tpu.memory_space<semaphore_mem>>)
    %get3A_346 = arith.constant 320 : index
    %get3A_347 = tpu.vector_load %arg6[%get3A_346] {strides = array<i32>} : memref<8192xi32, #tpu.memory_space<vmem>>, vector<16xi32>,
    %get3A_348 = vector.shape_cast %get3A_347 : vector<16xi32> to vector<16xi32>
    %sub3A_349 = arith.subi %get3A_348, %get3A_4 : vector<16xi32>
    %lt3A_350 = arith.constant 0 : i32
    %lt3A_351 = vector.broadcast %lt3A_350 : i32 to vector<16xi32>
    %lt3A_352 = arith.cmpi slt, %sub3A_349, %lt3A_351 : vector<16xi32>
    %add3A_353 = arith.constant 262144 : i32
    %add3A_354 = vector.broadcast %add3A_353 : i32 to vector<16xi32>
    %add3A_355 = arith.addi %sub3A_349, %add3A_354 : vector<16xi32>
    %select_n3A_356 = arith.select %lt3A_352, %add3A_355, %sub3A_349 : vector<16xi1>, vector<16xi32>
    %swap3A_357 = arith.constant 320 : index
    %swap3A_358 = tpu.vector_load %arg6[%swap3A_357] {strides = array<i32>} : memref<8192xi32, #tpu.memory_space<vmem>>, vector<16xi32>,
    %swap3A_359 = vector.shape_cast %swap3A_358 : vector<16xi32> to vector<16xi32>
    %swap3A_360 = vector.shape_cast %select_n3A_356 : vector<16xi32> to vector<16xi32>
    tpu.vector_store %arg6[%swap3A_357], %swap3A_360 {strides = array<i32>} : memref<8192xi32, #tpu.memory_space<vmem>>, vector<16xi32>,
    %get3A_361 = arith.constant 336 : index
    %get3A_362 = tpu.vector_load %arg6[%get3A_361] {strides = array<i32>} : memref<8192xi32, #tpu.memory_space<vmem>>, vector<16xi32>,
    %get3A_363 = vector.shape_cast %get3A_362 : vector<16xi32> to vector<16xi32>
    %sub3A_364 = arith.subi %get3A_363, %get3A_4 : vector<16xi32>
    %lt3A_365 = arith.constant 0 : i32
    %lt3A_366 = vector.broadcast %lt3A_365 : i32 to vector<16xi32>
    %lt3A_367 = arith.cmpi slt, %sub3A_364, %lt3A_366 : vector<16xi32>
    %add3A_368 = arith.constant 262144 : i32
    %add3A_369 = vector.broadcast %add3A_368 : i32 to vector<16xi32>
    %add3A_370 = arith.addi %sub3A_364, %add3A_369 : vector<16xi32>
    %select_n3A_371 = arith.select %lt3A_367, %add3A_370, %sub3A_364 : vector<16xi1>, vector<16xi32>
    %swap3A_372 = arith.constant 336 : index
    %swap3A_373 = tpu.vector_load %arg6[%swap3A_372] {strides = array<i32>} : memref<8192xi32, #tpu.memory_space<vmem>>, vector<16xi32>,
    %swap3A_374 = vector.shape_cast %swap3A_373 : vector<16xi32> to vector<16xi32>
    %swap3A_375 = vector.shape_cast %select_n3A_371 : vector<16xi32> to vector<16xi32>
    tpu.vector_store %arg6[%swap3A_372], %swap3A_375 {strides = array<i32>} : memref<8192xi32, #tpu.memory_space<vmem>>, vector<16xi32>,
    %get3A_376 = arith.constant 352 : index
    %get3A_377 = tpu.vector_load %arg6[%get3A_376] {strides = array<i32>} : memref<8192xi32, #tpu.memory_space<vmem>>, vector<16xi32>,
    %get3A_378 = vector.shape_cast %get3A_377 : vector<16xi32> to vector<16xi32>
    %sub3A_379 = arith.subi %get3A_378, %get3A_4 : vector<16xi32>
    %lt3A_380 = arith.constant 0 : i32
    %lt3A_381 = vector.broadcast %lt3A_380 : i32 to vector<16xi32>
    %lt3A_382 = arith.cmpi slt, %sub3A_379, %lt3A_381 : vector<16xi32>
    %add3A_383 = arith.constant 262144 : i32
    %add3A_384 = vector.broadcast %add3A_383 : i32 to vector<16xi32>
    %add3A_385 = arith.addi %sub3A_379, %add3A_384 : vector<16xi32>
    %select_n3A_386 = arith.select %lt3A_382, %add3A_385, %sub3A_379 : vector<16xi1>, vector<16xi32>
    %swap3A_387 = arith.constant 352 : index
    %swap3A_388 = tpu.vector_load %arg6[%swap3A_387] {strides = array<i32>} : memref<8192xi32, #tpu.memory_space<vmem>>, vector<16xi32>,
    %swap3A_389 = vector.shape_cast %swap3A_388 : vector<16xi32> to vector<16xi32>
    %swap3A_390 = vector.shape_cast %select_n3A_386 : vector<16xi32> to vector<16xi32>
    tpu.vector_store %arg6[%swap3A_387], %swap3A_390 {strides = array<i32>} : memref<8192xi32, #tpu.memory_space<vmem>>, vector<16xi32>,
    %get3A_391 = arith.constant 368 : index
    %get3A_392 = tpu.vector_load %arg6[%get3A_391] {strides = array<i32>} : memref<8192xi32, #tpu.memory_space<vmem>>, vector<16xi32>,
    %get3A_393 = vector.shape_cast %get3A_392 : vector<16xi32> to vector<16xi32>
    %sub3A_394 = arith.subi %get3A_393, %get3A_4 : vector<16xi32>
    %lt3A_395 = arith.constant 0 : i32
    %lt3A_396 = vector.broadcast %lt3A_395 : i32 to vector<16xi32>
    %lt3A_397 = arith.cmpi slt, %sub3A_394, %lt3A_396 : vector<16xi32>
    %add3A_398 = arith.constant 262144 : i32
    %add3A_399 = vector.broadcast %add3A_398 : i32 to vector<16xi32>
    %add3A_400 = arith.addi %sub3A_394, %add3A_399 : vector<16xi32>
    %select_n3A_401 = arith.select %lt3A_397, %add3A_400, %sub3A_394 : vector<16xi1>, vector<16xi32>
    %swap3A_402 = arith.constant 368 : index
    %swap3A_403 = tpu.vector_load %arg6[%swap3A_402] {strides = array<i32>} : memref<8192xi32, #tpu.memory_space<vmem>>, vector<16xi32>,
    %swap3A_404 = vector.shape_cast %swap3A_403 : vector<16xi32> to vector<16xi32>
    %swap3A_405 = vector.shape_cast %select_n3A_401 : vector<16xi32> to vector<16xi32>
    tpu.vector_store %arg6[%swap3A_402], %swap3A_405 {strides = array<i32>} : memref<8192xi32, #tpu.memory_space<vmem>>, vector<16xi32>,
    %dma_start3A_406 = arith.constant 320 : i32
    %dma_start3A_407 = tpu.memref_slice %arg6[%dma_start3A_406] : memref<8192xi32, #tpu.memory_space<vmem>> -> memref<64xi32, #tpu.memory_space<vmem>>
    %dma_start3A_408 = arith.constant 0 : i32
    %dma_start3A_409 = arith.constant 0 : i32
    %dma_start3A_410 = tpu.memref_slice %arg2[%dma_start3A_408, %dma_start3A_409] : memref<262144x128xf32, #tpu.memory_space<hbm>> -> memref<262144x128xf32, #tpu.memory_space<hbm>>
    tpu.enqueue_indirect_dma source(%dma_start3A_410 : memref<262144x128xf32, #tpu.memory_space<hbm>>) target(%arg13 : memref<64x128xf32, #tpu.memory_space<vmem>>) offsets(%dma_start3A_407 : memref<64xi32, #tpu.memory_space<vmem>>) semaphore(%arg21 : memref<!tpu.dma_semaphore, #tpu.memory_space<semaphore_mem>>)
    %dma_wait3A_411 = arith.constant 128 : i32
    %dma_wait3A_412 = tpu.memref_slice %arg6[%dma_wait3A_411] : memref<8192xi32, #tpu.memory_space<vmem>> -> memref<64xi32, #tpu.memory_space<vmem>>
    %dma_wait3A_413 = arith.constant 0 : i32
    %dma_wait3A_414 = arith.constant 0 : i32
    %dma_wait3A_415 = tpu.memref_slice %arg2[%dma_wait3A_413, %dma_wait3A_414] : memref<262144x128xf32, #tpu.memory_space<hbm>> -> memref<262144x128xf32, #tpu.memory_space<hbm>>
    tpu.wait_indirect_dma semaphore(%arg18 : memref<!tpu.dma_semaphore, #tpu.memory_space<semaphore_mem>>) src(%dma_wait3A_415 : memref<262144x128xf32, #tpu.memory_space<hbm>>) dst(%arg10 : memref<64x128xf32, #tpu.memory_space<vmem>>)
    %add3A_416 = arith.constant 128 : i32
    %add3A_417 = arith.addi %mul3A_2, %add3A_416 : i32
    %dma_start3A_418 = arith.constant 0 : i32
    %dma_start3A_419 = tpu.memref_slice %arg5[%add3A_417, %dma_start3A_418] : memref<262144x128xf32, #tpu.memory_space<hbm>> -> memref<64x128xf32, #tpu.memory_space<hbm>>
    %dma_start3A_420 = arith.constant 0 : i32
    %dma_start3A_421 = tpu.memref_slice %arg5[%add3A_417, %dma_start3A_420] : memref<262144x128xf32, #tpu.memory_space<hbm>> -> memref<64x128xf32, #tpu.memory_space<hbm>>
    tpu.enqueue_dma source(%arg10 : memref<64x128xf32, #tpu.memory_space<vmem>>) target(%dma_start3A_421 : memref<64x128xf32, #tpu.memory_space<hbm>>) target_semaphore(%arg26 : memref<!tpu.dma_semaphore, #tpu.memory_space<semaphore_mem>>)
    %get3A_422 = arith.constant 384 : index
    %get3A_423 = tpu.vector_load %arg6[%get3A_422] {strides = array<i32>} : memref<8192xi32, #tpu.memory_space<vmem>>, vector<16xi32>,
    %get3A_424 = vector.shape_cast %get3A_423 : vector<16xi32> to vector<16xi32>
    %sub3A_425 = arith.subi %get3A_424, %get3A_4 : vector<16xi32>
    %lt3A_426 = arith.constant 0 : i32
    %lt3A_427 = vector.broadcast %lt3A_426 : i32 to vector<16xi32>
    %lt3A_428 = arith.cmpi slt, %sub3A_425, %lt3A_427 : vector<16xi32>
    %add3A_429 = arith.constant 262144 : i32
    %add3A_430 = vector.broadcast %add3A_429 : i32 to vector<16xi32>
    %add3A_431 = arith.addi %sub3A_425, %add3A_430 : vector<16xi32>
    %select_n3A_432 = arith.select %lt3A_428, %add3A_431, %sub3A_425 : vector<16xi1>, vector<16xi32>
    %swap3A_433 = arith.constant 384 : index
    %swap3A_434 = tpu.vector_load %arg6[%swap3A_433] {strides = array<i32>} : memref<8192xi32, #tpu.memory_space<vmem>>, vector<16xi32>,
    %swap3A_435 = vector.shape_cast %swap3A_434 : vector<16xi32> to vector<16xi32>
    %swap3A_436 = vector.shape_cast %select_n3A_432 : vector<16xi32> to vector<16xi32>
    tpu.vector_store %arg6[%swap3A_433], %swap3A_436 {strides = array<i32>} : memref<8192xi32, #tpu.memory_space<vmem>>, vector<16xi32>,
    %get3A_437 = arith.constant 400 : index
    %get3A_438 = tpu.vector_load %arg6[%get3A_437] {strides = array<i32>} : memref<8192xi32, #tpu.memory_space<vmem>>, vector<16xi32>,
    %get3A_439 = vector.shape_cast %get3A_438 : vector<16xi32> to vector<16xi32>
    %sub3A_440 = arith.subi %get3A_439, %get3A_4 : vector<16xi32>
    %lt3A_441 = arith.constant 0 : i32
    %lt3A_442 = vector.broadcast %lt3A_441 : i32 to vector<16xi32>
    %lt3A_443 = arith.cmpi slt, %sub3A_440, %lt3A_442 : vector<16xi32>
    %add3A_444 = arith.constant 262144 : i32
    %add3A_445 = vector.broadcast %add3A_444 : i32 to vector<16xi32>
    %add3A_446 = arith.addi %sub3A_440, %add3A_445 : vector<16xi32>
    %select_n3A_447 = arith.select %lt3A_443, %add3A_446, %sub3A_440 : vector<16xi1>, vector<16xi32>
    %swap3A_448 = arith.constant 400 : index
    %swap3A_449 = tpu.vector_load %arg6[%swap3A_448] {strides = array<i32>} : memref<8192xi32, #tpu.memory_space<vmem>>, vector<16xi32>,
    %swap3A_450 = vector.shape_cast %swap3A_449 : vector<16xi32> to vector<16xi32>
    %swap3A_451 = vector.shape_cast %select_n3A_447 : vector<16xi32> to vector<16xi32>
    tpu.vector_store %arg6[%swap3A_448], %swap3A_451 {strides = array<i32>} : memref<8192xi32, #tpu.memory_space<vmem>>, vector<16xi32>,
    %get3A_452 = arith.constant 416 : index
    %get3A_453 = tpu.vector_load %arg6[%get3A_452] {strides = array<i32>} : memref<8192xi32, #tpu.memory_space<vmem>>, vector<16xi32>,
    %get3A_454 = vector.shape_cast %get3A_453 : vector<16xi32> to vector<16xi32>
    %sub3A_455 = arith.subi %get3A_454, %get3A_4 : vector<16xi32>
    %lt3A_456 = arith.constant 0 : i32
    %lt3A_457 = vector.broadcast %lt3A_456 : i32 to vector<16xi32>
    %lt3A_458 = arith.cmpi slt, %sub3A_455, %lt3A_457 : vector<16xi32>
    %add3A_459 = arith.constant 262144 : i32
    %add3A_460 = vector.broadcast %add3A_459 : i32 to vector<16xi32>
    %add3A_461 = arith.addi %sub3A_455, %add3A_460 : vector<16xi32>
    %select_n3A_462 = arith.select %lt3A_458, %add3A_461, %sub3A_455 : vector<16xi1>, vector<16xi32>
    %swap3A_463 = arith.constant 416 : index
    %swap3A_464 = tpu.vector_load %arg6[%swap3A_463] {strides = array<i32>} : memref<8192xi32, #tpu.memory_space<vmem>>, vector<16xi32>,
    %swap3A_465 = vector.shape_cast %swap3A_464 : vector<16xi32> to vector<16xi32>
    %swap3A_466 = vector.shape_cast %select_n3A_462 : vector<16xi32> to vector<16xi32>
    tpu.vector_store %arg6[%swap3A_463], %swap3A_466 {strides = array<i32>} : memref<8192xi32, #tpu.memory_space<vmem>>, vector<16xi32>,
    %get3A_467 = arith.constant 432 : index
    %get3A_468 = tpu.vector_load %arg6[%get3A_467] {strides = array<i32>} : memref<8192xi32, #tpu.memory_space<vmem>>, vector<16xi32>,
    %get3A_469 = vector.shape_cast %get3A_468 : vector<16xi32> to vector<16xi32>
    %sub3A_470 = arith.subi %get3A_469, %get3A_4 : vector<16xi32>
    %lt3A_471 = arith.constant 0 : i32
    %lt3A_472 = vector.broadcast %lt3A_471 : i32 to vector<16xi32>
    %lt3A_473 = arith.cmpi slt, %sub3A_470, %lt3A_472 : vector<16xi32>
    %add3A_474 = arith.constant 262144 : i32
    %add3A_475 = vector.broadcast %add3A_474 : i32 to vector<16xi32>
    %add3A_476 = arith.addi %sub3A_470, %add3A_475 : vector<16xi32>
    %select_n3A_477 = arith.select %lt3A_473, %add3A_476, %sub3A_470 : vector<16xi1>, vector<16xi32>
    %swap3A_478 = arith.constant 432 : index
    %swap3A_479 = tpu.vector_load %arg6[%swap3A_478] {strides = array<i32>} : memref<8192xi32, #tpu.memory_space<vmem>>, vector<16xi32>,
    %swap3A_480 = vector.shape_cast %swap3A_479 : vector<16xi32> to vector<16xi32>
    %swap3A_481 = vector.shape_cast %select_n3A_477 : vector<16xi32> to vector<16xi32>
    tpu.vector_store %arg6[%swap3A_478], %swap3A_481 {strides = array<i32>} : memref<8192xi32, #tpu.memory_space<vmem>>, vector<16xi32>,
    %dma_start3A_482 = arith.constant 384 : i32
    %dma_start3A_483 = tpu.memref_slice %arg6[%dma_start3A_482] : memref<8192xi32, #tpu.memory_space<vmem>> -> memref<64xi32, #tpu.memory_space<vmem>>
    %dma_start3A_484 = arith.constant 0 : i32
    %dma_start3A_485 = arith.constant 0 : i32
    %dma_start3A_486 = tpu.memref_slice %arg2[%dma_start3A_484, %dma_start3A_485] : memref<262144x128xf32, #tpu.memory_space<hbm>> -> memref<262144x128xf32, #tpu.memory_space<hbm>>
    tpu.enqueue_indirect_dma source(%dma_start3A_486 : memref<262144x128xf32, #tpu.memory_space<hbm>>) target(%arg14 : memref<64x128xf32, #tpu.memory_space<vmem>>) offsets(%dma_start3A_483 : memref<64xi32, #tpu.memory_space<vmem>>) semaphore(%arg22 : memref<!tpu.dma_semaphore, #tpu.memory_space<semaphore_mem>>)
    %dma_wait3A_487 = arith.constant 192 : i32
    %dma_wait3A_488 = tpu.memref_slice %arg6[%dma_wait3A_487] : memref<8192xi32, #tpu.memory_space<vmem>> -> memref<64xi32, #tpu.memory_space<vmem>>
    %dma_wait3A_489 = arith.constant 0 : i32
    %dma_wait3A_490 = arith.constant 0 : i32
    %dma_wait3A_491 = tpu.memref_slice %arg2[%dma_wait3A_489, %dma_wait3A_490] : memref<262144x128xf32, #tpu.memory_space<hbm>> -> memref<262144x128xf32, #tpu.memory_space<hbm>>
    tpu.wait_indirect_dma semaphore(%arg19 : memref<!tpu.dma_semaphore, #tpu.memory_space<semaphore_mem>>) src(%dma_wait3A_491 : memref<262144x128xf32, #tpu.memory_space<hbm>>) dst(%arg11 : memref<64x128xf32, #tpu.memory_space<vmem>>)
    %add3A_492 = arith.constant 192 : i32
    %add3A_493 = arith.addi %mul3A_2, %add3A_492 : i32
    %dma_start3A_494 = arith.constant 0 : i32
    %dma_start3A_495 = tpu.memref_slice %arg5[%add3A_493, %dma_start3A_494] : memref<262144x128xf32, #tpu.memory_space<hbm>> -> memref<64x128xf32, #tpu.memory_space<hbm>>
    %dma_start3A_496 = arith.constant 0 : i32
    %dma_start3A_497 = tpu.memref_slice %arg5[%add3A_493, %dma_start3A_496] : memref<262144x128xf32, #tpu.memory_space<hbm>> -> memref<64x128xf32, #tpu.memory_space<hbm>>
    tpu.enqueue_dma source(%arg11 : memref<64x128xf32, #tpu.memory_space<vmem>>) target(%dma_start3A_497 : memref<64x128xf32, #tpu.memory_space<hbm>>) target_semaphore(%arg27 : memref<!tpu.dma_semaphore, #tpu.memory_space<semaphore_mem>>)
    %get3A_498 = arith.constant 448 : index
    %get3A_499 = tpu.vector_load %arg6[%get3A_498] {strides = array<i32>} : memref<8192xi32, #tpu.memory_space<vmem>>, vector<16xi32>,
    %get3A_500 = vector.shape_cast %get3A_499 : vector<16xi32> to vector<16xi32>
    %sub3A_501 = arith.subi %get3A_500, %get3A_4 : vector<16xi32>
    %lt3A_502 = arith.constant 0 : i32
    %lt3A_503 = vector.broadcast %lt3A_502 : i32 to vector<16xi32>
    %lt3A_504 = arith.cmpi slt, %sub3A_501, %lt3A_503 : vector<16xi32>
    %add3A_505 = arith.constant 262144 : i32
    %add3A_506 = vector.broadcast %add3A_505 : i32 to vector<16xi32>
    %add3A_507 = arith.addi %sub3A_501, %add3A_506 : vector<16xi32>
    %select_n3A_508 = arith.select %lt3A_504, %add3A_507, %sub3A_501 : vector<16xi1>, vector<16xi32>
    %swap3A_509 = arith.constant 448 : index
    %swap3A_510 = tpu.vector_load %arg6[%swap3A_509] {strides = array<i32>} : memref<8192xi32, #tpu.memory_space<vmem>>, vector<16xi32>,
    %swap3A_511 = vector.shape_cast %swap3A_510 : vector<16xi32> to vector<16xi32>
    %swap3A_512 = vector.shape_cast %select_n3A_508 : vector<16xi32> to vector<16xi32>
    tpu.vector_store %arg6[%swap3A_509], %swap3A_512 {strides = array<i32>} : memref<8192xi32, #tpu.memory_space<vmem>>, vector<16xi32>,
    %get3A_513 = arith.constant 464 : index
    %get3A_514 = tpu.vector_load %arg6[%get3A_513] {strides = array<i32>} : memref<8192xi32, #tpu.memory_space<vmem>>, vector<16xi32>,
    %get3A_515 = vector.shape_cast %get3A_514 : vector<16xi32> to vector<16xi32>
    %sub3A_516 = arith.subi %get3A_515, %get3A_4 : vector<16xi32>
    %lt3A_517 = arith.constant 0 : i32
    %lt3A_518 = vector.broadcast %lt3A_517 : i32 to vector<16xi32>
    %lt3A_519 = arith.cmpi slt, %sub3A_516, %lt3A_518 : vector<16xi32>
    %add3A_520 = arith.constant 262144 : i32
    %add3A_521 = vector.broadcast %add3A_520 : i32 to vector<16xi32>
    %add3A_522 = arith.addi %sub3A_516, %add3A_521 : vector<16xi32>
    %select_n3A_523 = arith.select %lt3A_519, %add3A_522, %sub3A_516 : vector<16xi1>, vector<16xi32>
    %swap3A_524 = arith.constant 464 : index
    %swap3A_525 = tpu.vector_load %arg6[%swap3A_524] {strides = array<i32>} : memref<8192xi32, #tpu.memory_space<vmem>>, vector<16xi32>,
    %swap3A_526 = vector.shape_cast %swap3A_525 : vector<16xi32> to vector<16xi32>
    %swap3A_527 = vector.shape_cast %select_n3A_523 : vector<16xi32> to vector<16xi32>
    tpu.vector_store %arg6[%swap3A_524], %swap3A_527 {strides = array<i32>} : memref<8192xi32, #tpu.memory_space<vmem>>, vector<16xi32>,
    %get3A_528 = arith.constant 480 : index
    %get3A_529 = tpu.vector_load %arg6[%get3A_528] {strides = array<i32>} : memref<8192xi32, #tpu.memory_space<vmem>>, vector<16xi32>,
    %get3A_530 = vector.shape_cast %get3A_529 : vector<16xi32> to vector<16xi32>
    %sub3A_531 = arith.subi %get3A_530, %get3A_4 : vector<16xi32>
    %lt3A_532 = arith.constant 0 : i32
    %lt3A_533 = vector.broadcast %lt3A_532 : i32 to vector<16xi32>
    %lt3A_534 = arith.cmpi slt, %sub3A_531, %lt3A_533 : vector<16xi32>
    %add3A_535 = arith.constant 262144 : i32
    %add3A_536 = vector.broadcast %add3A_535 : i32 to vector<16xi32>
    %add3A_537 = arith.addi %sub3A_531, %add3A_536 : vector<16xi32>
    %select_n3A_538 = arith.select %lt3A_534, %add3A_537, %sub3A_531 : vector<16xi1>, vector<16xi32>
    %swap3A_539 = arith.constant 480 : index
    %swap3A_540 = tpu.vector_load %arg6[%swap3A_539] {strides = array<i32>} : memref<8192xi32, #tpu.memory_space<vmem>>, vector<16xi32>,
    %swap3A_541 = vector.shape_cast %swap3A_540 : vector<16xi32> to vector<16xi32>
    %swap3A_542 = vector.shape_cast %select_n3A_538 : vector<16xi32> to vector<16xi32>
    tpu.vector_store %arg6[%swap3A_539], %swap3A_542 {strides = array<i32>} : memref<8192xi32, #tpu.memory_space<vmem>>, vector<16xi32>,
    %get3A_543 = arith.constant 496 : index
    %get3A_544 = tpu.vector_load %arg6[%get3A_543] {strides = array<i32>} : memref<8192xi32, #tpu.memory_space<vmem>>, vector<16xi32>,
    %get3A_545 = vector.shape_cast %get3A_544 : vector<16xi32> to vector<16xi32>
    %sub3A_546 = arith.subi %get3A_545, %get3A_4 : vector<16xi32>
    %lt3A_547 = arith.constant 0 : i32
    %lt3A_548 = vector.broadcast %lt3A_547 : i32 to vector<16xi32>
    %lt3A_549 = arith.cmpi slt, %sub3A_546, %lt3A_548 : vector<16xi32>
    %add3A_550 = arith.constant 262144 : i32
    %add3A_551 = vector.broadcast %add3A_550 : i32 to vector<16xi32>
    %add3A_552 = arith.addi %sub3A_546, %add3A_551 : vector<16xi32>
    %select_n3A_553 = arith.select %lt3A_549, %add3A_552, %sub3A_546 : vector<16xi1>, vector<16xi32>
    %swap3A_554 = arith.constant 496 : index
    %swap3A_555 = tpu.vector_load %arg6[%swap3A_554] {strides = array<i32>} : memref<8192xi32, #tpu.memory_space<vmem>>, vector<16xi32>,
    %swap3A_556 = vector.shape_cast %swap3A_555 : vector<16xi32> to vector<16xi32>
    %swap3A_557 = vector.shape_cast %select_n3A_553 : vector<16xi32> to vector<16xi32>
    tpu.vector_store %arg6[%swap3A_554], %swap3A_557 {strides = array<i32>} : memref<8192xi32, #tpu.memory_space<vmem>>, vector<16xi32>,
    %dma_start3A_558 = arith.constant 448 : i32
    %dma_start3A_559 = tpu.memref_slice %arg6[%dma_start3A_558] : memref<8192xi32, #tpu.memory_space<vmem>> -> memref<64xi32, #tpu.memory_space<vmem>>
    %dma_start3A_560 = arith.constant 0 : i32
    %dma_start3A_561 = arith.constant 0 : i32
    %dma_start3A_562 = tpu.memref_slice %arg2[%dma_start3A_560, %dma_start3A_561] : memref<262144x128xf32, #tpu.memory_space<hbm>> -> memref<262144x128xf32, #tpu.memory_space<hbm>>
    tpu.enqueue_indirect_dma source(%dma_start3A_562 : memref<262144x128xf32, #tpu.memory_space<hbm>>) target(%arg15 : memref<64x128xf32, #tpu.memory_space<vmem>>) offsets(%dma_start3A_559 : memref<64xi32, #tpu.memory_space<vmem>>) semaphore(%arg23 : memref<!tpu.dma_semaphore, #tpu.memory_space<semaphore_mem>>)
    %scan3A = arith.constant 0 : i32
    %scan3A_563 = arith.constant 0 : i32
    %scan3A_564 = arith.constant 15 : i32
    %scan3A_565 = arith.addi %scan3A_563, %scan3A_564 : i32
    %scan3A_566 = arith.constant 1 : i32
    scf.for %scan3A_660 = %scan3A_563 to %scan3A_565 step %scan3A_566  : i32 {
      %mul3A_661 = arith.constant 8 : i32
      %mul3A_662 = arith.muli %scan3A_660, %mul3A_661 : i32
      %add3A_663 = arith.constant 4 : i32
      %add3A_664 = arith.addi %add3A_663, %mul3A_662 : i32
      %add3A_665 = arith.constant 0 : i32
      %add3A_666 = arith.addi %add3A_664, %add3A_665 : i32
      %mul3A_667 = arith.constant 64 : i32
      %mul3A_668 = arith.muli %add3A_666, %mul3A_667 : i32
      %dma_wait3A_669 = tpu.memref_slice %arg6[%mul3A_668] : memref<8192xi32, #tpu.memory_space<vmem>> -> memref<64xi32, #tpu.memory_space<vmem>>
      %dma_wait3A_670 = arith.constant 0 : i32
      %dma_wait3A_671 = arith.constant 0 : i32
      %dma_wait3A_672 = tpu.memref_slice %arg2[%dma_wait3A_670, %dma_wait3A_671] : memref<262144x128xf32, #tpu.memory_space<hbm>> -> memref<262144x128xf32, #tpu.memory_space<hbm>>
      tpu.wait_indirect_dma semaphore(%arg20 : memref<!tpu.dma_semaphore, #tpu.memory_space<semaphore_mem>>) src(%dma_wait3A_672 : memref<262144x128xf32, #tpu.memory_space<hbm>>) dst(%arg12 : memref<64x128xf32, #tpu.memory_space<vmem>>)
      %mul3A_673 = arith.constant 64 : i32
      %mul3A_674 = arith.muli %add3A_666, %mul3A_673 : i32
      %add3A_675 = arith.addi %mul3A_2, %mul3A_674 : i32
      %dma_start3A_676 = arith.constant 0 : i32
      %dma_start3A_677 = tpu.memref_slice %arg5[%add3A_675, %dma_start3A_676] : memref<262144x128xf32, #tpu.memory_space<hbm>> -> memref<64x128xf32, #tpu.memory_space<hbm>>
      %dma_start3A_678 = arith.constant 0 : i32
      %dma_start3A_679 = tpu.memref_slice %arg5[%add3A_675, %dma_start3A_678] : memref<262144x128xf32, #tpu.memory_space<hbm>> -> memref<64x128xf32, #tpu.memory_space<hbm>>
      tpu.enqueue_dma source(%arg12 : memref<64x128xf32, #tpu.memory_space<vmem>>) target(%dma_start3A_679 : memref<64x128xf32, #tpu.memory_space<hbm>>) target_semaphore(%arg28 : memref<!tpu.dma_semaphore, #tpu.memory_space<semaphore_mem>>)
      %add3A_680 = arith.constant 4 : i32
      %add3A_681 = arith.addi %add3A_666, %add3A_680 : i32
      %mul3A_682 = arith.constant 64 : i32
      %mul3A_683 = arith.muli %add3A_681, %mul3A_682 : i32
      %add3A_684 = arith.constant 0 : i32
      %add3A_685 = arith.addi %mul3A_683, %add3A_684 : i32
      %get3A_686 = arith.index_cast %add3A_685 : i32 to index
      %get3A_687 = tpu.vector_load %arg6[%get3A_686] {strides = array<i32>} : memref<8192xi32, #tpu.memory_space<vmem>>, vector<16xi32>,
      %get3A_688 = vector.shape_cast %get3A_687 : vector<16xi32> to vector<16xi32>
      %sub3A_689 = arith.subi %get3A_688, %get3A_4 : vector<16xi32>
      %lt3A_690 = arith.constant 0 : i32
      %lt3A_691 = vector.broadcast %lt3A_690 : i32 to vector<16xi32>
      %lt3A_692 = arith.cmpi slt, %sub3A_689, %lt3A_691 : vector<16xi32>
      %add3A_693 = arith.constant 262144 : i32
      %add3A_694 = vector.broadcast %add3A_693 : i32 to vector<16xi32>
      %add3A_695 = arith.addi %sub3A_689, %add3A_694 : vector<16xi32>
      %select_n3A_696 = arith.select %lt3A_692, %add3A_695, %sub3A_689 : vector<16xi1>, vector<16xi32>
      %swap3A_697 = arith.index_cast %add3A_685 : i32 to index
      %swap3A_698 = tpu.vector_load %arg6[%swap3A_697] {strides = array<i32>} : memref<8192xi32, #tpu.memory_space<vmem>>, vector<16xi32>,
      %swap3A_699 = vector.shape_cast %swap3A_698 : vector<16xi32> to vector<16xi32>
      %swap3A_700 = vector.shape_cast %select_n3A_696 : vector<16xi32> to vector<16xi32>
      tpu.vector_store %arg6[%swap3A_697], %swap3A_700 {strides = array<i32>} : memref<8192xi32, #tpu.memory_space<vmem>>, vector<16xi32>,
      %mul3A_701 = arith.constant 64 : i32
      %mul3A_702 = arith.muli %add3A_681, %mul3A_701 : i32
      %add3A_703 = arith.constant 16 : i32
      %add3A_704 = arith.addi %mul3A_702, %add3A_703 : i32
      %get3A_705 = arith.index_cast %add3A_704 : i32 to index
      %get3A_706 = tpu.vector_load %arg6[%get3A_705] {strides = array<i32>} : memref<8192xi32, #tpu.memory_space<vmem>>, vector<16xi32>,
      %get3A_707 = vector.shape_cast %get3A_706 : vector<16xi32> to vector<16xi32>
      %sub3A_708 = arith.subi %get3A_707, %get3A_4 : vector<16xi32>
      %lt3A_709 = arith.constant 0 : i32
      %lt3A_710 = vector.broadcast %lt3A_709 : i32 to vector<16xi32>
      %lt3A_711 = arith.cmpi slt, %sub3A_708, %lt3A_710 : vector<16xi32>
      %add3A_712 = arith.constant 262144 : i32
      %add3A_713 = vector.broadcast %add3A_712 : i32 to vector<16xi32>
      %add3A_714 = arith.addi %sub3A_708, %add3A_713 : vector<16xi32>
      %select_n3A_715 = arith.select %lt3A_711, %add3A_714, %sub3A_708 : vector<16xi1>, vector<16xi32>
      %swap3A_716 = arith.index_cast %add3A_704 : i32 to index
      %swap3A_717 = tpu.vector_load %arg6[%swap3A_716] {strides = array<i32>} : memref<8192xi32, #tpu.memory_space<vmem>>, vector<16xi32>,
      %swap3A_718 = vector.shape_cast %swap3A_717 : vector<16xi32> to vector<16xi32>
      %swap3A_719 = vector.shape_cast %select_n3A_715 : vector<16xi32> to vector<16xi32>
      tpu.vector_store %arg6[%swap3A_716], %swap3A_719 {strides = array<i32>} : memref<8192xi32, #tpu.memory_space<vmem>>, vector<16xi32>,
      %mul3A_720 = arith.constant 64 : i32
      %mul3A_721 = arith.muli %add3A_681, %mul3A_720 : i32
      %add3A_722 = arith.constant 32 : i32
      %add3A_723 = arith.addi %mul3A_721, %add3A_722 : i32
      %get3A_724 = arith.index_cast %add3A_723 : i32 to index
      %get3A_725 = tpu.vector_load %arg6[%get3A_724] {strides = array<i32>} : memref<8192xi32, #tpu.memory_space<vmem>>, vector<16xi32>,
      %get3A_726 = vector.shape_cast %get3A_725 : vector<16xi32> to vector<16xi32>
      %sub3A_727 = arith.subi %get3A_726, %get3A_4 : vector<16xi32>
      %lt3A_728 = arith.constant 0 : i32
      %lt3A_729 = vector.broadcast %lt3A_728 : i32 to vector<16xi32>
      %lt3A_730 = arith.cmpi slt, %sub3A_727, %lt3A_729 : vector<16xi32>
      %add3A_731 = arith.constant 262144 : i32
      %add3A_732 = vector.broadcast %add3A_731 : i32 to vector<16xi32>
      %add3A_733 = arith.addi %sub3A_727, %add3A_732 : vector<16xi32>
      %select_n3A_734 = arith.select %lt3A_730, %add3A_733, %sub3A_727 : vector<16xi1>, vector<16xi32>
      %swap3A_735 = arith.index_cast %add3A_723 : i32 to index
      %swap3A_736 = tpu.vector_load %arg6[%swap3A_735] {strides = array<i32>} : memref<8192xi32, #tpu.memory_space<vmem>>, vector<16xi32>,
      %swap3A_737 = vector.shape_cast %swap3A_736 : vector<16xi32> to vector<16xi32>
      %swap3A_738 = vector.shape_cast %select_n3A_734 : vector<16xi32> to vector<16xi32>
      tpu.vector_store %arg6[%swap3A_735], %swap3A_738 {strides = array<i32>} : memref<8192xi32, #tpu.memory_space<vmem>>, vector<16xi32>,
      %mul3A_739 = arith.constant 64 : i32
      %mul3A_740 = arith.muli %add3A_681, %mul3A_739 : i32
      %add3A_741 = arith.constant 48 : i32
      %add3A_742 = arith.addi %mul3A_740, %add3A_741 : i32
      %get3A_743 = arith.index_cast %add3A_742 : i32 to index
      %get3A_744 = tpu.vector_load %arg6[%get3A_743] {strides = array<i32>} : memref<8192xi32, #tpu.memory_space<vmem>>, vector<16xi32>,
      %get3A_745 = vector.shape_cast %get3A_744 : vector<16xi32> to vector<16xi32>
      %sub3A_746 = arith.subi %get3A_745, %get3A_4 : vector<16xi32>
      %lt3A_747 = arith.constant 0 : i32
      %lt3A_748 = vector.broadcast %lt3A_747 : i32 to vector<16xi32>
      %lt3A_749 = arith.cmpi slt, %sub3A_746, %lt3A_748 : vector<16xi32>
      %add3A_750 = arith.constant 262144 : i32
      %add3A_751 = vector.broadcast %add3A_750 : i32 to vector<16xi32>
      %add3A_752 = arith.addi %sub3A_746, %add3A_751 : vector<16xi32>
      %select_n3A_753 = arith.select %lt3A_749, %add3A_752, %sub3A_746 : vector<16xi1>, vector<16xi32>
      %swap3A_754 = arith.index_cast %add3A_742 : i32 to index
      %swap3A_755 = tpu.vector_load %arg6[%swap3A_754] {strides = array<i32>} : memref<8192xi32, #tpu.memory_space<vmem>>, vector<16xi32>,
      %swap3A_756 = vector.shape_cast %swap3A_755 : vector<16xi32> to vector<16xi32>
      %swap3A_757 = vector.shape_cast %select_n3A_753 : vector<16xi32> to vector<16xi32>
      tpu.vector_store %arg6[%swap3A_754], %swap3A_757 {strides = array<i32>} : memref<8192xi32, #tpu.memory_space<vmem>>, vector<16xi32>,
      %add3A_758 = arith.constant 4 : i32
      %add3A_759 = arith.addi %add3A_666, %add3A_758 : i32
      %sub3A_760 = arith.constant 8 : i32
      %sub3A_761 = arith.subi %add3A_759, %sub3A_760 : i32
      %mul3A_762 = arith.constant 64 : i32
      %mul3A_763 = arith.muli %sub3A_761, %mul3A_762 : i32
      %add3A_764 = arith.addi %mul3A_2, %mul3A_763 : i32
      %dma_wait3A_765 = arith.constant 0 : i32
      %dma_wait3A_766 = tpu.memref_slice %arg5[%add3A_764, %dma_wait3A_765] : memref<262144x128xf32, #tpu.memory_space<hbm>> -> memref<64x128xf32, #tpu.memory_space<hbm>>
      %dma_wait3A_767 = arith.constant 0 : i32
      %dma_wait3A_768 = tpu.memref_slice %arg5[%add3A_764, %dma_wait3A_767] : memref<262144x128xf32, #tpu.memory_space<hbm>> -> memref<64x128xf32, #tpu.memory_space<hbm>>
      tpu.wait_dma2 semaphore(%arg24 : memref<!tpu.dma_semaphore, #tpu.memory_space<semaphore_mem>>) src(%arg8 : memref<64x128xf32, #tpu.memory_space<vmem>>) dst(%dma_wait3A_768 : memref<64x128xf32, #tpu.memory_space<hbm>>)
      %add3A_769 = arith.constant 4 : i32
      %add3A_770 = arith.addi %add3A_666, %add3A_769 : i32
      %mul3A_771 = arith.constant 64 : i32
      %mul3A_772 = arith.muli %add3A_770, %mul3A_771 : i32
      %dma_start3A_773 = tpu.memref_slice %arg6[%mul3A_772] : memref<8192xi32, #tpu.memory_space<vmem>> -> memref<64xi32, #tpu.memory_space<vmem>>
      %dma_start3A_774 = arith.constant 0 : i32
      %dma_start3A_775 = arith.constant 0 : i32
      %dma_start3A_776 = tpu.memref_slice %arg2[%dma_start3A_774, %dma_start3A_775] : memref<262144x128xf32, #tpu.memory_space<hbm>> -> memref<262144x128xf32, #tpu.memory_space<hbm>>
      tpu.enqueue_indirect_dma source(%dma_start3A_776 : memref<262144x128xf32, #tpu.memory_space<hbm>>) target(%arg8 : memref<64x128xf32, #tpu.memory_space<vmem>>) offsets(%dma_start3A_773 : memref<64xi32, #tpu.memory_space<vmem>>) semaphore(%arg16 : memref<!tpu.dma_semaphore, #tpu.memory_space<semaphore_mem>>)
      %mul3A_777 = arith.constant 8 : i32
      %mul3A_778 = arith.muli %scan3A_660, %mul3A_777 : i32
      %add3A_779 = arith.constant 4 : i32
      %add3A_780 = arith.addi %add3A_779, %mul3A_778 : i32
      %add3A_781 = arith.constant 1 : i32
      %add3A_782 = arith.addi %add3A_780, %add3A_781 : i32
      %mul3A_783 = arith.constant 64 : i32
      %mul3A_784 = arith.muli %add3A_782, %mul3A_783 : i32
      %dma_wait3A_785 = tpu.memref_slice %arg6[%mul3A_784] : memref<8192xi32, #tpu.memory_space<vmem>> -> memref<64xi32, #tpu.memory_space<vmem>>
      %dma_wait3A_786 = arith.constant 0 : i32
      %dma_wait3A_787 = arith.constant 0 : i32
      %dma_wait3A_788 = tpu.memref_slice %arg2[%dma_wait3A_786, %dma_wait3A_787] : memref<262144x128xf32, #tpu.memory_space<hbm>> -> memref<262144x128xf32, #tpu.memory_space<hbm>>
      tpu.wait_indirect_dma semaphore(%arg21 : memref<!tpu.dma_semaphore, #tpu.memory_space<semaphore_mem>>) src(%dma_wait3A_788 : memref<262144x128xf32, #tpu.memory_space<hbm>>) dst(%arg13 : memref<64x128xf32, #tpu.memory_space<vmem>>)
      %mul3A_789 = arith.constant 64 : i32
      %mul3A_790 = arith.muli %add3A_782, %mul3A_789 : i32
      %add3A_791 = arith.addi %mul3A_2, %mul3A_790 : i32
      %dma_start3A_792 = arith.constant 0 : i32
      %dma_start3A_793 = tpu.memref_slice %arg5[%add3A_791, %dma_start3A_792] : memref<262144x128xf32, #tpu.memory_space<hbm>> -> memref<64x128xf32, #tpu.memory_space<hbm>>
      %dma_start3A_794 = arith.constant 0 : i32
      %dma_start3A_795 = tpu.memref_slice %arg5[%add3A_791, %dma_start3A_794] : memref<262144x128xf32, #tpu.memory_space<hbm>> -> memref<64x128xf32, #tpu.memory_space<hbm>>
      tpu.enqueue_dma source(%arg13 : memref<64x128xf32, #tpu.memory_space<vmem>>) target(%dma_start3A_795 : memref<64x128xf32, #tpu.memory_space<hbm>>) target_semaphore(%arg29 : memref<!tpu.dma_semaphore, #tpu.memory_space<semaphore_mem>>)
      %add3A_796 = arith.constant 4 : i32
      %add3A_797 = arith.addi %add3A_782, %add3A_796 : i32
      %mul3A_798 = arith.constant 64 : i32
      %mul3A_799 = arith.muli %add3A_797, %mul3A_798 : i32
      %add3A_800 = arith.constant 0 : i32
      %add3A_801 = arith.addi %mul3A_799, %add3A_800 : i32
      %get3A_802 = arith.index_cast %add3A_801 : i32 to index
      %get3A_803 = tpu.vector_load %arg6[%get3A_802] {strides = array<i32>} : memref<8192xi32, #tpu.memory_space<vmem>>, vector<16xi32>,
      %get3A_804 = vector.shape_cast %get3A_803 : vector<16xi32> to vector<16xi32>
      %sub3A_805 = arith.subi %get3A_804, %get3A_4 : vector<16xi32>
      %lt3A_806 = arith.constant 0 : i32
      %lt3A_807 = vector.broadcast %lt3A_806 : i32 to vector<16xi32>
      %lt3A_808 = arith.cmpi slt, %sub3A_805, %lt3A_807 : vector<16xi32>
      %add3A_809 = arith.constant 262144 : i32
      %add3A_810 = vector.broadcast %add3A_809 : i32 to vector<16xi32>
      %add3A_811 = arith.addi %sub3A_805, %add3A_810 : vector<16xi32>
      %select_n3A_812 = arith.select %lt3A_808, %add3A_811, %sub3A_805 : vector<16xi1>, vector<16xi32>
      %swap3A_813 = arith.index_cast %add3A_801 : i32 to index
      %swap3A_814 = tpu.vector_load %arg6[%swap3A_813] {strides = array<i32>} : memref<8192xi32, #tpu.memory_space<vmem>>, vector<16xi32>,
      %swap3A_815 = vector.shape_cast %swap3A_814 : vector<16xi32> to vector<16xi32>
      %swap3A_816 = vector.shape_cast %select_n3A_812 : vector<16xi32> to vector<16xi32>
      tpu.vector_store %arg6[%swap3A_813], %swap3A_816 {strides = array<i32>} : memref<8192xi32, #tpu.memory_space<vmem>>, vector<16xi32>,
      %mul3A_817 = arith.constant 64 : i32
      %mul3A_818 = arith.muli %add3A_797, %mul3A_817 : i32
      %add3A_819 = arith.constant 16 : i32
      %add3A_820 = arith.addi %mul3A_818, %add3A_819 : i32
      %get3A_821 = arith.index_cast %add3A_820 : i32 to index
      %get3A_822 = tpu.vector_load %arg6[%get3A_821] {strides = array<i32>} : memref<8192xi32, #tpu.memory_space<vmem>>, vector<16xi32>,
      %get3A_823 = vector.shape_cast %get3A_822 : vector<16xi32> to vector<16xi32>
      %sub3A_824 = arith.subi %get3A_823, %get3A_4 : vector<16xi32>
      %lt3A_825 = arith.constant 0 : i32
      %lt3A_826 = vector.broadcast %lt3A_825 : i32 to vector<16xi32>
      %lt3A_827 = arith.cmpi slt, %sub3A_824, %lt3A_826 : vector<16xi32>
      %add3A_828 = arith.constant 262144 : i32
      %add3A_829 = vector.broadcast %add3A_828 : i32 to vector<16xi32>
      %add3A_830 = arith.addi %sub3A_824, %add3A_829 : vector<16xi32>
      %select_n3A_831 = arith.select %lt3A_827, %add3A_830, %sub3A_824 : vector<16xi1>, vector<16xi32>
      %swap3A_832 = arith.index_cast %add3A_820 : i32 to index
      %swap3A_833 = tpu.vector_load %arg6[%swap3A_832] {strides = array<i32>} : memref<8192xi32, #tpu.memory_space<vmem>>, vector<16xi32>,
      %swap3A_834 = vector.shape_cast %swap3A_833 : vector<16xi32> to vector<16xi32>
      %swap3A_835 = vector.shape_cast %select_n3A_831 : vector<16xi32> to vector<16xi32>
      tpu.vector_store %arg6[%swap3A_832], %swap3A_835 {strides = array<i32>} : memref<8192xi32, #tpu.memory_space<vmem>>, vector<16xi32>,
      %mul3A_836 = arith.constant 64 : i32
      %mul3A_837 = arith.muli %add3A_797, %mul3A_836 : i32
      %add3A_838 = arith.constant 32 : i32
      %add3A_839 = arith.addi %mul3A_837, %add3A_838 : i32
      %get3A_840 = arith.index_cast %add3A_839 : i32 to index
      %get3A_841 = tpu.vector_load %arg6[%get3A_840] {strides = array<i32>} : memref<8192xi32, #tpu.memory_space<vmem>>, vector<16xi32>,
      %get3A_842 = vector.shape_cast %get3A_841 : vector<16xi32> to vector<16xi32>
      %sub3A_843 = arith.subi %get3A_842, %get3A_4 : vector<16xi32>
      %lt3A_844 = arith.constant 0 : i32
      %lt3A_845 = vector.broadcast %lt3A_844 : i32 to vector<16xi32>
      %lt3A_846 = arith.cmpi slt, %sub3A_843, %lt3A_845 : vector<16xi32>
      %add3A_847 = arith.constant 262144 : i32
      %add3A_848 = vector.broadcast %add3A_847 : i32 to vector<16xi32>
      %add3A_849 = arith.addi %sub3A_843, %add3A_848 : vector<16xi32>
      %select_n3A_850 = arith.select %lt3A_846, %add3A_849, %sub3A_843 : vector<16xi1>, vector<16xi32>
      %swap3A_851 = arith.index_cast %add3A_839 : i32 to index
      %swap3A_852 = tpu.vector_load %arg6[%swap3A_851] {strides = array<i32>} : memref<8192xi32, #tpu.memory_space<vmem>>, vector<16xi32>,
      %swap3A_853 = vector.shape_cast %swap3A_852 : vector<16xi32> to vector<16xi32>
      %swap3A_854 = vector.shape_cast %select_n3A_850 : vector<16xi32> to vector<16xi32>
      tpu.vector_store %arg6[%swap3A_851], %swap3A_854 {strides = array<i32>} : memref<8192xi32, #tpu.memory_space<vmem>>, vector<16xi32>,
      %mul3A_855 = arith.constant 64 : i32
      %mul3A_856 = arith.muli %add3A_797, %mul3A_855 : i32
      %add3A_857 = arith.constant 48 : i32
      %add3A_858 = arith.addi %mul3A_856, %add3A_857 : i32
      %get3A_859 = arith.index_cast %add3A_858 : i32 to index
      %get3A_860 = tpu.vector_load %arg6[%get3A_859] {strides = array<i32>} : memref<8192xi32, #tpu.memory_space<vmem>>, vector<16xi32>,
      %get3A_861 = vector.shape_cast %get3A_860 : vector<16xi32> to vector<16xi32>
      %sub3A_862 = arith.subi %get3A_861, %get3A_4 : vector<16xi32>
      %lt3A_863 = arith.constant 0 : i32
      %lt3A_864 = vector.broadcast %lt3A_863 : i32 to vector<16xi32>
      %lt3A_865 = arith.cmpi slt, %sub3A_862, %lt3A_864 : vector<16xi32>
      %add3A_866 = arith.constant 262144 : i32
      %add3A_867 = vector.broadcast %add3A_866 : i32 to vector<16xi32>
      %add3A_868 = arith.addi %sub3A_862, %add3A_867 : vector<16xi32>
      %select_n3A_869 = arith.select %lt3A_865, %add3A_868, %sub3A_862 : vector<16xi1>, vector<16xi32>
      %swap3A_870 = arith.index_cast %add3A_858 : i32 to index
      %swap3A_871 = tpu.vector_load %arg6[%swap3A_870] {strides = array<i32>} : memref<8192xi32, #tpu.memory_space<vmem>>, vector<16xi32>,
      %swap3A_872 = vector.shape_cast %swap3A_871 : vector<16xi32> to vector<16xi32>
      %swap3A_873 = vector.shape_cast %select_n3A_869 : vector<16xi32> to vector<16xi32>
      tpu.vector_store %arg6[%swap3A_870], %swap3A_873 {strides = array<i32>} : memref<8192xi32, #tpu.memory_space<vmem>>, vector<16xi32>,
      %add3A_874 = arith.constant 4 : i32
      %add3A_875 = arith.addi %add3A_782, %add3A_874 : i32
      %sub3A_876 = arith.constant 8 : i32
      %sub3A_877 = arith.subi %add3A_875, %sub3A_876 : i32
      %mul3A_878 = arith.constant 64 : i32
      %mul3A_879 = arith.muli %sub3A_877, %mul3A_878 : i32
      %add3A_880 = arith.addi %mul3A_2, %mul3A_879 : i32
      %dma_wait3A_881 = arith.constant 0 : i32
      %dma_wait3A_882 = tpu.memref_slice %arg5[%add3A_880, %dma_wait3A_881] : memref<262144x128xf32, #tpu.memory_space<hbm>> -> memref<64x128xf32, #tpu.memory_space<hbm>>
      %dma_wait3A_883 = arith.constant 0 : i32
      %dma_wait3A_884 = tpu.memref_slice %arg5[%add3A_880, %dma_wait3A_883] : memref<262144x128xf32, #tpu.memory_space<hbm>> -> memref<64x128xf32, #tpu.memory_space<hbm>>
      tpu.wait_dma2 semaphore(%arg25 : memref<!tpu.dma_semaphore, #tpu.memory_space<semaphore_mem>>) src(%arg9 : memref<64x128xf32, #tpu.memory_space<vmem>>) dst(%dma_wait3A_884 : memref<64x128xf32, #tpu.memory_space<hbm>>)
      %add3A_885 = arith.constant 4 : i32
      %add3A_886 = arith.addi %add3A_782, %add3A_885 : i32
      %mul3A_887 = arith.constant 64 : i32
      %mul3A_888 = arith.muli %add3A_886, %mul3A_887 : i32
      %dma_start3A_889 = tpu.memref_slice %arg6[%mul3A_888] : memref<8192xi32, #tpu.memory_space<vmem>> -> memref<64xi32, #tpu.memory_space<vmem>>
      %dma_start3A_890 = arith.constant 0 : i32
      %dma_start3A_891 = arith.constant 0 : i32
      %dma_start3A_892 = tpu.memref_slice %arg2[%dma_start3A_890, %dma_start3A_891] : memref<262144x128xf32, #tpu.memory_space<hbm>> -> memref<262144x128xf32, #tpu.memory_space<hbm>>
      tpu.enqueue_indirect_dma source(%dma_start3A_892 : memref<262144x128xf32, #tpu.memory_space<hbm>>) target(%arg9 : memref<64x128xf32, #tpu.memory_space<vmem>>) offsets(%dma_start3A_889 : memref<64xi32, #tpu.memory_space<vmem>>) semaphore(%arg17 : memref<!tpu.dma_semaphore, #tpu.memory_space<semaphore_mem>>)
      %mul3A_893 = arith.constant 8 : i32
      %mul3A_894 = arith.muli %scan3A_660, %mul3A_893 : i32
      %add3A_895 = arith.constant 4 : i32
      %add3A_896 = arith.addi %add3A_895, %mul3A_894 : i32
      %add3A_897 = arith.constant 2 : i32
      %add3A_898 = arith.addi %add3A_896, %add3A_897 : i32
      %mul3A_899 = arith.constant 64 : i32
      %mul3A_900 = arith.muli %add3A_898, %mul3A_899 : i32
      %dma_wait3A_901 = tpu.memref_slice %arg6[%mul3A_900] : memref<8192xi32, #tpu.memory_space<vmem>> -> memref<64xi32, #tpu.memory_space<vmem>>
      %dma_wait3A_902 = arith.constant 0 : i32
      %dma_wait3A_903 = arith.constant 0 : i32
      %dma_wait3A_904 = tpu.memref_slice %arg2[%dma_wait3A_902, %dma_wait3A_903] : memref<262144x128xf32, #tpu.memory_space<hbm>> -> memref<262144x128xf32, #tpu.memory_space<hbm>>
      tpu.wait_indirect_dma semaphore(%arg22 : memref<!tpu.dma_semaphore, #tpu.memory_space<semaphore_mem>>) src(%dma_wait3A_904 : memref<262144x128xf32, #tpu.memory_space<hbm>>) dst(%arg14 : memref<64x128xf32, #tpu.memory_space<vmem>>)
      %mul3A_905 = arith.constant 64 : i32
      %mul3A_906 = arith.muli %add3A_898, %mul3A_905 : i32
      %add3A_907 = arith.addi %mul3A_2, %mul3A_906 : i32
      %dma_start3A_908 = arith.constant 0 : i32
      %dma_start3A_909 = tpu.memref_slice %arg5[%add3A_907, %dma_start3A_908] : memref<262144x128xf32, #tpu.memory_space<hbm>> -> memref<64x128xf32, #tpu.memory_space<hbm>>
      %dma_start3A_910 = arith.constant 0 : i32
      %dma_start3A_911 = tpu.memref_slice %arg5[%add3A_907, %dma_start3A_910] : memref<262144x128xf32, #tpu.memory_space<hbm>> -> memref<64x128xf32, #tpu.memory_space<hbm>>
      tpu.enqueue_dma source(%arg14 : memref<64x128xf32, #tpu.memory_space<vmem>>) target(%dma_start3A_911 : memref<64x128xf32, #tpu.memory_space<hbm>>) target_semaphore(%arg30 : memref<!tpu.dma_semaphore, #tpu.memory_space<semaphore_mem>>)
      %add3A_912 = arith.constant 4 : i32
      %add3A_913 = arith.addi %add3A_898, %add3A_912 : i32
      %mul3A_914 = arith.constant 64 : i32
      %mul3A_915 = arith.muli %add3A_913, %mul3A_914 : i32
      %add3A_916 = arith.constant 0 : i32
      %add3A_917 = arith.addi %mul3A_915, %add3A_916 : i32
      %get3A_918 = arith.index_cast %add3A_917 : i32 to index
      %get3A_919 = tpu.vector_load %arg6[%get3A_918] {strides = array<i32>} : memref<8192xi32, #tpu.memory_space<vmem>>, vector<16xi32>,
      %get3A_920 = vector.shape_cast %get3A_919 : vector<16xi32> to vector<16xi32>
      %sub3A_921 = arith.subi %get3A_920, %get3A_4 : vector<16xi32>
      %lt3A_922 = arith.constant 0 : i32
      %lt3A_923 = vector.broadcast %lt3A_922 : i32 to vector<16xi32>
      %lt3A_924 = arith.cmpi slt, %sub3A_921, %lt3A_923 : vector<16xi32>
      %add3A_925 = arith.constant 262144 : i32
      %add3A_926 = vector.broadcast %add3A_925 : i32 to vector<16xi32>
      %add3A_927 = arith.addi %sub3A_921, %add3A_926 : vector<16xi32>
      %select_n3A_928 = arith.select %lt3A_924, %add3A_927, %sub3A_921 : vector<16xi1>, vector<16xi32>
      %swap3A_929 = arith.index_cast %add3A_917 : i32 to index
      %swap3A_930 = tpu.vector_load %arg6[%swap3A_929] {strides = array<i32>} : memref<8192xi32, #tpu.memory_space<vmem>>, vector<16xi32>,
      %swap3A_931 = vector.shape_cast %swap3A_930 : vector<16xi32> to vector<16xi32>
      %swap3A_932 = vector.shape_cast %select_n3A_928 : vector<16xi32> to vector<16xi32>
      tpu.vector_store %arg6[%swap3A_929], %swap3A_932 {strides = array<i32>} : memref<8192xi32, #tpu.memory_space<vmem>>, vector<16xi32>,
      %mul3A_933 = arith.constant 64 : i32
      %mul3A_934 = arith.muli %add3A_913, %mul3A_933 : i32
      %add3A_935 = arith.constant 16 : i32
      %add3A_936 = arith.addi %mul3A_934, %add3A_935 : i32
      %get3A_937 = arith.index_cast %add3A_936 : i32 to index
      %get3A_938 = tpu.vector_load %arg6[%get3A_937] {strides = array<i32>} : memref<8192xi32, #tpu.memory_space<vmem>>, vector<16xi32>,
      %get3A_939 = vector.shape_cast %get3A_938 : vector<16xi32> to vector<16xi32>
      %sub3A_940 = arith.subi %get3A_939, %get3A_4 : vector<16xi32>
      %lt3A_941 = arith.constant 0 : i32
      %lt3A_942 = vector.broadcast %lt3A_941 : i32 to vector<16xi32>
      %lt3A_943 = arith.cmpi slt, %sub3A_940, %lt3A_942 : vector<16xi32>
      %add3A_944 = arith.constant 262144 : i32
      %add3A_945 = vector.broadcast %add3A_944 : i32 to vector<16xi32>
      %add3A_946 = arith.addi %sub3A_940, %add3A_945 : vector<16xi32>
      %select_n3A_947 = arith.select %lt3A_943, %add3A_946, %sub3A_940 : vector<16xi1>, vector<16xi32>
      %swap3A_948 = arith.index_cast %add3A_936 : i32 to index
      %swap3A_949 = tpu.vector_load %arg6[%swap3A_948] {strides = array<i32>} : memref<8192xi32, #tpu.memory_space<vmem>>, vector<16xi32>,
      %swap3A_950 = vector.shape_cast %swap3A_949 : vector<16xi32> to vector<16xi32>
      %swap3A_951 = vector.shape_cast %select_n3A_947 : vector<16xi32> to vector<16xi32>
      tpu.vector_store %arg6[%swap3A_948], %swap3A_951 {strides = array<i32>} : memref<8192xi32, #tpu.memory_space<vmem>>, vector<16xi32>,
      %mul3A_952 = arith.constant 64 : i32
      %mul3A_953 = arith.muli %add3A_913, %mul3A_952 : i32
      %add3A_954 = arith.constant 32 : i32
      %add3A_955 = arith.addi %mul3A_953, %add3A_954 : i32
      %get3A_956 = arith.index_cast %add3A_955 : i32 to index
      %get3A_957 = tpu.vector_load %arg6[%get3A_956] {strides = array<i32>} : memref<8192xi32, #tpu.memory_space<vmem>>, vector<16xi32>,
      %get3A_958 = vector.shape_cast %get3A_957 : vector<16xi32> to vector<16xi32>
      %sub3A_959 = arith.subi %get3A_958, %get3A_4 : vector<16xi32>
      %lt3A_960 = arith.constant 0 : i32
      %lt3A_961 = vector.broadcast %lt3A_960 : i32 to vector<16xi32>
      %lt3A_962 = arith.cmpi slt, %sub3A_959, %lt3A_961 : vector<16xi32>
      %add3A_963 = arith.constant 262144 : i32
      %add3A_964 = vector.broadcast %add3A_963 : i32 to vector<16xi32>
      %add3A_965 = arith.addi %sub3A_959, %add3A_964 : vector<16xi32>
      %select_n3A_966 = arith.select %lt3A_962, %add3A_965, %sub3A_959 : vector<16xi1>, vector<16xi32>
      %swap3A_967 = arith.index_cast %add3A_955 : i32 to index
      %swap3A_968 = tpu.vector_load %arg6[%swap3A_967] {strides = array<i32>} : memref<8192xi32, #tpu.memory_space<vmem>>, vector<16xi32>,
      %swap3A_969 = vector.shape_cast %swap3A_968 : vector<16xi32> to vector<16xi32>
      %swap3A_970 = vector.shape_cast %select_n3A_966 : vector<16xi32> to vector<16xi32>
      tpu.vector_store %arg6[%swap3A_967], %swap3A_970 {strides = array<i32>} : memref<8192xi32, #tpu.memory_space<vmem>>, vector<16xi32>,
      %mul3A_971 = arith.constant 64 : i32
      %mul3A_972 = arith.muli %add3A_913, %mul3A_971 : i32
      %add3A_973 = arith.constant 48 : i32
      %add3A_974 = arith.addi %mul3A_972, %add3A_973 : i32
      %get3A_975 = arith.index_cast %add3A_974 : i32 to index
      %get3A_976 = tpu.vector_load %arg6[%get3A_975] {strides = array<i32>} : memref<8192xi32, #tpu.memory_space<vmem>>, vector<16xi32>,
      %get3A_977 = vector.shape_cast %get3A_976 : vector<16xi32> to vector<16xi32>
      %sub3A_978 = arith.subi %get3A_977, %get3A_4 : vector<16xi32>
      %lt3A_979 = arith.constant 0 : i32
      %lt3A_980 = vector.broadcast %lt3A_979 : i32 to vector<16xi32>
      %lt3A_981 = arith.cmpi slt, %sub3A_978, %lt3A_980 : vector<16xi32>
      %add3A_982 = arith.constant 262144 : i32
      %add3A_983 = vector.broadcast %add3A_982 : i32 to vector<16xi32>
      %add3A_984 = arith.addi %sub3A_978, %add3A_983 : vector<16xi32>
      %select_n3A_985 = arith.select %lt3A_981, %add3A_984, %sub3A_978 : vector<16xi1>, vector<16xi32>
      %swap3A_986 = arith.index_cast %add3A_974 : i32 to index
      %swap3A_987 = tpu.vector_load %arg6[%swap3A_986] {strides = array<i32>} : memref<8192xi32, #tpu.memory_space<vmem>>, vector<16xi32>,
      %swap3A_988 = vector.shape_cast %swap3A_987 : vector<16xi32> to vector<16xi32>
      %swap3A_989 = vector.shape_cast %select_n3A_985 : vector<16xi32> to vector<16xi32>
      tpu.vector_store %arg6[%swap3A_986], %swap3A_989 {strides = array<i32>} : memref<8192xi32, #tpu.memory_space<vmem>>, vector<16xi32>,
      %add3A_990 = arith.constant 4 : i32
      %add3A_991 = arith.addi %add3A_898, %add3A_990 : i32
      %sub3A_992 = arith.constant 8 : i32
      %sub3A_993 = arith.subi %add3A_991, %sub3A_992 : i32
      %mul3A_994 = arith.constant 64 : i32
      %mul3A_995 = arith.muli %sub3A_993, %mul3A_994 : i32
      %add3A_996 = arith.addi %mul3A_2, %mul3A_995 : i32
      %dma_wait3A_997 = arith.constant 0 : i32
      %dma_wait3A_998 = tpu.memref_slice %arg5[%add3A_996, %dma_wait3A_997] : memref<262144x128xf32, #tpu.memory_space<hbm>> -> memref<64x128xf32, #tpu.memory_space<hbm>>
      %dma_wait3A_999 = arith.constant 0 : i32
      %dma_wait3A_1000 = tpu.memref_slice %arg5[%add3A_996, %dma_wait3A_999] : memref<262144x128xf32, #tpu.memory_space<hbm>> -> memref<64x128xf32, #tpu.memory_space<hbm>>
      tpu.wait_dma2 semaphore(%arg26 : memref<!tpu.dma_semaphore, #tpu.memory_space<semaphore_mem>>) src(%arg10 : memref<64x128xf32, #tpu.memory_space<vmem>>) dst(%dma_wait3A_1000 : memref<64x128xf32, #tpu.memory_space<hbm>>)
      %add3A_1001 = arith.constant 4 : i32
      %add3A_1002 = arith.addi %add3A_898, %add3A_1001 : i32
      %mul3A_1003 = arith.constant 64 : i32
      %mul3A_1004 = arith.muli %add3A_1002, %mul3A_1003 : i32
      %dma_start3A_1005 = tpu.memref_slice %arg6[%mul3A_1004] : memref<8192xi32, #tpu.memory_space<vmem>> -> memref<64xi32, #tpu.memory_space<vmem>>
      %dma_start3A_1006 = arith.constant 0 : i32
      %dma_start3A_1007 = arith.constant 0 : i32
      %dma_start3A_1008 = tpu.memref_slice %arg2[%dma_start3A_1006, %dma_start3A_1007] : memref<262144x128xf32, #tpu.memory_space<hbm>> -> memref<262144x128xf32, #tpu.memory_space<hbm>>
      tpu.enqueue_indirect_dma source(%dma_start3A_1008 : memref<262144x128xf32, #tpu.memory_space<hbm>>) target(%arg10 : memref<64x128xf32, #tpu.memory_space<vmem>>) offsets(%dma_start3A_1005 : memref<64xi32, #tpu.memory_space<vmem>>) semaphore(%arg18 : memref<!tpu.dma_semaphore, #tpu.memory_space<semaphore_mem>>)
      %mul3A_1009 = arith.constant 8 : i32
      %mul3A_1010 = arith.muli %scan3A_660, %mul3A_1009 : i32
      %add3A_1011 = arith.constant 4 : i32
      %add3A_1012 = arith.addi %add3A_1011, %mul3A_1010 : i32
      %add3A_1013 = arith.constant 3 : i32
      %add3A_1014 = arith.addi %add3A_1012, %add3A_1013 : i32
      %mul3A_1015 = arith.constant 64 : i32
      %mul3A_1016 = arith.muli %add3A_1014, %mul3A_1015 : i32
      %dma_wait3A_1017 = tpu.memref_slice %arg6[%mul3A_1016] : memref<8192xi32, #tpu.memory_space<vmem>> -> memref<64xi32, #tpu.memory_space<vmem>>
      %dma_wait3A_1018 = arith.constant 0 : i32
      %dma_wait3A_1019 = arith.constant 0 : i32
      %dma_wait3A_1020 = tpu.memref_slice %arg2[%dma_wait3A_1018, %dma_wait3A_1019] : memref<262144x128xf32, #tpu.memory_space<hbm>> -> memref<262144x128xf32, #tpu.memory_space<hbm>>
      tpu.wait_indirect_dma semaphore(%arg23 : memref<!tpu.dma_semaphore, #tpu.memory_space<semaphore_mem>>) src(%dma_wait3A_1020 : memref<262144x128xf32, #tpu.memory_space<hbm>>) dst(%arg15 : memref<64x128xf32, #tpu.memory_space<vmem>>)
      %mul3A_1021 = arith.constant 64 : i32
      %mul3A_1022 = arith.muli %add3A_1014, %mul3A_1021 : i32
      %add3A_1023 = arith.addi %mul3A_2, %mul3A_1022 : i32
      %dma_start3A_1024 = arith.constant 0 : i32
      %dma_start3A_1025 = tpu.memref_slice %arg5[%add3A_1023, %dma_start3A_1024] : memref<262144x128xf32, #tpu.memory_space<hbm>> -> memref<64x128xf32, #tpu.memory_space<hbm>>
      %dma_start3A_1026 = arith.constant 0 : i32
      %dma_start3A_1027 = tpu.memref_slice %arg5[%add3A_1023, %dma_start3A_1026] : memref<262144x128xf32, #tpu.memory_space<hbm>> -> memref<64x128xf32, #tpu.memory_space<hbm>>
      tpu.enqueue_dma source(%arg15 : memref<64x128xf32, #tpu.memory_space<vmem>>) target(%dma_start3A_1027 : memref<64x128xf32, #tpu.memory_space<hbm>>) target_semaphore(%arg31 : memref<!tpu.dma_semaphore, #tpu.memory_space<semaphore_mem>>)
      %add3A_1028 = arith.constant 4 : i32
      %add3A_1029 = arith.addi %add3A_1014, %add3A_1028 : i32
      %mul3A_1030 = arith.constant 64 : i32
      %mul3A_1031 = arith.muli %add3A_1029, %mul3A_1030 : i32
      %add3A_1032 = arith.constant 0 : i32
      %add3A_1033 = arith.addi %mul3A_1031, %add3A_1032 : i32
      %get3A_1034 = arith.index_cast %add3A_1033 : i32 to index
      %get3A_1035 = tpu.vector_load %arg6[%get3A_1034] {strides = array<i32>} : memref<8192xi32, #tpu.memory_space<vmem>>, vector<16xi32>,
      %get3A_1036 = vector.shape_cast %get3A_1035 : vector<16xi32> to vector<16xi32>
      %sub3A_1037 = arith.subi %get3A_1036, %get3A_4 : vector<16xi32>
      %lt3A_1038 = arith.constant 0 : i32
      %lt3A_1039 = vector.broadcast %lt3A_1038 : i32 to vector<16xi32>
      %lt3A_1040 = arith.cmpi slt, %sub3A_1037, %lt3A_1039 : vector<16xi32>
      %add3A_1041 = arith.constant 262144 : i32
      %add3A_1042 = vector.broadcast %add3A_1041 : i32 to vector<16xi32>
      %add3A_1043 = arith.addi %sub3A_1037, %add3A_1042 : vector<16xi32>
      %select_n3A_1044 = arith.select %lt3A_1040, %add3A_1043, %sub3A_1037 : vector<16xi1>, vector<16xi32>
      %swap3A_1045 = arith.index_cast %add3A_1033 : i32 to index
      %swap3A_1046 = tpu.vector_load %arg6[%swap3A_1045] {strides = array<i32>} : memref<8192xi32, #tpu.memory_space<vmem>>, vector<16xi32>,
      %swap3A_1047 = vector.shape_cast %swap3A_1046 : vector<16xi32> to vector<16xi32>
      %swap3A_1048 = vector.shape_cast %select_n3A_1044 : vector<16xi32> to vector<16xi32>
      tpu.vector_store %arg6[%swap3A_1045], %swap3A_1048 {strides = array<i32>} : memref<8192xi32, #tpu.memory_space<vmem>>, vector<16xi32>,
      %mul3A_1049 = arith.constant 64 : i32
      %mul3A_1050 = arith.muli %add3A_1029, %mul3A_1049 : i32
      %add3A_1051 = arith.constant 16 : i32
      %add3A_1052 = arith.addi %mul3A_1050, %add3A_1051 : i32
      %get3A_1053 = arith.index_cast %add3A_1052 : i32 to index
      %get3A_1054 = tpu.vector_load %arg6[%get3A_1053] {strides = array<i32>} : memref<8192xi32, #tpu.memory_space<vmem>>, vector<16xi32>,
      %get3A_1055 = vector.shape_cast %get3A_1054 : vector<16xi32> to vector<16xi32>
      %sub3A_1056 = arith.subi %get3A_1055, %get3A_4 : vector<16xi32>
      %lt3A_1057 = arith.constant 0 : i32
      %lt3A_1058 = vector.broadcast %lt3A_1057 : i32 to vector<16xi32>
      %lt3A_1059 = arith.cmpi slt, %sub3A_1056, %lt3A_1058 : vector<16xi32>
      %add3A_1060 = arith.constant 262144 : i32
      %add3A_1061 = vector.broadcast %add3A_1060 : i32 to vector<16xi32>
      %add3A_1062 = arith.addi %sub3A_1056, %add3A_1061 : vector<16xi32>
      %select_n3A_1063 = arith.select %lt3A_1059, %add3A_1062, %sub3A_1056 : vector<16xi1>, vector<16xi32>
      %swap3A_1064 = arith.index_cast %add3A_1052 : i32 to index
      %swap3A_1065 = tpu.vector_load %arg6[%swap3A_1064] {strides = array<i32>} : memref<8192xi32, #tpu.memory_space<vmem>>, vector<16xi32>,
      %swap3A_1066 = vector.shape_cast %swap3A_1065 : vector<16xi32> to vector<16xi32>
      %swap3A_1067 = vector.shape_cast %select_n3A_1063 : vector<16xi32> to vector<16xi32>
      tpu.vector_store %arg6[%swap3A_1064], %swap3A_1067 {strides = array<i32>} : memref<8192xi32, #tpu.memory_space<vmem>>, vector<16xi32>,
      %mul3A_1068 = arith.constant 64 : i32
      %mul3A_1069 = arith.muli %add3A_1029, %mul3A_1068 : i32
      %add3A_1070 = arith.constant 32 : i32
      %add3A_1071 = arith.addi %mul3A_1069, %add3A_1070 : i32
      %get3A_1072 = arith.index_cast %add3A_1071 : i32 to index
      %get3A_1073 = tpu.vector_load %arg6[%get3A_1072] {strides = array<i32>} : memref<8192xi32, #tpu.memory_space<vmem>>, vector<16xi32>,
      %get3A_1074 = vector.shape_cast %get3A_1073 : vector<16xi32> to vector<16xi32>
      %sub3A_1075 = arith.subi %get3A_1074, %get3A_4 : vector<16xi32>
      %lt3A_1076 = arith.constant 0 : i32
      %lt3A_1077 = vector.broadcast %lt3A_1076 : i32 to vector<16xi32>
      %lt3A_1078 = arith.cmpi slt, %sub3A_1075, %lt3A_1077 : vector<16xi32>
      %add3A_1079 = arith.constant 262144 : i32
      %add3A_1080 = vector.broadcast %add3A_1079 : i32 to vector<16xi32>
      %add3A_1081 = arith.addi %sub3A_1075, %add3A_1080 : vector<16xi32>
      %select_n3A_1082 = arith.select %lt3A_1078, %add3A_1081, %sub3A_1075 : vector<16xi1>, vector<16xi32>
      %swap3A_1083 = arith.index_cast %add3A_1071 : i32 to index
      %swap3A_1084 = tpu.vector_load %arg6[%swap3A_1083] {strides = array<i32>} : memref<8192xi32, #tpu.memory_space<vmem>>, vector<16xi32>,
      %swap3A_1085 = vector.shape_cast %swap3A_1084 : vector<16xi32> to vector<16xi32>
      %swap3A_1086 = vector.shape_cast %select_n3A_1082 : vector<16xi32> to vector<16xi32>
      tpu.vector_store %arg6[%swap3A_1083], %swap3A_1086 {strides = array<i32>} : memref<8192xi32, #tpu.memory_space<vmem>>, vector<16xi32>,
      %mul3A_1087 = arith.constant 64 : i32
      %mul3A_1088 = arith.muli %add3A_1029, %mul3A_1087 : i32
      %add3A_1089 = arith.constant 48 : i32
      %add3A_1090 = arith.addi %mul3A_1088, %add3A_1089 : i32
      %get3A_1091 = arith.index_cast %add3A_1090 : i32 to index
      %get3A_1092 = tpu.vector_load %arg6[%get3A_1091] {strides = array<i32>} : memref<8192xi32, #tpu.memory_space<vmem>>, vector<16xi32>,
      %get3A_1093 = vector.shape_cast %get3A_1092 : vector<16xi32> to vector<16xi32>
      %sub3A_1094 = arith.subi %get3A_1093, %get3A_4 : vector<16xi32>
      %lt3A_1095 = arith.constant 0 : i32
      %lt3A_1096 = vector.broadcast %lt3A_1095 : i32 to vector<16xi32>
      %lt3A_1097 = arith.cmpi slt, %sub3A_1094, %lt3A_1096 : vector<16xi32>
      %add3A_1098 = arith.constant 262144 : i32
      %add3A_1099 = vector.broadcast %add3A_1098 : i32 to vector<16xi32>
      %add3A_1100 = arith.addi %sub3A_1094, %add3A_1099 : vector<16xi32>
      %select_n3A_1101 = arith.select %lt3A_1097, %add3A_1100, %sub3A_1094 : vector<16xi1>, vector<16xi32>
      %swap3A_1102 = arith.index_cast %add3A_1090 : i32 to index
      %swap3A_1103 = tpu.vector_load %arg6[%swap3A_1102] {strides = array<i32>} : memref<8192xi32, #tpu.memory_space<vmem>>, vector<16xi32>,
      %swap3A_1104 = vector.shape_cast %swap3A_1103 : vector<16xi32> to vector<16xi32>
      %swap3A_1105 = vector.shape_cast %select_n3A_1101 : vector<16xi32> to vector<16xi32>
      tpu.vector_store %arg6[%swap3A_1102], %swap3A_1105 {strides = array<i32>} : memref<8192xi32, #tpu.memory_space<vmem>>, vector<16xi32>,
      %add3A_1106 = arith.constant 4 : i32
      %add3A_1107 = arith.addi %add3A_1014, %add3A_1106 : i32
      %sub3A_1108 = arith.constant 8 : i32
      %sub3A_1109 = arith.subi %add3A_1107, %sub3A_1108 : i32
      %mul3A_1110 = arith.constant 64 : i32
      %mul3A_1111 = arith.muli %sub3A_1109, %mul3A_1110 : i32
      %add3A_1112 = arith.addi %mul3A_2, %mul3A_1111 : i32
      %dma_wait3A_1113 = arith.constant 0 : i32
      %dma_wait3A_1114 = tpu.memref_slice %arg5[%add3A_1112, %dma_wait3A_1113] : memref<262144x128xf32, #tpu.memory_space<hbm>> -> memref<64x128xf32, #tpu.memory_space<hbm>>
      %dma_wait3A_1115 = arith.constant 0 : i32
      %dma_wait3A_1116 = tpu.memref_slice %arg5[%add3A_1112, %dma_wait3A_1115] : memref<262144x128xf32, #tpu.memory_space<hbm>> -> memref<64x128xf32, #tpu.memory_space<hbm>>
      tpu.wait_dma2 semaphore(%arg27 : memref<!tpu.dma_semaphore, #tpu.memory_space<semaphore_mem>>) src(%arg11 : memref<64x128xf32, #tpu.memory_space<vmem>>) dst(%dma_wait3A_1116 : memref<64x128xf32, #tpu.memory_space<hbm>>)
      %add3A_1117 = arith.constant 4 : i32
      %add3A_1118 = arith.addi %add3A_1014, %add3A_1117 : i32
      %mul3A_1119 = arith.constant 64 : i32
      %mul3A_1120 = arith.muli %add3A_1118, %mul3A_1119 : i32
      %dma_start3A_1121 = tpu.memref_slice %arg6[%mul3A_1120] : memref<8192xi32, #tpu.memory_space<vmem>> -> memref<64xi32, #tpu.memory_space<vmem>>
      %dma_start3A_1122 = arith.constant 0 : i32
      %dma_start3A_1123 = arith.constant 0 : i32
      %dma_start3A_1124 = tpu.memref_slice %arg2[%dma_start3A_1122, %dma_start3A_1123] : memref<262144x128xf32, #tpu.memory_space<hbm>> -> memref<262144x128xf32, #tpu.memory_space<hbm>>
      tpu.enqueue_indirect_dma source(%dma_start3A_1124 : memref<262144x128xf32, #tpu.memory_space<hbm>>) target(%arg11 : memref<64x128xf32, #tpu.memory_space<vmem>>) offsets(%dma_start3A_1121 : memref<64xi32, #tpu.memory_space<vmem>>) semaphore(%arg19 : memref<!tpu.dma_semaphore, #tpu.memory_space<semaphore_mem>>)
      %mul3A_1125 = arith.constant 8 : i32
      %mul3A_1126 = arith.muli %scan3A_660, %mul3A_1125 : i32
      %add3A_1127 = arith.constant 4 : i32
      %add3A_1128 = arith.addi %add3A_1127, %mul3A_1126 : i32
      %add3A_1129 = arith.constant 4 : i32
      %add3A_1130 = arith.addi %add3A_1128, %add3A_1129 : i32
      %mul3A_1131 = arith.constant 64 : i32
      %mul3A_1132 = arith.muli %add3A_1130, %mul3A_1131 : i32
      %dma_wait3A_1133 = tpu.memref_slice %arg6[%mul3A_1132] : memref<8192xi32, #tpu.memory_space<vmem>> -> memref<64xi32, #tpu.memory_space<vmem>>
      %dma_wait3A_1134 = arith.constant 0 : i32
      %dma_wait3A_1135 = arith.constant 0 : i32
      %dma_wait3A_1136 = tpu.memref_slice %arg2[%dma_wait3A_1134, %dma_wait3A_1135] : memref<262144x128xf32, #tpu.memory_space<hbm>> -> memref<262144x128xf32, #tpu.memory_space<hbm>>
      tpu.wait_indirect_dma semaphore(%arg16 : memref<!tpu.dma_semaphore, #tpu.memory_space<semaphore_mem>>) src(%dma_wait3A_1136 : memref<262144x128xf32, #tpu.memory_space<hbm>>) dst(%arg8 : memref<64x128xf32, #tpu.memory_space<vmem>>)
      %mul3A_1137 = arith.constant 64 : i32
      %mul3A_1138 = arith.muli %add3A_1130, %mul3A_1137 : i32
      %add3A_1139 = arith.addi %mul3A_2, %mul3A_1138 : i32
      %dma_start3A_1140 = arith.constant 0 : i32
      %dma_start3A_1141 = tpu.memref_slice %arg5[%add3A_1139, %dma_start3A_1140] : memref<262144x128xf32, #tpu.memory_space<hbm>> -> memref<64x128xf32, #tpu.memory_space<hbm>>
      %dma_start3A_1142 = arith.constant 0 : i32
      %dma_start3A_1143 = tpu.memref_slice %arg5[%add3A_1139, %dma_start3A_1142] : memref<262144x128xf32, #tpu.memory_space<hbm>> -> memref<64x128xf32, #tpu.memory_space<hbm>>
      tpu.enqueue_dma source(%arg8 : memref<64x128xf32, #tpu.memory_space<vmem>>) target(%dma_start3A_1143 : memref<64x128xf32, #tpu.memory_space<hbm>>) target_semaphore(%arg24 : memref<!tpu.dma_semaphore, #tpu.memory_space<semaphore_mem>>)
      %add3A_1144 = arith.constant 4 : i32
      %add3A_1145 = arith.addi %add3A_1130, %add3A_1144 : i32
      %mul3A_1146 = arith.constant 64 : i32
      %mul3A_1147 = arith.muli %add3A_1145, %mul3A_1146 : i32
      %add3A_1148 = arith.constant 0 : i32
      %add3A_1149 = arith.addi %mul3A_1147, %add3A_1148 : i32
      %get3A_1150 = arith.index_cast %add3A_1149 : i32 to index
      %get3A_1151 = tpu.vector_load %arg6[%get3A_1150] {strides = array<i32>} : memref<8192xi32, #tpu.memory_space<vmem>>, vector<16xi32>,
      %get3A_1152 = vector.shape_cast %get3A_1151 : vector<16xi32> to vector<16xi32>
      %sub3A_1153 = arith.subi %get3A_1152, %get3A_4 : vector<16xi32>
      %lt3A_1154 = arith.constant 0 : i32
      %lt3A_1155 = vector.broadcast %lt3A_1154 : i32 to vector<16xi32>
      %lt3A_1156 = arith.cmpi slt, %sub3A_1153, %lt3A_1155 : vector<16xi32>
      %add3A_1157 = arith.constant 262144 : i32
      %add3A_1158 = vector.broadcast %add3A_1157 : i32 to vector<16xi32>
      %add3A_1159 = arith.addi %sub3A_1153, %add3A_1158 : vector<16xi32>
      %select_n3A_1160 = arith.select %lt3A_1156, %add3A_1159, %sub3A_1153 : vector<16xi1>, vector<16xi32>
      %swap3A_1161 = arith.index_cast %add3A_1149 : i32 to index
      %swap3A_1162 = tpu.vector_load %arg6[%swap3A_1161] {strides = array<i32>} : memref<8192xi32, #tpu.memory_space<vmem>>, vector<16xi32>,
      %swap3A_1163 = vector.shape_cast %swap3A_1162 : vector<16xi32> to vector<16xi32>
      %swap3A_1164 = vector.shape_cast %select_n3A_1160 : vector<16xi32> to vector<16xi32>
      tpu.vector_store %arg6[%swap3A_1161], %swap3A_1164 {strides = array<i32>} : memref<8192xi32, #tpu.memory_space<vmem>>, vector<16xi32>,
      %mul3A_1165 = arith.constant 64 : i32
      %mul3A_1166 = arith.muli %add3A_1145, %mul3A_1165 : i32
      %add3A_1167 = arith.constant 16 : i32
      %add3A_1168 = arith.addi %mul3A_1166, %add3A_1167 : i32
      %get3A_1169 = arith.index_cast %add3A_1168 : i32 to index
      %get3A_1170 = tpu.vector_load %arg6[%get3A_1169] {strides = array<i32>} : memref<8192xi32, #tpu.memory_space<vmem>>, vector<16xi32>,
      %get3A_1171 = vector.shape_cast %get3A_1170 : vector<16xi32> to vector<16xi32>
      %sub3A_1172 = arith.subi %get3A_1171, %get3A_4 : vector<16xi32>
      %lt3A_1173 = arith.constant 0 : i32
      %lt3A_1174 = vector.broadcast %lt3A_1173 : i32 to vector<16xi32>
      %lt3A_1175 = arith.cmpi slt, %sub3A_1172, %lt3A_1174 : vector<16xi32>
      %add3A_1176 = arith.constant 262144 : i32
      %add3A_1177 = vector.broadcast %add3A_1176 : i32 to vector<16xi32>
      %add3A_1178 = arith.addi %sub3A_1172, %add3A_1177 : vector<16xi32>
      %select_n3A_1179 = arith.select %lt3A_1175, %add3A_1178, %sub3A_1172 : vector<16xi1>, vector<16xi32>
      %swap3A_1180 = arith.index_cast %add3A_1168 : i32 to index
      %swap3A_1181 = tpu.vector_load %arg6[%swap3A_1180] {strides = array<i32>} : memref<8192xi32, #tpu.memory_space<vmem>>, vector<16xi32>,
      %swap3A_1182 = vector.shape_cast %swap3A_1181 : vector<16xi32> to vector<16xi32>
      %swap3A_1183 = vector.shape_cast %select_n3A_1179 : vector<16xi32> to vector<16xi32>
      tpu.vector_store %arg6[%swap3A_1180], %swap3A_1183 {strides = array<i32>} : memref<8192xi32, #tpu.memory_space<vmem>>, vector<16xi32>,
      %mul3A_1184 = arith.constant 64 : i32
      %mul3A_1185 = arith.muli %add3A_1145, %mul3A_1184 : i32
      %add3A_1186 = arith.constant 32 : i32
      %add3A_1187 = arith.addi %mul3A_1185, %add3A_1186 : i32
      %get3A_1188 = arith.index_cast %add3A_1187 : i32 to index
      %get3A_1189 = tpu.vector_load %arg6[%get3A_1188] {strides = array<i32>} : memref<8192xi32, #tpu.memory_space<vmem>>, vector<16xi32>,
      %get3A_1190 = vector.shape_cast %get3A_1189 : vector<16xi32> to vector<16xi32>
      %sub3A_1191 = arith.subi %get3A_1190, %get3A_4 : vector<16xi32>
      %lt3A_1192 = arith.constant 0 : i32
      %lt3A_1193 = vector.broadcast %lt3A_1192 : i32 to vector<16xi32>
      %lt3A_1194 = arith.cmpi slt, %sub3A_1191, %lt3A_1193 : vector<16xi32>
      %add3A_1195 = arith.constant 262144 : i32
      %add3A_1196 = vector.broadcast %add3A_1195 : i32 to vector<16xi32>
      %add3A_1197 = arith.addi %sub3A_1191, %add3A_1196 : vector<16xi32>
      %select_n3A_1198 = arith.select %lt3A_1194, %add3A_1197, %sub3A_1191 : vector<16xi1>, vector<16xi32>
      %swap3A_1199 = arith.index_cast %add3A_1187 : i32 to index
      %swap3A_1200 = tpu.vector_load %arg6[%swap3A_1199] {strides = array<i32>} : memref<8192xi32, #tpu.memory_space<vmem>>, vector<16xi32>,
      %swap3A_1201 = vector.shape_cast %swap3A_1200 : vector<16xi32> to vector<16xi32>
      %swap3A_1202 = vector.shape_cast %select_n3A_1198 : vector<16xi32> to vector<16xi32>
      tpu.vector_store %arg6[%swap3A_1199], %swap3A_1202 {strides = array<i32>} : memref<8192xi32, #tpu.memory_space<vmem>>, vector<16xi32>,
      %mul3A_1203 = arith.constant 64 : i32
      %mul3A_1204 = arith.muli %add3A_1145, %mul3A_1203 : i32
      %add3A_1205 = arith.constant 48 : i32
      %add3A_1206 = arith.addi %mul3A_1204, %add3A_1205 : i32
      %get3A_1207 = arith.index_cast %add3A_1206 : i32 to index
      %get3A_1208 = tpu.vector_load %arg6[%get3A_1207] {strides = array<i32>} : memref<8192xi32, #tpu.memory_space<vmem>>, vector<16xi32>,
      %get3A_1209 = vector.shape_cast %get3A_1208 : vector<16xi32> to vector<16xi32>
      %sub3A_1210 = arith.subi %get3A_1209, %get3A_4 : vector<16xi32>
      %lt3A_1211 = arith.constant 0 : i32
      %lt3A_1212 = vector.broadcast %lt3A_1211 : i32 to vector<16xi32>
      %lt3A_1213 = arith.cmpi slt, %sub3A_1210, %lt3A_1212 : vector<16xi32>
      %add3A_1214 = arith.constant 262144 : i32
      %add3A_1215 = vector.broadcast %add3A_1214 : i32 to vector<16xi32>
      %add3A_1216 = arith.addi %sub3A_1210, %add3A_1215 : vector<16xi32>
      %select_n3A_1217 = arith.select %lt3A_1213, %add3A_1216, %sub3A_1210 : vector<16xi1>, vector<16xi32>
      %swap3A_1218 = arith.index_cast %add3A_1206 : i32 to index
      %swap3A_1219 = tpu.vector_load %arg6[%swap3A_1218] {strides = array<i32>} : memref<8192xi32, #tpu.memory_space<vmem>>, vector<16xi32>,
      %swap3A_1220 = vector.shape_cast %swap3A_1219 : vector<16xi32> to vector<16xi32>
      %swap3A_1221 = vector.shape_cast %select_n3A_1217 : vector<16xi32> to vector<16xi32>
      tpu.vector_store %arg6[%swap3A_1218], %swap3A_1221 {strides = array<i32>} : memref<8192xi32, #tpu.memory_space<vmem>>, vector<16xi32>,
      %add3A_1222 = arith.constant 4 : i32
      %add3A_1223 = arith.addi %add3A_1130, %add3A_1222 : i32
      %sub3A_1224 = arith.constant 8 : i32
      %sub3A_1225 = arith.subi %add3A_1223, %sub3A_1224 : i32
      %mul3A_1226 = arith.constant 64 : i32
      %mul3A_1227 = arith.muli %sub3A_1225, %mul3A_1226 : i32
      %add3A_1228 = arith.addi %mul3A_2, %mul3A_1227 : i32
      %dma_wait3A_1229 = arith.constant 0 : i32
      %dma_wait3A_1230 = tpu.memref_slice %arg5[%add3A_1228, %dma_wait3A_1229] : memref<262144x128xf32, #tpu.memory_space<hbm>> -> memref<64x128xf32, #tpu.memory_space<hbm>>
      %dma_wait3A_1231 = arith.constant 0 : i32
      %dma_wait3A_1232 = tpu.memref_slice %arg5[%add3A_1228, %dma_wait3A_1231] : memref<262144x128xf32, #tpu.memory_space<hbm>> -> memref<64x128xf32, #tpu.memory_space<hbm>>
      tpu.wait_dma2 semaphore(%arg28 : memref<!tpu.dma_semaphore, #tpu.memory_space<semaphore_mem>>) src(%arg12 : memref<64x128xf32, #tpu.memory_space<vmem>>) dst(%dma_wait3A_1232 : memref<64x128xf32, #tpu.memory_space<hbm>>)
      %add3A_1233 = arith.constant 4 : i32
      %add3A_1234 = arith.addi %add3A_1130, %add3A_1233 : i32
      %mul3A_1235 = arith.constant 64 : i32
      %mul3A_1236 = arith.muli %add3A_1234, %mul3A_1235 : i32
      %dma_start3A_1237 = tpu.memref_slice %arg6[%mul3A_1236] : memref<8192xi32, #tpu.memory_space<vmem>> -> memref<64xi32, #tpu.memory_space<vmem>>
      %dma_start3A_1238 = arith.constant 0 : i32
      %dma_start3A_1239 = arith.constant 0 : i32
      %dma_start3A_1240 = tpu.memref_slice %arg2[%dma_start3A_1238, %dma_start3A_1239] : memref<262144x128xf32, #tpu.memory_space<hbm>> -> memref<262144x128xf32, #tpu.memory_space<hbm>>
      tpu.enqueue_indirect_dma source(%dma_start3A_1240 : memref<262144x128xf32, #tpu.memory_space<hbm>>) target(%arg12 : memref<64x128xf32, #tpu.memory_space<vmem>>) offsets(%dma_start3A_1237 : memref<64xi32, #tpu.memory_space<vmem>>) semaphore(%arg20 : memref<!tpu.dma_semaphore, #tpu.memory_space<semaphore_mem>>)
      %mul3A_1241 = arith.constant 8 : i32
      %mul3A_1242 = arith.muli %scan3A_660, %mul3A_1241 : i32
      %add3A_1243 = arith.constant 4 : i32
      %add3A_1244 = arith.addi %add3A_1243, %mul3A_1242 : i32
      %add3A_1245 = arith.constant 5 : i32
      %add3A_1246 = arith.addi %add3A_1244, %add3A_1245 : i32
      %mul3A_1247 = arith.constant 64 : i32
      %mul3A_1248 = arith.muli %add3A_1246, %mul3A_1247 : i32
      %dma_wait3A_1249 = tpu.memref_slice %arg6[%mul3A_1248] : memref<8192xi32, #tpu.memory_space<vmem>> -> memref<64xi32, #tpu.memory_space<vmem>>
      %dma_wait3A_1250 = arith.constant 0 : i32
      %dma_wait3A_1251 = arith.constant 0 : i32
      %dma_wait3A_1252 = tpu.memref_slice %arg2[%dma_wait3A_1250, %dma_wait3A_1251] : memref<262144x128xf32, #tpu.memory_space<hbm>> -> memref<262144x128xf32, #tpu.memory_space<hbm>>
      tpu.wait_indirect_dma semaphore(%arg17 : memref<!tpu.dma_semaphore, #tpu.memory_space<semaphore_mem>>) src(%dma_wait3A_1252 : memref<262144x128xf32, #tpu.memory_space<hbm>>) dst(%arg9 : memref<64x128xf32, #tpu.memory_space<vmem>>)
      %mul3A_1253 = arith.constant 64 : i32
      %mul3A_1254 = arith.muli %add3A_1246, %mul3A_1253 : i32
      %add3A_1255 = arith.addi %mul3A_2, %mul3A_1254 : i32
      %dma_start3A_1256 = arith.constant 0 : i32
      %dma_start3A_1257 = tpu.memref_slice %arg5[%add3A_1255, %dma_start3A_1256] : memref<262144x128xf32, #tpu.memory_space<hbm>> -> memref<64x128xf32, #tpu.memory_space<hbm>>
      %dma_start3A_1258 = arith.constant 0 : i32
      %dma_start3A_1259 = tpu.memref_slice %arg5[%add3A_1255, %dma_start3A_1258] : memref<262144x128xf32, #tpu.memory_space<hbm>> -> memref<64x128xf32, #tpu.memory_space<hbm>>
      tpu.enqueue_dma source(%arg9 : memref<64x128xf32, #tpu.memory_space<vmem>>) target(%dma_start3A_1259 : memref<64x128xf32, #tpu.memory_space<hbm>>) target_semaphore(%arg25 : memref<!tpu.dma_semaphore, #tpu.memory_space<semaphore_mem>>)
      %add3A_1260 = arith.constant 4 : i32
      %add3A_1261 = arith.addi %add3A_1246, %add3A_1260 : i32
      %mul3A_1262 = arith.constant 64 : i32
      %mul3A_1263 = arith.muli %add3A_1261, %mul3A_1262 : i32
      %add3A_1264 = arith.constant 0 : i32
      %add3A_1265 = arith.addi %mul3A_1263, %add3A_1264 : i32
      %get3A_1266 = arith.index_cast %add3A_1265 : i32 to index
      %get3A_1267 = tpu.vector_load %arg6[%get3A_1266] {strides = array<i32>} : memref<8192xi32, #tpu.memory_space<vmem>>, vector<16xi32>,
      %get3A_1268 = vector.shape_cast %get3A_1267 : vector<16xi32> to vector<16xi32>
      %sub3A_1269 = arith.subi %get3A_1268, %get3A_4 : vector<16xi32>
      %lt3A_1270 = arith.constant 0 : i32
      %lt3A_1271 = vector.broadcast %lt3A_1270 : i32 to vector<16xi32>
      %lt3A_1272 = arith.cmpi slt, %sub3A_1269, %lt3A_1271 : vector<16xi32>
      %add3A_1273 = arith.constant 262144 : i32
      %add3A_1274 = vector.broadcast %add3A_1273 : i32 to vector<16xi32>
      %add3A_1275 = arith.addi %sub3A_1269, %add3A_1274 : vector<16xi32>
      %select_n3A_1276 = arith.select %lt3A_1272, %add3A_1275, %sub3A_1269 : vector<16xi1>, vector<16xi32>
      %swap3A_1277 = arith.index_cast %add3A_1265 : i32 to index
      %swap3A_1278 = tpu.vector_load %arg6[%swap3A_1277] {strides = array<i32>} : memref<8192xi32, #tpu.memory_space<vmem>>, vector<16xi32>,
      %swap3A_1279 = vector.shape_cast %swap3A_1278 : vector<16xi32> to vector<16xi32>
      %swap3A_1280 = vector.shape_cast %select_n3A_1276 : vector<16xi32> to vector<16xi32>
      tpu.vector_store %arg6[%swap3A_1277], %swap3A_1280 {strides = array<i32>} : memref<8192xi32, #tpu.memory_space<vmem>>, vector<16xi32>,
      %mul3A_1281 = arith.constant 64 : i32
      %mul3A_1282 = arith.muli %add3A_1261, %mul3A_1281 : i32
      %add3A_1283 = arith.constant 16 : i32
      %add3A_1284 = arith.addi %mul3A_1282, %add3A_1283 : i32
      %get3A_1285 = arith.index_cast %add3A_1284 : i32 to index
      %get3A_1286 = tpu.vector_load %arg6[%get3A_1285] {strides = array<i32>} : memref<8192xi32, #tpu.memory_space<vmem>>, vector<16xi32>,
      %get3A_1287 = vector.shape_cast %get3A_1286 : vector<16xi32> to vector<16xi32>
      %sub3A_1288 = arith.subi %get3A_1287, %get3A_4 : vector<16xi32>
      %lt3A_1289 = arith.constant 0 : i32
      %lt3A_1290 = vector.broadcast %lt3A_1289 : i32 to vector<16xi32>
      %lt3A_1291 = arith.cmpi slt, %sub3A_1288, %lt3A_1290 : vector<16xi32>
      %add3A_1292 = arith.constant 262144 : i32
      %add3A_1293 = vector.broadcast %add3A_1292 : i32 to vector<16xi32>
      %add3A_1294 = arith.addi %sub3A_1288, %add3A_1293 : vector<16xi32>
      %select_n3A_1295 = arith.select %lt3A_1291, %add3A_1294, %sub3A_1288 : vector<16xi1>, vector<16xi32>
      %swap3A_1296 = arith.index_cast %add3A_1284 : i32 to index
      %swap3A_1297 = tpu.vector_load %arg6[%swap3A_1296] {strides = array<i32>} : memref<8192xi32, #tpu.memory_space<vmem>>, vector<16xi32>,
      %swap3A_1298 = vector.shape_cast %swap3A_1297 : vector<16xi32> to vector<16xi32>
      %swap3A_1299 = vector.shape_cast %select_n3A_1295 : vector<16xi32> to vector<16xi32>
      tpu.vector_store %arg6[%swap3A_1296], %swap3A_1299 {strides = array<i32>} : memref<8192xi32, #tpu.memory_space<vmem>>, vector<16xi32>,
      %mul3A_1300 = arith.constant 64 : i32
      %mul3A_1301 = arith.muli %add3A_1261, %mul3A_1300 : i32
      %add3A_1302 = arith.constant 32 : i32
      %add3A_1303 = arith.addi %mul3A_1301, %add3A_1302 : i32
      %get3A_1304 = arith.index_cast %add3A_1303 : i32 to index
      %get3A_1305 = tpu.vector_load %arg6[%get3A_1304] {strides = array<i32>} : memref<8192xi32, #tpu.memory_space<vmem>>, vector<16xi32>,
      %get3A_1306 = vector.shape_cast %get3A_1305 : vector<16xi32> to vector<16xi32>
      %sub3A_1307 = arith.subi %get3A_1306, %get3A_4 : vector<16xi32>
      %lt3A_1308 = arith.constant 0 : i32
      %lt3A_1309 = vector.broadcast %lt3A_1308 : i32 to vector<16xi32>
      %lt3A_1310 = arith.cmpi slt, %sub3A_1307, %lt3A_1309 : vector<16xi32>
      %add3A_1311 = arith.constant 262144 : i32
      %add3A_1312 = vector.broadcast %add3A_1311 : i32 to vector<16xi32>
      %add3A_1313 = arith.addi %sub3A_1307, %add3A_1312 : vector<16xi32>
      %select_n3A_1314 = arith.select %lt3A_1310, %add3A_1313, %sub3A_1307 : vector<16xi1>, vector<16xi32>
      %swap3A_1315 = arith.index_cast %add3A_1303 : i32 to index
      %swap3A_1316 = tpu.vector_load %arg6[%swap3A_1315] {strides = array<i32>} : memref<8192xi32, #tpu.memory_space<vmem>>, vector<16xi32>,
      %swap3A_1317 = vector.shape_cast %swap3A_1316 : vector<16xi32> to vector<16xi32>
      %swap3A_1318 = vector.shape_cast %select_n3A_1314 : vector<16xi32> to vector<16xi32>
      tpu.vector_store %arg6[%swap3A_1315], %swap3A_1318 {strides = array<i32>} : memref<8192xi32, #tpu.memory_space<vmem>>, vector<16xi32>,
      %mul3A_1319 = arith.constant 64 : i32
      %mul3A_1320 = arith.muli %add3A_1261, %mul3A_1319 : i32
      %add3A_1321 = arith.constant 48 : i32
      %add3A_1322 = arith.addi %mul3A_1320, %add3A_1321 : i32
      %get3A_1323 = arith.index_cast %add3A_1322 : i32 to index
      %get3A_1324 = tpu.vector_load %arg6[%get3A_1323] {strides = array<i32>} : memref<8192xi32, #tpu.memory_space<vmem>>, vector<16xi32>,
      %get3A_1325 = vector.shape_cast %get3A_1324 : vector<16xi32> to vector<16xi32>
      %sub3A_1326 = arith.subi %get3A_1325, %get3A_4 : vector<16xi32>
      %lt3A_1327 = arith.constant 0 : i32
      %lt3A_1328 = vector.broadcast %lt3A_1327 : i32 to vector<16xi32>
      %lt3A_1329 = arith.cmpi slt, %sub3A_1326, %lt3A_1328 : vector<16xi32>
      %add3A_1330 = arith.constant 262144 : i32
      %add3A_1331 = vector.broadcast %add3A_1330 : i32 to vector<16xi32>
      %add3A_1332 = arith.addi %sub3A_1326, %add3A_1331 : vector<16xi32>
      %select_n3A_1333 = arith.select %lt3A_1329, %add3A_1332, %sub3A_1326 : vector<16xi1>, vector<16xi32>
      %swap3A_1334 = arith.index_cast %add3A_1322 : i32 to index
      %swap3A_1335 = tpu.vector_load %arg6[%swap3A_1334] {strides = array<i32>} : memref<8192xi32, #tpu.memory_space<vmem>>, vector<16xi32>,
      %swap3A_1336 = vector.shape_cast %swap3A_1335 : vector<16xi32> to vector<16xi32>
      %swap3A_1337 = vector.shape_cast %select_n3A_1333 : vector<16xi32> to vector<16xi32>
      tpu.vector_store %arg6[%swap3A_1334], %swap3A_1337 {strides = array<i32>} : memref<8192xi32, #tpu.memory_space<vmem>>, vector<16xi32>,
      %add3A_1338 = arith.constant 4 : i32
      %add3A_1339 = arith.addi %add3A_1246, %add3A_1338 : i32
      %sub3A_1340 = arith.constant 8 : i32
      %sub3A_1341 = arith.subi %add3A_1339, %sub3A_1340 : i32
      %mul3A_1342 = arith.constant 64 : i32
      %mul3A_1343 = arith.muli %sub3A_1341, %mul3A_1342 : i32
      %add3A_1344 = arith.addi %mul3A_2, %mul3A_1343 : i32
      %dma_wait3A_1345 = arith.constant 0 : i32
      %dma_wait3A_1346 = tpu.memref_slice %arg5[%add3A_1344, %dma_wait3A_1345] : memref<262144x128xf32, #tpu.memory_space<hbm>> -> memref<64x128xf32, #tpu.memory_space<hbm>>
      %dma_wait3A_1347 = arith.constant 0 : i32
      %dma_wait3A_1348 = tpu.memref_slice %arg5[%add3A_1344, %dma_wait3A_1347] : memref<262144x128xf32, #tpu.memory_space<hbm>> -> memref<64x128xf32, #tpu.memory_space<hbm>>
      tpu.wait_dma2 semaphore(%arg29 : memref<!tpu.dma_semaphore, #tpu.memory_space<semaphore_mem>>) src(%arg13 : memref<64x128xf32, #tpu.memory_space<vmem>>) dst(%dma_wait3A_1348 : memref<64x128xf32, #tpu.memory_space<hbm>>)
      %add3A_1349 = arith.constant 4 : i32
      %add3A_1350 = arith.addi %add3A_1246, %add3A_1349 : i32
      %mul3A_1351 = arith.constant 64 : i32
      %mul3A_1352 = arith.muli %add3A_1350, %mul3A_1351 : i32
      %dma_start3A_1353 = tpu.memref_slice %arg6[%mul3A_1352] : memref<8192xi32, #tpu.memory_space<vmem>> -> memref<64xi32, #tpu.memory_space<vmem>>
      %dma_start3A_1354 = arith.constant 0 : i32
      %dma_start3A_1355 = arith.constant 0 : i32
      %dma_start3A_1356 = tpu.memref_slice %arg2[%dma_start3A_1354, %dma_start3A_1355] : memref<262144x128xf32, #tpu.memory_space<hbm>> -> memref<262144x128xf32, #tpu.memory_space<hbm>>
      tpu.enqueue_indirect_dma source(%dma_start3A_1356 : memref<262144x128xf32, #tpu.memory_space<hbm>>) target(%arg13 : memref<64x128xf32, #tpu.memory_space<vmem>>) offsets(%dma_start3A_1353 : memref<64xi32, #tpu.memory_space<vmem>>) semaphore(%arg21 : memref<!tpu.dma_semaphore, #tpu.memory_space<semaphore_mem>>)
      %mul3A_1357 = arith.constant 8 : i32
      %mul3A_1358 = arith.muli %scan3A_660, %mul3A_1357 : i32
      %add3A_1359 = arith.constant 4 : i32
      %add3A_1360 = arith.addi %add3A_1359, %mul3A_1358 : i32
      %add3A_1361 = arith.constant 6 : i32
      %add3A_1362 = arith.addi %add3A_1360, %add3A_1361 : i32
      %mul3A_1363 = arith.constant 64 : i32
      %mul3A_1364 = arith.muli %add3A_1362, %mul3A_1363 : i32
      %dma_wait3A_1365 = tpu.memref_slice %arg6[%mul3A_1364] : memref<8192xi32, #tpu.memory_space<vmem>> -> memref<64xi32, #tpu.memory_space<vmem>>
      %dma_wait3A_1366 = arith.constant 0 : i32
      %dma_wait3A_1367 = arith.constant 0 : i32
      %dma_wait3A_1368 = tpu.memref_slice %arg2[%dma_wait3A_1366, %dma_wait3A_1367] : memref<262144x128xf32, #tpu.memory_space<hbm>> -> memref<262144x128xf32, #tpu.memory_space<hbm>>
      tpu.wait_indirect_dma semaphore(%arg18 : memref<!tpu.dma_semaphore, #tpu.memory_space<semaphore_mem>>) src(%dma_wait3A_1368 : memref<262144x128xf32, #tpu.memory_space<hbm>>) dst(%arg10 : memref<64x128xf32, #tpu.memory_space<vmem>>)
      %mul3A_1369 = arith.constant 64 : i32
      %mul3A_1370 = arith.muli %add3A_1362, %mul3A_1369 : i32
      %add3A_1371 = arith.addi %mul3A_2, %mul3A_1370 : i32
      %dma_start3A_1372 = arith.constant 0 : i32
      %dma_start3A_1373 = tpu.memref_slice %arg5[%add3A_1371, %dma_start3A_1372] : memref<262144x128xf32, #tpu.memory_space<hbm>> -> memref<64x128xf32, #tpu.memory_space<hbm>>
      %dma_start3A_1374 = arith.constant 0 : i32
      %dma_start3A_1375 = tpu.memref_slice %arg5[%add3A_1371, %dma_start3A_1374] : memref<262144x128xf32, #tpu.memory_space<hbm>> -> memref<64x128xf32, #tpu.memory_space<hbm>>
      tpu.enqueue_dma source(%arg10 : memref<64x128xf32, #tpu.memory_space<vmem>>) target(%dma_start3A_1375 : memref<64x128xf32, #tpu.memory_space<hbm>>) target_semaphore(%arg26 : memref<!tpu.dma_semaphore, #tpu.memory_space<semaphore_mem>>)
      %add3A_1376 = arith.constant 4 : i32
      %add3A_1377 = arith.addi %add3A_1362, %add3A_1376 : i32
      %mul3A_1378 = arith.constant 64 : i32
      %mul3A_1379 = arith.muli %add3A_1377, %mul3A_1378 : i32
      %add3A_1380 = arith.constant 0 : i32
      %add3A_1381 = arith.addi %mul3A_1379, %add3A_1380 : i32
      %get3A_1382 = arith.index_cast %add3A_1381 : i32 to index
      %get3A_1383 = tpu.vector_load %arg6[%get3A_1382] {strides = array<i32>} : memref<8192xi32, #tpu.memory_space<vmem>>, vector<16xi32>,
      %get3A_1384 = vector.shape_cast %get3A_1383 : vector<16xi32> to vector<16xi32>
      %sub3A_1385 = arith.subi %get3A_1384, %get3A_4 : vector<16xi32>
      %lt3A_1386 = arith.constant 0 : i32
      %lt3A_1387 = vector.broadcast %lt3A_1386 : i32 to vector<16xi32>
      %lt3A_1388 = arith.cmpi slt, %sub3A_1385, %lt3A_1387 : vector<16xi32>
      %add3A_1389 = arith.constant 262144 : i32
      %add3A_1390 = vector.broadcast %add3A_1389 : i32 to vector<16xi32>
      %add3A_1391 = arith.addi %sub3A_1385, %add3A_1390 : vector<16xi32>
      %select_n3A_1392 = arith.select %lt3A_1388, %add3A_1391, %sub3A_1385 : vector<16xi1>, vector<16xi32>
      %swap3A_1393 = arith.index_cast %add3A_1381 : i32 to index
      %swap3A_1394 = tpu.vector_load %arg6[%swap3A_1393] {strides = array<i32>} : memref<8192xi32, #tpu.memory_space<vmem>>, vector<16xi32>,
      %swap3A_1395 = vector.shape_cast %swap3A_1394 : vector<16xi32> to vector<16xi32>
      %swap3A_1396 = vector.shape_cast %select_n3A_1392 : vector<16xi32> to vector<16xi32>
      tpu.vector_store %arg6[%swap3A_1393], %swap3A_1396 {strides = array<i32>} : memref<8192xi32, #tpu.memory_space<vmem>>, vector<16xi32>,
      %mul3A_1397 = arith.constant 64 : i32
      %mul3A_1398 = arith.muli %add3A_1377, %mul3A_1397 : i32
      %add3A_1399 = arith.constant 16 : i32
      %add3A_1400 = arith.addi %mul3A_1398, %add3A_1399 : i32
      %get3A_1401 = arith.index_cast %add3A_1400 : i32 to index
      %get3A_1402 = tpu.vector_load %arg6[%get3A_1401] {strides = array<i32>} : memref<8192xi32, #tpu.memory_space<vmem>>, vector<16xi32>,
      %get3A_1403 = vector.shape_cast %get3A_1402 : vector<16xi32> to vector<16xi32>
      %sub3A_1404 = arith.subi %get3A_1403, %get3A_4 : vector<16xi32>
      %lt3A_1405 = arith.constant 0 : i32
      %lt3A_1406 = vector.broadcast %lt3A_1405 : i32 to vector<16xi32>
      %lt3A_1407 = arith.cmpi slt, %sub3A_1404, %lt3A_1406 : vector<16xi32>
      %add3A_1408 = arith.constant 262144 : i32
      %add3A_1409 = vector.broadcast %add3A_1408 : i32 to vector<16xi32>
      %add3A_1410 = arith.addi %sub3A_1404, %add3A_1409 : vector<16xi32>
      %select_n3A_1411 = arith.select %lt3A_1407, %add3A_1410, %sub3A_1404 : vector<16xi1>, vector<16xi32>
      %swap3A_1412 = arith.index_cast %add3A_1400 : i32 to index
      %swap3A_1413 = tpu.vector_load %arg6[%swap3A_1412] {strides = array<i32>} : memref<8192xi32, #tpu.memory_space<vmem>>, vector<16xi32>,
      %swap3A_1414 = vector.shape_cast %swap3A_1413 : vector<16xi32> to vector<16xi32>
      %swap3A_1415 = vector.shape_cast %select_n3A_1411 : vector<16xi32> to vector<16xi32>
      tpu.vector_store %arg6[%swap3A_1412], %swap3A_1415 {strides = array<i32>} : memref<8192xi32, #tpu.memory_space<vmem>>, vector<16xi32>,
      %mul3A_1416 = arith.constant 64 : i32
      %mul3A_1417 = arith.muli %add3A_1377, %mul3A_1416 : i32
      %add3A_1418 = arith.constant 32 : i32
      %add3A_1419 = arith.addi %mul3A_1417, %add3A_1418 : i32
      %get3A_1420 = arith.index_cast %add3A_1419 : i32 to index
      %get3A_1421 = tpu.vector_load %arg6[%get3A_1420] {strides = array<i32>} : memref<8192xi32, #tpu.memory_space<vmem>>, vector<16xi32>,
      %get3A_1422 = vector.shape_cast %get3A_1421 : vector<16xi32> to vector<16xi32>
      %sub3A_1423 = arith.subi %get3A_1422, %get3A_4 : vector<16xi32>
      %lt3A_1424 = arith.constant 0 : i32
      %lt3A_1425 = vector.broadcast %lt3A_1424 : i32 to vector<16xi32>
      %lt3A_1426 = arith.cmpi slt, %sub3A_1423, %lt3A_1425 : vector<16xi32>
      %add3A_1427 = arith.constant 262144 : i32
      %add3A_1428 = vector.broadcast %add3A_1427 : i32 to vector<16xi32>
      %add3A_1429 = arith.addi %sub3A_1423, %add3A_1428 : vector<16xi32>
      %select_n3A_1430 = arith.select %lt3A_1426, %add3A_1429, %sub3A_1423 : vector<16xi1>, vector<16xi32>
      %swap3A_1431 = arith.index_cast %add3A_1419 : i32 to index
      %swap3A_1432 = tpu.vector_load %arg6[%swap3A_1431] {strides = array<i32>} : memref<8192xi32, #tpu.memory_space<vmem>>, vector<16xi32>,
      %swap3A_1433 = vector.shape_cast %swap3A_1432 : vector<16xi32> to vector<16xi32>
      %swap3A_1434 = vector.shape_cast %select_n3A_1430 : vector<16xi32> to vector<16xi32>
      tpu.vector_store %arg6[%swap3A_1431], %swap3A_1434 {strides = array<i32>} : memref<8192xi32, #tpu.memory_space<vmem>>, vector<16xi32>,
      %mul3A_1435 = arith.constant 64 : i32
      %mul3A_1436 = arith.muli %add3A_1377, %mul3A_1435 : i32
      %add3A_1437 = arith.constant 48 : i32
      %add3A_1438 = arith.addi %mul3A_1436, %add3A_1437 : i32
      %get3A_1439 = arith.index_cast %add3A_1438 : i32 to index
      %get3A_1440 = tpu.vector_load %arg6[%get3A_1439] {strides = array<i32>} : memref<8192xi32, #tpu.memory_space<vmem>>, vector<16xi32>,
      %get3A_1441 = vector.shape_cast %get3A_1440 : vector<16xi32> to vector<16xi32>
      %sub3A_1442 = arith.subi %get3A_1441, %get3A_4 : vector<16xi32>
      %lt3A_1443 = arith.constant 0 : i32
      %lt3A_1444 = vector.broadcast %lt3A_1443 : i32 to vector<16xi32>
      %lt3A_1445 = arith.cmpi slt, %sub3A_1442, %lt3A_1444 : vector<16xi32>
      %add3A_1446 = arith.constant 262144 : i32
      %add3A_1447 = vector.broadcast %add3A_1446 : i32 to vector<16xi32>
      %add3A_1448 = arith.addi %sub3A_1442, %add3A_1447 : vector<16xi32>
      %select_n3A_1449 = arith.select %lt3A_1445, %add3A_1448, %sub3A_1442 : vector<16xi1>, vector<16xi32>
      %swap3A_1450 = arith.index_cast %add3A_1438 : i32 to index
      %swap3A_1451 = tpu.vector_load %arg6[%swap3A_1450] {strides = array<i32>} : memref<8192xi32, #tpu.memory_space<vmem>>, vector<16xi32>,
      %swap3A_1452 = vector.shape_cast %swap3A_1451 : vector<16xi32> to vector<16xi32>
      %swap3A_1453 = vector.shape_cast %select_n3A_1449 : vector<16xi32> to vector<16xi32>
      tpu.vector_store %arg6[%swap3A_1450], %swap3A_1453 {strides = array<i32>} : memref<8192xi32, #tpu.memory_space<vmem>>, vector<16xi32>,
      %add3A_1454 = arith.constant 4 : i32
      %add3A_1455 = arith.addi %add3A_1362, %add3A_1454 : i32
      %sub3A_1456 = arith.constant 8 : i32
      %sub3A_1457 = arith.subi %add3A_1455, %sub3A_1456 : i32
      %mul3A_1458 = arith.constant 64 : i32
      %mul3A_1459 = arith.muli %sub3A_1457, %mul3A_1458 : i32
      %add3A_1460 = arith.addi %mul3A_2, %mul3A_1459 : i32
      %dma_wait3A_1461 = arith.constant 0 : i32
      %dma_wait3A_1462 = tpu.memref_slice %arg5[%add3A_1460, %dma_wait3A_1461] : memref<262144x128xf32, #tpu.memory_space<hbm>> -> memref<64x128xf32, #tpu.memory_space<hbm>>
      %dma_wait3A_1463 = arith.constant 0 : i32
      %dma_wait3A_1464 = tpu.memref_slice %arg5[%add3A_1460, %dma_wait3A_1463] : memref<262144x128xf32, #tpu.memory_space<hbm>> -> memref<64x128xf32, #tpu.memory_space<hbm>>
      tpu.wait_dma2 semaphore(%arg30 : memref<!tpu.dma_semaphore, #tpu.memory_space<semaphore_mem>>) src(%arg14 : memref<64x128xf32, #tpu.memory_space<vmem>>) dst(%dma_wait3A_1464 : memref<64x128xf32, #tpu.memory_space<hbm>>)
      %add3A_1465 = arith.constant 4 : i32
      %add3A_1466 = arith.addi %add3A_1362, %add3A_1465 : i32
      %mul3A_1467 = arith.constant 64 : i32
      %mul3A_1468 = arith.muli %add3A_1466, %mul3A_1467 : i32
      %dma_start3A_1469 = tpu.memref_slice %arg6[%mul3A_1468] : memref<8192xi32, #tpu.memory_space<vmem>> -> memref<64xi32, #tpu.memory_space<vmem>>
      %dma_start3A_1470 = arith.constant 0 : i32
      %dma_start3A_1471 = arith.constant 0 : i32
      %dma_start3A_1472 = tpu.memref_slice %arg2[%dma_start3A_1470, %dma_start3A_1471] : memref<262144x128xf32, #tpu.memory_space<hbm>> -> memref<262144x128xf32, #tpu.memory_space<hbm>>
      tpu.enqueue_indirect_dma source(%dma_start3A_1472 : memref<262144x128xf32, #tpu.memory_space<hbm>>) target(%arg14 : memref<64x128xf32, #tpu.memory_space<vmem>>) offsets(%dma_start3A_1469 : memref<64xi32, #tpu.memory_space<vmem>>) semaphore(%arg22 : memref<!tpu.dma_semaphore, #tpu.memory_space<semaphore_mem>>)
      %mul3A_1473 = arith.constant 8 : i32
      %mul3A_1474 = arith.muli %scan3A_660, %mul3A_1473 : i32
      %add3A_1475 = arith.constant 4 : i32
      %add3A_1476 = arith.addi %add3A_1475, %mul3A_1474 : i32
      %add3A_1477 = arith.constant 7 : i32
      %add3A_1478 = arith.addi %add3A_1476, %add3A_1477 : i32
      %mul3A_1479 = arith.constant 64 : i32
      %mul3A_1480 = arith.muli %add3A_1478, %mul3A_1479 : i32
      %dma_wait3A_1481 = tpu.memref_slice %arg6[%mul3A_1480] : memref<8192xi32, #tpu.memory_space<vmem>> -> memref<64xi32, #tpu.memory_space<vmem>>
      %dma_wait3A_1482 = arith.constant 0 : i32
      %dma_wait3A_1483 = arith.constant 0 : i32
      %dma_wait3A_1484 = tpu.memref_slice %arg2[%dma_wait3A_1482, %dma_wait3A_1483] : memref<262144x128xf32, #tpu.memory_space<hbm>> -> memref<262144x128xf32, #tpu.memory_space<hbm>>
      tpu.wait_indirect_dma semaphore(%arg19 : memref<!tpu.dma_semaphore, #tpu.memory_space<semaphore_mem>>) src(%dma_wait3A_1484 : memref<262144x128xf32, #tpu.memory_space<hbm>>) dst(%arg11 : memref<64x128xf32, #tpu.memory_space<vmem>>)
      %mul3A_1485 = arith.constant 64 : i32
      %mul3A_1486 = arith.muli %add3A_1478, %mul3A_1485 : i32
      %add3A_1487 = arith.addi %mul3A_2, %mul3A_1486 : i32
      %dma_start3A_1488 = arith.constant 0 : i32
      %dma_start3A_1489 = tpu.memref_slice %arg5[%add3A_1487, %dma_start3A_1488] : memref<262144x128xf32, #tpu.memory_space<hbm>> -> memref<64x128xf32, #tpu.memory_space<hbm>>
      %dma_start3A_1490 = arith.constant 0 : i32
      %dma_start3A_1491 = tpu.memref_slice %arg5[%add3A_1487, %dma_start3A_1490] : memref<262144x128xf32, #tpu.memory_space<hbm>> -> memref<64x128xf32, #tpu.memory_space<hbm>>
      tpu.enqueue_dma source(%arg11 : memref<64x128xf32, #tpu.memory_space<vmem>>) target(%dma_start3A_1491 : memref<64x128xf32, #tpu.memory_space<hbm>>) target_semaphore(%arg27 : memref<!tpu.dma_semaphore, #tpu.memory_space<semaphore_mem>>)
      %add3A_1492 = arith.constant 4 : i32
      %add3A_1493 = arith.addi %add3A_1478, %add3A_1492 : i32
      %mul3A_1494 = arith.constant 64 : i32
      %mul3A_1495 = arith.muli %add3A_1493, %mul3A_1494 : i32
      %add3A_1496 = arith.constant 0 : i32
      %add3A_1497 = arith.addi %mul3A_1495, %add3A_1496 : i32
      %get3A_1498 = arith.index_cast %add3A_1497 : i32 to index
      %get3A_1499 = tpu.vector_load %arg6[%get3A_1498] {strides = array<i32>} : memref<8192xi32, #tpu.memory_space<vmem>>, vector<16xi32>,
      %get3A_1500 = vector.shape_cast %get3A_1499 : vector<16xi32> to vector<16xi32>
      %sub3A_1501 = arith.subi %get3A_1500, %get3A_4 : vector<16xi32>
      %lt3A_1502 = arith.constant 0 : i32
      %lt3A_1503 = vector.broadcast %lt3A_1502 : i32 to vector<16xi32>
      %lt3A_1504 = arith.cmpi slt, %sub3A_1501, %lt3A_1503 : vector<16xi32>
      %add3A_1505 = arith.constant 262144 : i32
      %add3A_1506 = vector.broadcast %add3A_1505 : i32 to vector<16xi32>
      %add3A_1507 = arith.addi %sub3A_1501, %add3A_1506 : vector<16xi32>
      %select_n3A_1508 = arith.select %lt3A_1504, %add3A_1507, %sub3A_1501 : vector<16xi1>, vector<16xi32>
      %swap3A_1509 = arith.index_cast %add3A_1497 : i32 to index
      %swap3A_1510 = tpu.vector_load %arg6[%swap3A_1509] {strides = array<i32>} : memref<8192xi32, #tpu.memory_space<vmem>>, vector<16xi32>,
      %swap3A_1511 = vector.shape_cast %swap3A_1510 : vector<16xi32> to vector<16xi32>
      %swap3A_1512 = vector.shape_cast %select_n3A_1508 : vector<16xi32> to vector<16xi32>
      tpu.vector_store %arg6[%swap3A_1509], %swap3A_1512 {strides = array<i32>} : memref<8192xi32, #tpu.memory_space<vmem>>, vector<16xi32>,
      %mul3A_1513 = arith.constant 64 : i32
      %mul3A_1514 = arith.muli %add3A_1493, %mul3A_1513 : i32
      %add3A_1515 = arith.constant 16 : i32
      %add3A_1516 = arith.addi %mul3A_1514, %add3A_1515 : i32
      %get3A_1517 = arith.index_cast %add3A_1516 : i32 to index
      %get3A_1518 = tpu.vector_load %arg6[%get3A_1517] {strides = array<i32>} : memref<8192xi32, #tpu.memory_space<vmem>>, vector<16xi32>,
      %get3A_1519 = vector.shape_cast %get3A_1518 : vector<16xi32> to vector<16xi32>
      %sub3A_1520 = arith.subi %get3A_1519, %get3A_4 : vector<16xi32>
      %lt3A_1521 = arith.constant 0 : i32
      %lt3A_1522 = vector.broadcast %lt3A_1521 : i32 to vector<16xi32>
      %lt3A_1523 = arith.cmpi slt, %sub3A_1520, %lt3A_1522 : vector<16xi32>
      %add3A_1524 = arith.constant 262144 : i32
      %add3A_1525 = vector.broadcast %add3A_1524 : i32 to vector<16xi32>
      %add3A_1526 = arith.addi %sub3A_1520, %add3A_1525 : vector<16xi32>
      %select_n3A_1527 = arith.select %lt3A_1523, %add3A_1526, %sub3A_1520 : vector<16xi1>, vector<16xi32>
      %swap3A_1528 = arith.index_cast %add3A_1516 : i32 to index
      %swap3A_1529 = tpu.vector_load %arg6[%swap3A_1528] {strides = array<i32>} : memref<8192xi32, #tpu.memory_space<vmem>>, vector<16xi32>,
      %swap3A_1530 = vector.shape_cast %swap3A_1529 : vector<16xi32> to vector<16xi32>
      %swap3A_1531 = vector.shape_cast %select_n3A_1527 : vector<16xi32> to vector<16xi32>
      tpu.vector_store %arg6[%swap3A_1528], %swap3A_1531 {strides = array<i32>} : memref<8192xi32, #tpu.memory_space<vmem>>, vector<16xi32>,
      %mul3A_1532 = arith.constant 64 : i32
      %mul3A_1533 = arith.muli %add3A_1493, %mul3A_1532 : i32
      %add3A_1534 = arith.constant 32 : i32
      %add3A_1535 = arith.addi %mul3A_1533, %add3A_1534 : i32
      %get3A_1536 = arith.index_cast %add3A_1535 : i32 to index
      %get3A_1537 = tpu.vector_load %arg6[%get3A_1536] {strides = array<i32>} : memref<8192xi32, #tpu.memory_space<vmem>>, vector<16xi32>,
      %get3A_1538 = vector.shape_cast %get3A_1537 : vector<16xi32> to vector<16xi32>
      %sub3A_1539 = arith.subi %get3A_1538, %get3A_4 : vector<16xi32>
      %lt3A_1540 = arith.constant 0 : i32
      %lt3A_1541 = vector.broadcast %lt3A_1540 : i32 to vector<16xi32>
      %lt3A_1542 = arith.cmpi slt, %sub3A_1539, %lt3A_1541 : vector<16xi32>
      %add3A_1543 = arith.constant 262144 : i32
      %add3A_1544 = vector.broadcast %add3A_1543 : i32 to vector<16xi32>
      %add3A_1545 = arith.addi %sub3A_1539, %add3A_1544 : vector<16xi32>
      %select_n3A_1546 = arith.select %lt3A_1542, %add3A_1545, %sub3A_1539 : vector<16xi1>, vector<16xi32>
      %swap3A_1547 = arith.index_cast %add3A_1535 : i32 to index
      %swap3A_1548 = tpu.vector_load %arg6[%swap3A_1547] {strides = array<i32>} : memref<8192xi32, #tpu.memory_space<vmem>>, vector<16xi32>,
      %swap3A_1549 = vector.shape_cast %swap3A_1548 : vector<16xi32> to vector<16xi32>
      %swap3A_1550 = vector.shape_cast %select_n3A_1546 : vector<16xi32> to vector<16xi32>
      tpu.vector_store %arg6[%swap3A_1547], %swap3A_1550 {strides = array<i32>} : memref<8192xi32, #tpu.memory_space<vmem>>, vector<16xi32>,
      %mul3A_1551 = arith.constant 64 : i32
      %mul3A_1552 = arith.muli %add3A_1493, %mul3A_1551 : i32
      %add3A_1553 = arith.constant 48 : i32
      %add3A_1554 = arith.addi %mul3A_1552, %add3A_1553 : i32
      %get3A_1555 = arith.index_cast %add3A_1554 : i32 to index
      %get3A_1556 = tpu.vector_load %arg6[%get3A_1555] {strides = array<i32>} : memref<8192xi32, #tpu.memory_space<vmem>>, vector<16xi32>,
      %get3A_1557 = vector.shape_cast %get3A_1556 : vector<16xi32> to vector<16xi32>
      %sub3A_1558 = arith.subi %get3A_1557, %get3A_4 : vector<16xi32>
      %lt3A_1559 = arith.constant 0 : i32
      %lt3A_1560 = vector.broadcast %lt3A_1559 : i32 to vector<16xi32>
      %lt3A_1561 = arith.cmpi slt, %sub3A_1558, %lt3A_1560 : vector<16xi32>
      %add3A_1562 = arith.constant 262144 : i32
      %add3A_1563 = vector.broadcast %add3A_1562 : i32 to vector<16xi32>
      %add3A_1564 = arith.addi %sub3A_1558, %add3A_1563 : vector<16xi32>
      %select_n3A_1565 = arith.select %lt3A_1561, %add3A_1564, %sub3A_1558 : vector<16xi1>, vector<16xi32>
      %swap3A_1566 = arith.index_cast %add3A_1554 : i32 to index
      %swap3A_1567 = tpu.vector_load %arg6[%swap3A_1566] {strides = array<i32>} : memref<8192xi32, #tpu.memory_space<vmem>>, vector<16xi32>,
      %swap3A_1568 = vector.shape_cast %swap3A_1567 : vector<16xi32> to vector<16xi32>
      %swap3A_1569 = vector.shape_cast %select_n3A_1565 : vector<16xi32> to vector<16xi32>
      tpu.vector_store %arg6[%swap3A_1566], %swap3A_1569 {strides = array<i32>} : memref<8192xi32, #tpu.memory_space<vmem>>, vector<16xi32>,
      %add3A_1570 = arith.constant 4 : i32
      %add3A_1571 = arith.addi %add3A_1478, %add3A_1570 : i32
      %sub3A_1572 = arith.constant 8 : i32
      %sub3A_1573 = arith.subi %add3A_1571, %sub3A_1572 : i32
      %mul3A_1574 = arith.constant 64 : i32
      %mul3A_1575 = arith.muli %sub3A_1573, %mul3A_1574 : i32
      %add3A_1576 = arith.addi %mul3A_2, %mul3A_1575 : i32
      %dma_wait3A_1577 = arith.constant 0 : i32
      %dma_wait3A_1578 = tpu.memref_slice %arg5[%add3A_1576, %dma_wait3A_1577] : memref<262144x128xf32, #tpu.memory_space<hbm>> -> memref<64x128xf32, #tpu.memory_space<hbm>>
      %dma_wait3A_1579 = arith.constant 0 : i32
      %dma_wait3A_1580 = tpu.memref_slice %arg5[%add3A_1576, %dma_wait3A_1579] : memref<262144x128xf32, #tpu.memory_space<hbm>> -> memref<64x128xf32, #tpu.memory_space<hbm>>
      tpu.wait_dma2 semaphore(%arg31 : memref<!tpu.dma_semaphore, #tpu.memory_space<semaphore_mem>>) src(%arg15 : memref<64x128xf32, #tpu.memory_space<vmem>>) dst(%dma_wait3A_1580 : memref<64x128xf32, #tpu.memory_space<hbm>>)
      %add3A_1581 = arith.constant 4 : i32
      %add3A_1582 = arith.addi %add3A_1478, %add3A_1581 : i32
      %mul3A_1583 = arith.constant 64 : i32
      %mul3A_1584 = arith.muli %add3A_1582, %mul3A_1583 : i32
      %dma_start3A_1585 = tpu.memref_slice %arg6[%mul3A_1584] : memref<8192xi32, #tpu.memory_space<vmem>> -> memref<64xi32, #tpu.memory_space<vmem>>
      %dma_start3A_1586 = arith.constant 0 : i32
      %dma_start3A_1587 = arith.constant 0 : i32
      %dma_start3A_1588 = tpu.memref_slice %arg2[%dma_start3A_1586, %dma_start3A_1587] : memref<262144x128xf32, #tpu.memory_space<hbm>> -> memref<262144x128xf32, #tpu.memory_space<hbm>>
      tpu.enqueue_indirect_dma source(%dma_start3A_1588 : memref<262144x128xf32, #tpu.memory_space<hbm>>) target(%arg15 : memref<64x128xf32, #tpu.memory_space<vmem>>) offsets(%dma_start3A_1585 : memref<64xi32, #tpu.memory_space<vmem>>) semaphore(%arg23 : memref<!tpu.dma_semaphore, #tpu.memory_space<semaphore_mem>>)
    }
    %scan3A_567 = arith.constant 15 : i32
    %dma_wait3A_568 = arith.constant 7936 : i32
    %dma_wait3A_569 = tpu.memref_slice %arg6[%dma_wait3A_568] : memref<8192xi32, #tpu.memory_space<vmem>> -> memref<64xi32, #tpu.memory_space<vmem>>
    %dma_wait3A_570 = arith.constant 0 : i32
    %dma_wait3A_571 = arith.constant 0 : i32
    %dma_wait3A_572 = tpu.memref_slice %arg2[%dma_wait3A_570, %dma_wait3A_571] : memref<262144x128xf32, #tpu.memory_space<hbm>> -> memref<262144x128xf32, #tpu.memory_space<hbm>>
    tpu.wait_indirect_dma semaphore(%arg20 : memref<!tpu.dma_semaphore, #tpu.memory_space<semaphore_mem>>) src(%dma_wait3A_572 : memref<262144x128xf32, #tpu.memory_space<hbm>>) dst(%arg12 : memref<64x128xf32, #tpu.memory_space<vmem>>)
    %add3A_573 = arith.constant 7936 : i32
    %add3A_574 = arith.addi %mul3A_2, %add3A_573 : i32
    %dma_start3A_575 = arith.constant 0 : i32
    %dma_start3A_576 = tpu.memref_slice %arg5[%add3A_574, %dma_start3A_575] : memref<262144x128xf32, #tpu.memory_space<hbm>> -> memref<64x128xf32, #tpu.memory_space<hbm>>
    %dma_start3A_577 = arith.constant 0 : i32
    %dma_start3A_578 = tpu.memref_slice %arg5[%add3A_574, %dma_start3A_577] : memref<262144x128xf32, #tpu.memory_space<hbm>> -> memref<64x128xf32, #tpu.memory_space<hbm>>
    tpu.enqueue_dma source(%arg12 : memref<64x128xf32, #tpu.memory_space<vmem>>) target(%dma_start3A_578 : memref<64x128xf32, #tpu.memory_space<hbm>>) target_semaphore(%arg28 : memref<!tpu.dma_semaphore, #tpu.memory_space<semaphore_mem>>)
    %dma_wait3A_579 = arith.constant 8000 : i32
    %dma_wait3A_580 = tpu.memref_slice %arg6[%dma_wait3A_579] : memref<8192xi32, #tpu.memory_space<vmem>> -> memref<64xi32, #tpu.memory_space<vmem>>
    %dma_wait3A_581 = arith.constant 0 : i32
    %dma_wait3A_582 = arith.constant 0 : i32
    %dma_wait3A_583 = tpu.memref_slice %arg2[%dma_wait3A_581, %dma_wait3A_582] : memref<262144x128xf32, #tpu.memory_space<hbm>> -> memref<262144x128xf32, #tpu.memory_space<hbm>>
    tpu.wait_indirect_dma semaphore(%arg21 : memref<!tpu.dma_semaphore, #tpu.memory_space<semaphore_mem>>) src(%dma_wait3A_583 : memref<262144x128xf32, #tpu.memory_space<hbm>>) dst(%arg13 : memref<64x128xf32, #tpu.memory_space<vmem>>)
    %add3A_584 = arith.constant 8000 : i32
    %add3A_585 = arith.addi %mul3A_2, %add3A_584 : i32
    %dma_start3A_586 = arith.constant 0 : i32
    %dma_start3A_587 = tpu.memref_slice %arg5[%add3A_585, %dma_start3A_586] : memref<262144x128xf32, #tpu.memory_space<hbm>> -> memref<64x128xf32, #tpu.memory_space<hbm>>
    %dma_start3A_588 = arith.constant 0 : i32
    %dma_start3A_589 = tpu.memref_slice %arg5[%add3A_585, %dma_start3A_588] : memref<262144x128xf32, #tpu.memory_space<hbm>> -> memref<64x128xf32, #tpu.memory_space<hbm>>
    tpu.enqueue_dma source(%arg13 : memref<64x128xf32, #tpu.memory_space<vmem>>) target(%dma_start3A_589 : memref<64x128xf32, #tpu.memory_space<hbm>>) target_semaphore(%arg29 : memref<!tpu.dma_semaphore, #tpu.memory_space<semaphore_mem>>)
    %dma_wait3A_590 = arith.constant 8064 : i32
    %dma_wait3A_591 = tpu.memref_slice %arg6[%dma_wait3A_590] : memref<8192xi32, #tpu.memory_space<vmem>> -> memref<64xi32, #tpu.memory_space<vmem>>
    %dma_wait3A_592 = arith.constant 0 : i32
    %dma_wait3A_593 = arith.constant 0 : i32
    %dma_wait3A_594 = tpu.memref_slice %arg2[%dma_wait3A_592, %dma_wait3A_593] : memref<262144x128xf32, #tpu.memory_space<hbm>> -> memref<262144x128xf32, #tpu.memory_space<hbm>>
    tpu.wait_indirect_dma semaphore(%arg22 : memref<!tpu.dma_semaphore, #tpu.memory_space<semaphore_mem>>) src(%dma_wait3A_594 : memref<262144x128xf32, #tpu.memory_space<hbm>>) dst(%arg14 : memref<64x128xf32, #tpu.memory_space<vmem>>)
    %add3A_595 = arith.constant 8064 : i32
    %add3A_596 = arith.addi %mul3A_2, %add3A_595 : i32
    %dma_start3A_597 = arith.constant 0 : i32
    %dma_start3A_598 = tpu.memref_slice %arg5[%add3A_596, %dma_start3A_597] : memref<262144x128xf32, #tpu.memory_space<hbm>> -> memref<64x128xf32, #tpu.memory_space<hbm>>
    %dma_start3A_599 = arith.constant 0 : i32
    %dma_start3A_600 = tpu.memref_slice %arg5[%add3A_596, %dma_start3A_599] : memref<262144x128xf32, #tpu.memory_space<hbm>> -> memref<64x128xf32, #tpu.memory_space<hbm>>
    tpu.enqueue_dma source(%arg14 : memref<64x128xf32, #tpu.memory_space<vmem>>) target(%dma_start3A_600 : memref<64x128xf32, #tpu.memory_space<hbm>>) target_semaphore(%arg30 : memref<!tpu.dma_semaphore, #tpu.memory_space<semaphore_mem>>)
    %dma_wait3A_601 = arith.constant 8128 : i32
    %dma_wait3A_602 = tpu.memref_slice %arg6[%dma_wait3A_601] : memref<8192xi32, #tpu.memory_space<vmem>> -> memref<64xi32, #tpu.memory_space<vmem>>
    %dma_wait3A_603 = arith.constant 0 : i32
    %dma_wait3A_604 = arith.constant 0 : i32
    %dma_wait3A_605 = tpu.memref_slice %arg2[%dma_wait3A_603, %dma_wait3A_604] : memref<262144x128xf32, #tpu.memory_space<hbm>> -> memref<262144x128xf32, #tpu.memory_space<hbm>>
    tpu.wait_indirect_dma semaphore(%arg23 : memref<!tpu.dma_semaphore, #tpu.memory_space<semaphore_mem>>) src(%dma_wait3A_605 : memref<262144x128xf32, #tpu.memory_space<hbm>>) dst(%arg15 : memref<64x128xf32, #tpu.memory_space<vmem>>)
    %add3A_606 = arith.constant 8128 : i32
    %add3A_607 = arith.addi %mul3A_2, %add3A_606 : i32
    %dma_start3A_608 = arith.constant 0 : i32
    %dma_start3A_609 = tpu.memref_slice %arg5[%add3A_607, %dma_start3A_608] : memref<262144x128xf32, #tpu.memory_space<hbm>> -> memref<64x128xf32, #tpu.memory_space<hbm>>
    %dma_start3A_610 = arith.constant 0 : i32
    %dma_start3A_611 = tpu.memref_slice %arg5[%add3A_607, %dma_start3A_610] : memref<262144x128xf32, #tpu.memory_space<hbm>> -> memref<64x128xf32, #tpu.memory_space<hbm>>
    tpu.enqueue_dma source(%arg15 : memref<64x128xf32, #tpu.memory_space<vmem>>) target(%dma_start3A_611 : memref<64x128xf32, #tpu.memory_space<hbm>>) target_semaphore(%arg31 : memref<!tpu.dma_semaphore, #tpu.memory_space<semaphore_mem>>)
    %add3A_612 = arith.constant 7680 : i32
    %add3A_613 = arith.addi %mul3A_2, %add3A_612 : i32
    %dma_wait3A_614 = arith.constant 0 : i32
    %dma_wait3A_615 = tpu.memref_slice %arg5[%add3A_613, %dma_wait3A_614] : memref<262144x128xf32, #tpu.memory_space<hbm>> -> memref<64x128xf32, #tpu.memory_space<hbm>>
    %dma_wait3A_616 = arith.constant 0 : i32
    %dma_wait3A_617 = tpu.memref_slice %arg5[%add3A_613, %dma_wait3A_616] : memref<262144x128xf32, #tpu.memory_space<hbm>> -> memref<64x128xf32, #tpu.memory_space<hbm>>
    tpu.wait_dma2 semaphore(%arg24 : memref<!tpu.dma_semaphore, #tpu.memory_space<semaphore_mem>>) src(%arg8 : memref<64x128xf32, #tpu.memory_space<vmem>>) dst(%dma_wait3A_617 : memref<64x128xf32, #tpu.memory_space<hbm>>)
    %add3A_618 = arith.constant 7744 : i32
    %add3A_619 = arith.addi %mul3A_2, %add3A_618 : i32
    %dma_wait3A_620 = arith.constant 0 : i32
    %dma_wait3A_621 = tpu.memref_slice %arg5[%add3A_619, %dma_wait3A_620] : memref<262144x128xf32, #tpu.memory_space<hbm>> -> memref<64x128xf32, #tpu.memory_space<hbm>>
    %dma_wait3A_622 = arith.constant 0 : i32
    %dma_wait3A_623 = tpu.memref_slice %arg5[%add3A_619, %dma_wait3A_622] : memref<262144x128xf32, #tpu.memory_space<hbm>> -> memref<64x128xf32, #tpu.memory_space<hbm>>
    tpu.wait_dma2 semaphore(%arg25 : memref<!tpu.dma_semaphore, #tpu.memory_space<semaphore_mem>>) src(%arg9 : memref<64x128xf32, #tpu.memory_space<vmem>>) dst(%dma_wait3A_623 : memref<64x128xf32, #tpu.memory_space<hbm>>)
    %add3A_624 = arith.constant 7808 : i32
    %add3A_625 = arith.addi %mul3A_2, %add3A_624 : i32
    %dma_wait3A_626 = arith.constant 0 : i32
    %dma_wait3A_627 = tpu.memref_slice %arg5[%add3A_625, %dma_wait3A_626] : memref<262144x128xf32, #tpu.memory_space<hbm>> -> memref<64x128xf32, #tpu.memory_space<hbm>>
    %dma_wait3A_628 = arith.constant 0 : i32
    %dma_wait3A_629 = tpu.memref_slice %arg5[%add3A_625, %dma_wait3A_628] : memref<262144x128xf32, #tpu.memory_space<hbm>> -> memref<64x128xf32, #tpu.memory_space<hbm>>
    tpu.wait_dma2 semaphore(%arg26 : memref<!tpu.dma_semaphore, #tpu.memory_space<semaphore_mem>>) src(%arg10 : memref<64x128xf32, #tpu.memory_space<vmem>>) dst(%dma_wait3A_629 : memref<64x128xf32, #tpu.memory_space<hbm>>)
    %add3A_630 = arith.constant 7872 : i32
    %add3A_631 = arith.addi %mul3A_2, %add3A_630 : i32
    %dma_wait3A_632 = arith.constant 0 : i32
    %dma_wait3A_633 = tpu.memref_slice %arg5[%add3A_631, %dma_wait3A_632] : memref<262144x128xf32, #tpu.memory_space<hbm>> -> memref<64x128xf32, #tpu.memory_space<hbm>>
    %dma_wait3A_634 = arith.constant 0 : i32
    %dma_wait3A_635 = tpu.memref_slice %arg5[%add3A_631, %dma_wait3A_634] : memref<262144x128xf32, #tpu.memory_space<hbm>> -> memref<64x128xf32, #tpu.memory_space<hbm>>
    tpu.wait_dma2 semaphore(%arg27 : memref<!tpu.dma_semaphore, #tpu.memory_space<semaphore_mem>>) src(%arg11 : memref<64x128xf32, #tpu.memory_space<vmem>>) dst(%dma_wait3A_635 : memref<64x128xf32, #tpu.memory_space<hbm>>)
    %add3A_636 = arith.constant 7936 : i32
    %add3A_637 = arith.addi %mul3A_2, %add3A_636 : i32
    %dma_wait3A_638 = arith.constant 0 : i32
    %dma_wait3A_639 = tpu.memref_slice %arg5[%add3A_637, %dma_wait3A_638] : memref<262144x128xf32, #tpu.memory_space<hbm>> -> memref<64x128xf32, #tpu.memory_space<hbm>>
    %dma_wait3A_640 = arith.constant 0 : i32
    %dma_wait3A_641 = tpu.memref_slice %arg5[%add3A_637, %dma_wait3A_640] : memref<262144x128xf32, #tpu.memory_space<hbm>> -> memref<64x128xf32, #tpu.memory_space<hbm>>
    tpu.wait_dma2 semaphore(%arg28 : memref<!tpu.dma_semaphore, #tpu.memory_space<semaphore_mem>>) src(%arg12 : memref<64x128xf32, #tpu.memory_space<vmem>>) dst(%dma_wait3A_641 : memref<64x128xf32, #tpu.memory_space<hbm>>)
    %add3A_642 = arith.constant 8000 : i32
    %add3A_643 = arith.addi %mul3A_2, %add3A_642 : i32
    %dma_wait3A_644 = arith.constant 0 : i32
    %dma_wait3A_645 = tpu.memref_slice %arg5[%add3A_643, %dma_wait3A_644] : memref<262144x128xf32, #tpu.memory_space<hbm>> -> memref<64x128xf32, #tpu.memory_space<hbm>>
    %dma_wait3A_646 = arith.constant 0 : i32
    %dma_wait3A_647 = tpu.memref_slice %arg5[%add3A_643, %dma_wait3A_646] : memref<262144x128xf32, #tpu.memory_space<hbm>> -> memref<64x128xf32, #tpu.memory_space<hbm>>
    tpu.wait_dma2 semaphore(%arg29 : memref<!tpu.dma_semaphore, #tpu.memory_space<semaphore_mem>>) src(%arg13 : memref<64x128xf32, #tpu.memory_space<vmem>>) dst(%dma_wait3A_647 : memref<64x128xf32, #tpu.memory_space<hbm>>)
    %add3A_648 = arith.constant 8064 : i32
    %add3A_649 = arith.addi %mul3A_2, %add3A_648 : i32
    %dma_wait3A_650 = arith.constant 0 : i32
    %dma_wait3A_651 = tpu.memref_slice %arg5[%add3A_649, %dma_wait3A_650] : memref<262144x128xf32, #tpu.memory_space<hbm>> -> memref<64x128xf32, #tpu.memory_space<hbm>>
    %dma_wait3A_652 = arith.constant 0 : i32
    %dma_wait3A_653 = tpu.memref_slice %arg5[%add3A_649, %dma_wait3A_652] : memref<262144x128xf32, #tpu.memory_space<hbm>> -> memref<64x128xf32, #tpu.memory_space<hbm>>
    tpu.wait_dma2 semaphore(%arg30 : memref<!tpu.dma_semaphore, #tpu.memory_space<semaphore_mem>>) src(%arg14 : memref<64x128xf32, #tpu.memory_space<vmem>>) dst(%dma_wait3A_653 : memref<64x128xf32, #tpu.memory_space<hbm>>)
    %add3A_654 = arith.constant 8128 : i32
    %add3A_655 = arith.addi %mul3A_2, %add3A_654 : i32
    %dma_wait3A_656 = arith.constant 0 : i32
    %dma_wait3A_657 = tpu.memref_slice %arg5[%add3A_655, %dma_wait3A_656] : memref<262144x128xf32, #tpu.memory_space<hbm>> -> memref<64x128xf32, #tpu.memory_space<hbm>>
    %dma_wait3A_658 = arith.constant 0 : i32
    %dma_wait3A_659 = tpu.memref_slice %arg5[%add3A_655, %dma_wait3A_658] : memref<262144x128xf32, #tpu.memory_space<hbm>> -> memref<64x128xf32, #tpu.memory_space<hbm>>
    tpu.wait_dma2 semaphore(%arg31 : memref<!tpu.dma_semaphore, #tpu.memory_space<semaphore_mem>>) src(%arg15 : memref<64x128xf32, #tpu.memory_space<vmem>>) dst(%dma_wait3A_659 : memref<64x128xf32, #tpu.memory_space<hbm>>)
    return
  }
}

</mosaic_0001>

<sc_bundles>
// kernel: kernel.3.cloned.1.call-start
scs
__scs_entry_jumppad:
0x0: {  	(pc) =	sbr.rel $0x88, $3  }
0x1: {  	(tag) =	ssettag $0x0;
	lr =	simm.s32 $0x1  }
0x2: {  	[smem:$0x3F9E] =	sst lr;
	_ =	strace $0xD0000000  }
0x3: {  	_ = 	snop  }
0x4: {  	_ = 	snop  }
0x5: {  	_ = 	snop  }
0x6: {  	_ = 	snop  }
0x7: {  	_ = 	snop  }
__scs_overlays_trampoline_lowered:
0x8: {  	[smem:$0x3FAD] =	sst s0  }
0x9: {  	[smem:$0x3FAE] =	sst s1  }
0xa: {  	[smem:$0x3FAF] =	sst s2  }
0xb: {  	[smem:$0x3FB0] =	sst s3  }
0xc: {  	[smem:$0x3FB1] =	sst s4  }
0xd: {  	[smem:$0x3FB2] =	sst s5  }
0xe: {  	[smem:$0x3FB3] =	sst s6  }
0xf: {  	[smem:$0x3FB4] =	sst s7  }
0x10: {  	[smem:$0x3FB5] =	sst s8  }
0x11: {  	[smem:$0x3FB6] =	sst s9;
	s0 =	simm.s32 @!p0 $0x0  }
0x12: {  	s1 =	sld [smem:$0x3F9C];
	s0 =	simm.s32 @p0 $0x1  }
0x13: {  	[smem:$0x3FB7] =	sst s0;
	s0 =	simm.s32 @!p1 $0x0  }
0x14: {  	s2 =	sld [smem:$0x3F9B];
	s0 =	simm.s32 @p1 $0x1  }
0x15: {  	[smem:$0x3FB8] =	sst s0;
	s0 =	simm.s32 @!p2 $0x0  }
0x16: {  	s3 =	sld [smem:$0x3FDB];
	s0 =	simm.s32 @p2 $0x1  }
0x17: {  	s4 =	simm.s32 $0x1BF5;
	[smem:$0x3FBA] =	sst s0  }
0x18: {  	s0 =	sld [smem:$0x3F9D];
	_ =	swait.ge [sflag:s4], $0x0  }
0x19: {  	s7 =	sld [smem:$0x3F9E]  }
0x1a: {  	s8 =	sadd.s32 $0xFFFFE003, lr  }
0x1b: {  	s9 =	sadd.s32 $0xFFFFFEF7, lr;
	s5 =	simm.s32 $0xFFFFFFFF;
	p2 =	slt.u32 s8, $0xFFFFF086  }
0x1c: {  	p1 =	slt.u32 s9, $0xF7A;
	s5 =	simm.s32 @!p2 $0x0  }
0x1d: {  	s5 =	simm.s32 @p1 $0x1;
	p0 =	seq.s32 s7, s2  }
0x1e: {  	s7 =	smul.u32 @!p0 $0xF7A, s2;
	p2 =	seq.s32 @!p0 s5, $0x0  }
0x1f: {  	s9 =	smul.u32 $0xF7A, s1;
	s8 =	simm.s32 @!p0 $0x1BF5;
	p2 =	por !p2, p0  }
0x20: {  	[sflag:s8] =	ssyncset.s32 @!p0 $0xFFFFF086;
	s6 =	sadd.s32 @!p0 s3, s7;
	s7 =	simm.s32 @!p0 $0x108  }
0x21: {  	s3 =	sadd.s32 s3, s9;
	s6 =	sadd.s32 @!p0 $0x88, s6;
	s7 =	simm.s32 @p2 $0x1082  }
0x22: {  	[simem:s7], [sflag:s8] =	dma.local @!p0 [hbm:s6], $0xF7A  }
0x23: {  	s9 =	sor.u32 $0xD0000000, s2;
	s6 =	simm.s32 $0x108;
	_ =	swait.ge @!p0 [sflag:s8], $0x0  }
0x24: {  	s3 =	sadd.s32 $0x88, s3;
	s6 =	simm.s32 @!p1 $0x1082;
	[sflag:s4] =	ssyncset.s32 $0xFFFFF086  }
0x25: {  	[simem:s6], [sflag:s4] =	dma.local [hbm:s3], $0xF7A  }
0x26: {  	[smem:$0x3F9E] =	sst s1;
	(tag) =	ssettag s2;
	_ =	strace s9  }
0x27: {  	s1 =	sld [smem:$0x3FAE]  }
0x28: {  	s2 =	sld [smem:$0x3FAF]  }
0x29: {  	s4 =	sld [smem:$0x3FB1]  }
0x2a: {  	p0 =	seq.s32 s5, $0x0;
	s5 =	sld [smem:$0x3FB2]  }
0x2b: {  	s6 =	sld [smem:$0x3FB3]  }
0x2c: {  	s7 =	sld [smem:$0x3FB4]  }
0x2d: {  	s3 =	simm.s32 $0x108;
	s8 =	sld [smem:$0x3FB5]  }
0x2e: {  	s3 =	simm.s32 @!p0 $0x1082;
	s9 =	sld [smem:$0x3FB6]  }
0x2f: {  	lr =	sadd.s32 s0, s3;
	s0 =	sld [smem:$0x3FAD]  }
0x30: {  	s3 =	sld [smem:$0x3FB0]  }
0x31: {  	[smem:$0x3FB9] =	sst s10  }
0x32: {  	s10 =	sld [smem:$0x3FB7];
	_ =	sdelay $0x3  }
0x33: {  	p0 =	seq.s32 s10, $0x1;
	s10 =	sld [smem:$0x3FB9];
	_ =	sdelay $0x3  }
0x34: {  	[smem:$0x3FB9] =	sst s10  }
0x35: {  	s10 =	sld [smem:$0x3FB8];
	_ =	sdelay $0x3  }
0x36: {  	p1 =	seq.s32 s10, $0x1;
	s10 =	sld [smem:$0x3FB9];
	_ =	sdelay $0x3  }
0x37: {  	[smem:$0x3FB9] =	sst s10  }
0x38: {  	s10 =	sld [smem:$0x3FBA]  }
0x39: {  	_ = 	snop;
	(pc) =	sbr.ind lr, $3  }
0x3a: {  	_ = 	snop  }
0x3b: {  	_ = 	snop  }
0x3c: {  	p2 =	seq.s32 s10, $0x1;
	s10 =	sld [smem:$0x3FB9]  }
0x3d: {  	_ =	shalt  }
0x3e: {  	_ =	shalt  }
0x3f: {  	_ =	shalt  }
0x40: {  	_ =	shalt  }
0x41: {  	_ =	shalt  }
0x42: {  	_ =	shalt  }
0x43: {  	_ =	shalt  }
0x44: {  	_ =	shalt  }
0x45: {  	_ =	shalt  }
0x46: {  	_ =	shalt  }
0x47: {  	_ =	shalt  }
0x48: {  	_ =	shalt  }
0x49: {  	_ =	shalt  }
0x4a: {  	_ =	shalt  }
0x4b: {  	_ =	shalt  }
0x4c: {  	_ =	shalt  }
0x4d: {  	_ =	shalt  }
0x4e: {  	_ =	shalt  }
0x4f: {  	_ =	shalt  }
0x50: {  	_ =	shalt  }
0x51: {  	_ =	shalt  }
0x52: {  	_ =	shalt  }
0x53: {  	_ =	shalt  }
0x54: {  	_ =	shalt  }
0x55: {  	_ =	shalt  }
0x56: {  	_ =	shalt  }
0x57: {  	_ =	shalt  }
0x58: {  	_ =	shalt  }
0x59: {  	_ =	shalt  }
0x5a: {  	_ =	shalt  }
0x5b: {  	_ =	shalt  }
0x5c: {  	_ =	shalt  }
0x5d: {  	_ =	shalt  }
0x5e: {  	_ =	shalt  }
0x5f: {  	_ =	shalt  }
0x60: {  	_ =	shalt  }
0x61: {  	_ =	shalt  }
0x62: {  	_ =	shalt  }
0x63: {  	_ =	shalt  }
0x64: {  	_ =	shalt  }
0x65: {  	_ =	shalt  }
0x66: {  	_ =	shalt  }
0x67: {  	_ =	shalt  }
0x68: {  	_ =	shalt  }
0x69: {  	_ =	shalt  }
0x6a: {  	_ =	shalt  }
0x6b: {  	_ =	shalt  }
0x6c: {  	_ =	shalt  }
0x6d: {  	_ =	shalt  }
0x6e: {  	_ =	shalt  }
0x6f: {  	_ =	shalt  }
0x70: {  	_ =	shalt  }
0x71: {  	_ =	shalt  }
0x72: {  	_ =	shalt  }
0x73: {  	_ =	shalt  }
0x74: {  	_ =	shalt  }
0x75: {  	_ =	shalt  }
0x76: {  	_ =	shalt  }
0x77: {  	_ =	shalt  }
0x78: {  	_ =	shalt  }
0x79: {  	_ =	shalt  }
0x7a: {  	_ =	shalt  }
0x7b: {  	_ =	shalt  }
0x7c: {  	_ =	shalt  }
0x7d: {  	_ =	shalt  }
0x7e: {  	_ =	shalt  }
0x7f: {  	_ =	shalt  }
0x80: {  	_ =	shalt  }
0x81: {  	_ =	shalt  }
0x82: {  	_ =	shalt  }
0x83: {  	_ =	shalt  }
0x84: {  	_ =	shalt  }
0x85: {  	_ =	shalt  }
0x86: {  	_ =	shalt  }
0x87: {  	_ =	shalt  }
.Lfunc_end0:
.L_simem_size_0:
called_computation_lowered:
.L_overlay_start_0:
0x88: {  	s2 =	sld [smem:$0x3FD9]  }
0x89: {  	s3 =	sld [smem:$0x3FFE];
	_ =	sdelay $0x1  }
0x8a: {  	s1 =	srdreg.scid  }
0x8b: {  	s0 =	sand.u32 $0x1, s1  }
0x8c: {  	s17 =	sshll.u32 s0, $0xA;
	s2 =	sadd.s32 s3, s2  }
0x8d: {  	s2 =	sadd.s32 s2, s17  }
0x8e: {  	[smem:$0x3FC5] =	sst s2  }
0x8f: {  	_ = 	snop  }
0x90: {  	s2 =	sld [smem:$0x3FC9]  }
0x91: {  	s18 =	sld [smem:$0x3FC8]  }
0x92: {  	s4 =	sld [smem:$0x3FD0];
	(tm) =	ssettm $0x1  }
0x93: {  	s5 =	sld [smem:$0x3FFB];
	_ =	sdelay $0x3  }
0x94: {  	_ =	strace s5  }
0x95: {  	s5 =	sld [smem:$0x3FFC];
	_ =	sdelay $0x3  }
0x96: {  	_ =	strace s5  }
0x97: {  	s5 =	sld [smem:$0x3FFD];
	_ =	sdelay $0x3  }
0x98: {  	_ =	strace s5  }
0x99: {  	_ =	strace $0x8FFFFFFF  }
0x9a: {  	s19 =	sld [smem:$0x3FDB];
	_ =	sdelay $0x1  }
0x9b: {  	s6 =	simm.s32 $_scs_section_size  }
0x9c: {  	s7 =	simm.s32 $_size__tile_overlayer_lowered;
	s8 =	simm.s32 $_tile_overlayer_lowered  }
0x9d: {  	s22 =	simm.s32 $0x1BFF;
	s21 =	sshll.u32 s8, $0x1;
	s5 =	sadd.s32 s6, s19  }
0x9e: {  	s9 =	simm.s32 $0x0;
	s20 =	sshll.u32 s7, $0x1;
	s7 =	sadd.s32 s21, s5  }
0x9f: {  	[timem:s9], [sflag:s22] =	dma.local [hbm:s7], s20  }
0xa0: {  	_ =	swait.ge [sflag:s22], s20  }
0xa1: {  	s6 =	ssub.s32 $0x0, s20;
	[sflag:s22] =	ssyncset.done $0x0  }
0xa2: {  	[sflag:s22] =	ssyncadd.s32 s6;
	_ =	sdelay $0x1  }
0xa3: {  	s23 =	simm.s32 $0x1B8B  }
0xa4: {  	_ =	swait.ge [sflag:s23], $0x1  }
0xa5: {  	[sflag:s23] =	ssyncset.done $0x0  }
0xa6: {  	s25 =	simm.s32 $0x1B8E;
	s24 =	sld [smem:$0x3FFE];
	[sflag:s23] =	ssyncadd.s32 $0xFFFFFFFF  }
0xa7: {  	s26 =	simm.s32 $execute0_lowered;
	[smem:$0x3FD2] =	sst s25  }
0xa8: {  	s7 =	sshll.u32 s26, $0x1;
	_ =	strace $0x80000046;
	[dreg:$0x1] =	wrdreg $0xFFFFFFFF  }
0xa9: {  	s28 =	simm.s32 $_size_execute0_lowered;
	s5 =	sadd.s32 s5, s7;
	[dreg:$0x0] =	wrdreg $0x0  }
0xaa: {  	s7 =	sshll.u32 s28, $0x1;
	[dreg:$0x2] =	wrdreg s5  }
0xab: {  	[dreg:$0x3] =	wrdreg s7  }
0xac: {  	[dreg:$0x4] =	wrdreg $0xC0  }
0xad: {  	_ =	task [dreg:s9], $0x5FFFF  }
0xae: {  	[dreg:$0x1] =	wrdreg $0xFFFFFFFF  }
0xaf: {  	[dreg:$0x0] =	wrdreg $0x60  }
0xb0: {  	[dreg:$0x2] =	wrdreg s2  }
0xb1: {  	[dreg:$0x3] =	wrdreg s18  }
0xb2: {  	[dreg:$0x4] =	wrdreg s24  }
0xb3: {  	[dreg:$0x5] =	wrdreg s4  }
0xb4: {  	[dreg:$0x6] =	wrdreg $0x9  }
0xb5: {  	_ =	task.clear_ibuf [dreg:s9], $0x7FFFF;
	_ =	strace $0x90000046  }
0xb6: {  	s29 =	simm.s32 $0x9;
	_ =	strace $0x80000048  }
0xb7: {  	_ =	swait.ge [sflag:s29], $0x1  }
0xb8: {  	[sflag:s29] =	ssyncadd.s32 $0xFFFFFFFF  }
0xb9: {  	_ =	strace $0x90000048  }
0xba: {  	_ =	sfence  }
0xbb: {  	s30 =	sld [smem:$0x0];
	_ =	sdelay $0x2  }
0xbc: {  	s31 =	sshll.u32 s1, $0xD;
	s1 =	sshrl.u32 s1, $0x2  }
0xbd: {  	s3 =	sand.u32 $0x4000, s31;
	s1 =	sadd.s32 s1, s30  }
0xbe: {  	s0 =	sor.u32 s3, s0;
	s1 =	sshll.u32 s1, $0x11  }
0xbf: {  	s0 =	sor.u32 s1, s0  }
0xc0: {  	s0 =	sadd.s32 $0x8F2B, s0  }
0xc1: {  	[sflag:s0] =	ssyncadd.remote.s32 $0x1  }
0xc2: {  	_ =	sfence.sel $0xFFFF  }
0xc3: {  	[dreg:$0x0] =	wrdreg $0xFFFFFFFF;
	(pc) =	sbr.abs _section_cstart, $3  }
0xc4: {  	[dreg:$0x1] =	wrdreg $0xFFFFFFFF  }
0xc5: {  	_ =	task.clear_ibuf [dreg:s9], $0x2FFFF;
	_ =	strace $0x9FFFFFFF  }
0xc6: {  	(tm) =	ssettm $0x7FFFFFFF  }
0xc7: {  	_ =	shalt  }
tec
execute0_lowered:
.L_overlay_start_1:
0x0: {  	(tag) =	ssettag $0x1  }
0x1: {  	s1 =	rddreg [dreg:$0x0]  }
0x2: {  	s0 =	rddreg [dreg:$0x1]  }
0x3: {  	s2 =	rddreg [dreg:$0x2]  }
0x4: {  	s4 =	rddreg [dreg:$0x3]  }
0x5: {  	s5 =	srdreg.scid;
	s3 =	simm.s32 $0x0;
	s9 =	stileid.u32  }
0x6: {  	s18 =	simm.s32 $0x40;
	s16 =	simm.s32 $0x4080;
	s29 =	simm.s32 $0x2  }
0x7: {  	s30 =	simm.s32 $0x5;
	s10 =	simm.s32 $0xD;
	s11 =	simm.s32 $0xE  }
0x8: {  	s12 =	simm.s32 $0xF;
	s13 =	simm.s32 $0x10;
	s14 =	simm.s32 $0x0  }
0x9: {  	s5 =	sand.u32 $0x1, s5;
	[smem:$0x7FF] =	sst s3;
	s6 =	sshll.u32 s9, $0xE  }
0xa: {  	s2 =	sadd.s32 $0x400, s2;
	s24 =	sshll.u32 s9, $0x12;
	s7 =	sshll.u32 s5, $0xD  }
0xb: {  	s9 =	simm.s32 $0xC;
	_ =	strace $0x80000047;
	s6 =	sor.u32 s7, s6  }
0xc: {  	s8 =	ssub.s32 $0x2, s5;
	s7 =	sshll.u32 s6, $0x4;
	s6 =	sshrl.u32 s6, $0x3  }
0xd: {  	[dreg:$0x5] =	wrdreg s2;
	s19 =	sshrl.u32 s8, $0x1;
	s0 =	sadd.s32 s0, s6  }
0xe: {  	s2 =	ssub.s32 s8, s19;
	s7 =	sadd.s32 s4, s7;
	[dreg:$0x7] =	wrdreg s0  }
0xf: {  	s26 =	sshll.u32 s5, $0x11;
	s2 =	smax.u32 s2, $0x1;
	[dreg:$0x6] =	wrdreg s7  }
0x10: {  	s19 =	simm.s32 $0x6080;
	s20 =	sadd.s32 $0x400, s7;
	[dreg:$0xf] =	wrdreg s2  }
0x11: {  	s8 =	simm.s32 $0x8;
	s21 =	sadd.s32 $0x800, s7;
	[dreg:$0x8] =	wrdreg s20  }
0x12: {  	s6 =	simm.s32 $0x7;
	s22 =	sadd.s32 $0xC00, s7;
	[dreg:$0x9] =	wrdreg s21  }
0x13: {  	s23 =	sadd.s32 $0x1F000, s7;
	s25 =	sadd.s32 $0x1F400, s7;
	[dreg:$0xa] =	wrdreg s22  }
0x14: {  	s0 =	sadd.s32 s24, s4;
	s28 =	sadd.s32 $0x1F800, s7;
	[dreg:$0xb] =	wrdreg s23  }
0x15: {  	s31 =	sadd.s32 $0x1FC00, s7;
	s2 =	simm.s32 $0x9;
	[dreg:$0xc] =	wrdreg s25  }
0x16: {  	s4 =	simm.s32 $0xA;
	s7 =	simm.s32 $0xB;
	[dreg:$0xd] =	wrdreg s28  }
0x17: {  	[dreg:$0xe] =	wrdreg s31;
	s0 =	sadd.s32 s26, s0;
	s20 =	simm.s32 $0x2080  }
0x18: {  	s25 =	simm.s32 $0x1;
	s21 =	simm.s32 $0x4;
	s0 =	sadd.s32 $0x2C00, s0  }
0x19: {  	s23 =	simm.s32 $0x6;
	[dreg:$0x10] =	wrdreg s0;
	s0 =	simm.s32 $0x3  }
.LBB2_1:
0x1a: {  	[dreg:$0x11] =	wrdreg s14  }
0x1b: {  	s5 =	rddreg [dreg:$0x7];
	s28 =	simm.s32 $0x11  }
0x1c: {  	[tilespmem:s3], [sflag:$0x11] =	stream.linear.gather [hbm4b:s5+s3], $0x2000, $0x38;
	[tilespmem:$0x12080] =	vst v63  }
0x1d: {  	_ =	swait.ge [sflag:s28], $0x2000  }
0x1e: {  	[sflag:s28] =	ssyncset.done $0x0  }
0x1f: {  	s15 =	simm.s32 $0x2000;
	s31 =	rddreg [dreg:$0x5];
	[sflag:s28] =	ssyncadd.s32 $0xFFFFE000  }
0x20: {  	[tilespmem:s15], [sflag:$0x11] =	stream.linear.gather [hbm4b:s31+s3], $0x80, $0x38;
	[tilespmem:$0x12080] =	vst v63  }
0x21: {  	_ =	swait.ge [sflag:s28], $0x80  }
0x22: {  	[sflag:s28] =	ssyncset.done $0x0  }
0x23: {  	[sflag:s28] =	ssyncadd.s32 $0xFFFFFF80  }
0x24: {  	v0 =	vld [tilespmem:$0x2000]  }
0x25: {  	v1 =	vld [tilespmem:$0x0]  }
0x26: {  	v2 =	vld [tilespmem:$0x10]  }
0x27: {  	v3 =	vld [tilespmem:$0x20]  }
0x28: {  	v4 =	vld [tilespmem:$0x30];
	_ =	sdelay $0x2  }
0x29: {  	v1 =	vsub.s32 v1, v0  }
0x2a: {  	v2 =	vsub.s32 v2, v0;
	v3 =	vsub.s32 v3, v0;
	v5 =	vshrl.u32 v1, $0xD  }
0x2b: {  	v4 =	vsub.s32 v4, v0;
	v46 =	vshrl.u32 v2, $0xD;
	v5 =	vand.u32 $0x40000, v5  }
0x2c: {  	v6 =	vshrl.u32 v3, $0xD;
	v1 =	vadd.s32 v1, v5;
	v5 =	vand.u32 $0x40000, v46  }
0x2d: {  	v47 =	vshrl.u32 v4, $0xD;
	[tilespmem:$0x0] =	vst v1;
	v1 =	vadd.s32 v2, v5;
	v2 =	vand.u32 $0x40000, v6  }
0x2e: {  	[tilespmem:$0x10] =	vst v1;
	v1 =	vadd.s32 v3, v2;
	v2 =	vand.u32 $0x40000, v47  }
0x2f: {  	[tilespmem:$0x20] =	vst v1;
	v1 =	vadd.s32 v4, v2  }
0x30: {  	[tilespmem:$0x30] =	vst v1  }
0x31: {  	[tilespmem:s20], [sflag:$0x1] =	stream.indirect.gather [hbm4b:s1+s18], $0x80, s3, s18, $0xb8;
	[tilespmem:$0x12080] =	vst v63  }
0x32: {  	v1 =	vld [tilespmem:$0x40]  }
0x33: {  	v2 =	vld [tilespmem:$0x50]  }
0x34: {  	v3 =	vld [tilespmem:$0x60]  }
0x35: {  	v48 =	vld [tilespmem:$0x70];
	_ =	sdelay $0x2  }
0x36: {  	v1 =	vsub.s32 v1, v0  }
0x37: {  	v2 =	vsub.s32 v2, v0;
	v3 =	vsub.s32 v3, v0;
	v49 =	vshrl.u32 v1, $0xD  }
0x38: {  	v4 =	vsub.s32 v48, v0;
	v50 =	vshrl.u32 v2, $0xD;
	v5 =	vand.u32 $0x40000, v49  }
0x39: {  	v51 =	vshrl.u32 v3, $0xD;
	v1 =	vadd.s32 v1, v5;
	v5 =	vand.u32 $0x40000, v50  }
0x3a: {  	v52 =	vshrl.u32 v4, $0xD;
	[tilespmem:$0x40] =	vst v1;
	v1 =	vadd.s32 v2, v5;
	v2 =	vand.u32 $0x40000, v51  }
0x3b: {  	[tilespmem:$0x50] =	vst v1;
	v1 =	vadd.s32 v3, v2;
	v2 =	vand.u32 $0x40000, v52  }
0x3c: {  	[tilespmem:$0x60] =	vst v1;
	v1 =	vadd.s32 v4, v2  }
0x3d: {  	[tilespmem:$0x70] =	vst v1  }
0x3e: {  	[tilespmem:s16], [sflag:$0x2] =	stream.indirect.gather [hbm4b:s1+s18], $0x80, s18, s18, $0xb8;
	[tilespmem:$0x12080] =	vst v63  }
0x3f: {  	v1 =	vld [tilespmem:$0x80]  }
0x40: {  	v2 =	vld [tilespmem:$0x90]  }
0x41: {  	v3 =	vld [tilespmem:$0xA0]  }
0x42: {  	v53 =	vld [tilespmem:$0xB0];
	_ =	sdelay $0x2  }
0x43: {  	v1 =	vsub.s32 v1, v0  }
0x44: {  	v2 =	vsub.s32 v2, v0;
	v3 =	vsub.s32 v3, v0;
	v54 =	vshrl.u32 v1, $0xD  }
0x45: {  	v4 =	vsub.s32 v53, v0;
	v55 =	vshrl.u32 v2, $0xD;
	v5 =	vand.u32 $0x40000, v54  }
0x46: {  	v56 =	vshrl.u32 v3, $0xD;
	v1 =	vadd.s32 v1, v5;
	v5 =	vand.u32 $0x40000, v55  }
0x47: {  	v57 =	vshrl.u32 v4, $0xD;
	[tilespmem:$0x80] =	vst v1;
	v1 =	vadd.s32 v2, v5;
	v2 =	vand.u32 $0x40000, v56  }
0x48: {  	[tilespmem:$0x90] =	vst v1;
	v1 =	vadd.s32 v3, v2;
	v2 =	vand.u32 $0x40000, v57  }
0x49: {  	[tilespmem:$0xA0] =	vst v1;
	v1 =	vadd.s32 v4, v2  }
0x4a: {  	s14 =	simm.s32 $0x80;
	[tilespmem:$0xB0] =	vst v1  }
0x4b: {  	[tilespmem:s19], [sflag:$0x3] =	stream.indirect.gather [hbm4b:s1+s18], $0x80, s14, s18, $0xb8;
	[tilespmem:$0x12080] =	vst v63  }
0x4c: {  	v1 =	vld [tilespmem:$0xC0]  }
0x4d: {  	v2 =	vld [tilespmem:$0xD0]  }
0x4e: {  	v3 =	vld [tilespmem:$0xE0]  }
0x4f: {  	v58 =	vld [tilespmem:$0xF0];
	_ =	sdelay $0x2  }
0x50: {  	v1 =	vsub.s32 v1, v0  }
0x51: {  	v2 =	vsub.s32 v2, v0;
	v3 =	vsub.s32 v3, v0;
	v59 =	vshrl.u32 v1, $0xD  }
0x52: {  	v4 =	vsub.s32 v58, v0;
	v60 =	vshrl.u32 v2, $0xD;
	v5 =	vand.u32 $0x40000, v59  }
0x53: {  	v61 =	vshrl.u32 v3, $0xD;
	v1 =	vadd.s32 v1, v5;
	v5 =	vand.u32 $0x40000, v60  }
0x54: {  	v62 =	vshrl.u32 v4, $0xD;
	[tilespmem:$0xC0] =	vst v1;
	v1 =	vadd.s32 v2, v5;
	v2 =	vand.u32 $0x40000, v61  }
0x55: {  	[tilespmem:$0xD0] =	vst v1;
	v1 =	vadd.s32 v3, v2;
	v2 =	vand.u32 $0x40000, v62  }
0x56: {  	[tilespmem:$0xE0] =	vst v1;
	v1 =	vadd.s32 v4, v2  }
0x57: {  	s22 =	simm.s32 $0x8080;
	s15 =	simm.s32 $0xC0;
	[tilespmem:$0xF0] =	vst v1  }
0x58: {  	[tilespmem:s22], [sflag:$0x4] =	stream.indirect.gather [hbm4b:s1+s18], $0x80, s15, s18, $0xb8;
	[tilespmem:$0x12080] =	vst v63  }
0x59: {  	_ =	swait.ge [sflag:s25], $0x2000  }
0x5a: {  	[sflag:s25] =	ssyncset.done $0x0  }
0x5b: {  	s17 =	rddreg [dreg:$0x6];
	[sflag:s25] =	ssyncadd.s32 $0xFFFFE000  }
0x5c: {  	[hbm4b:s17+s3] =	stream.linear.scatter [tilespmem:s20], [sflag:$0x9], $0x2000, $0x38;
	[tilespmem:$0x12080] =	vst v63  }
0x5d: {  	v1 =	vld [tilespmem:$0x100]  }
0x5e: {  	v2 =	vld [tilespmem:$0x110]  }
0x5f: {  	v3 =	vld [tilespmem:$0x120]  }
0x60: {  	v63 =	vld [tilespmem:$0x130];
	_ =	sdelay $0x2  }
0x61: {  	v1 =	vsub.s32 v1, v0  }
0x62: {  	v2 =	vsub.s32 v2, v0;
	v3 =	vsub.s32 v3, v0;
	v8 =	vshrl.u32 v1, $0xD  }
0x63: {  	v4 =	vsub.s32 v63, v0;
	v9 =	vshrl.u32 v2, $0xD;
	v5 =	vand.u32 $0x40000, v8  }
0x64: {  	v10 =	vshrl.u32 v3, $0xD;
	v1 =	vadd.s32 v1, v5;
	v5 =	vand.u32 $0x40000, v9  }
0x65: {  	v11 =	vshrl.u32 v4, $0xD;
	[tilespmem:$0x100] =	vst v1;
	v1 =	vadd.s32 v2, v5;
	v2 =	vand.u32 $0x40000, v10  }
0x66: {  	[tilespmem:$0x110] =	vst v1;
	v1 =	vadd.s32 v3, v2;
	v2 =	vand.u32 $0x40000, v11  }
0x67: {  	[tilespmem:$0x120] =	vst v1;
	v1 =	vadd.s32 v4, v2  }
0x68: {  	s24 =	simm.s32 $0x100;
	s17 =	simm.s32 $0xA080;
	[tilespmem:$0x130] =	vst v1  }
0x69: {  	[tilespmem:s17], [sflag:$0x5] =	stream.indirect.gather [hbm4b:s1+s18], $0x80, s24, s18, $0xb8;
	[tilespmem:$0x12080] =	vst v63  }
0x6a: {  	_ =	swait.ge [sflag:s29], $0x2000  }
0x6b: {  	[sflag:s29] =	ssyncset.done $0x0  }
0x6c: {  	s25 =	rddreg [dreg:$0x8];
	[sflag:s29] =	ssyncadd.s32 $0xFFFFE000  }
0x6d: {  	[hbm4b:s25+s3] =	stream.linear.scatter [tilespmem:s16], [sflag:$0xA], $0x2000, $0x38;
	[tilespmem:$0x12080] =	vst v63  }
0x6e: {  	v1 =	vld [tilespmem:$0x140]  }
0x6f: {  	v2 =	vld [tilespmem:$0x150]  }
0x70: {  	v3 =	vld [tilespmem:$0x160]  }
0x71: {  	v12 =	vld [tilespmem:$0x170];
	_ =	sdelay $0x2  }
0x72: {  	v1 =	vsub.s32 v1, v0  }
0x73: {  	v2 =	vsub.s32 v2, v0;
	v3 =	vsub.s32 v3, v0;
	v13 =	vshrl.u32 v1, $0xD  }
0x74: {  	v4 =	vsub.s32 v12, v0;
	v14 =	vshrl.u32 v2, $0xD;
	v5 =	vand.u32 $0x40000, v13  }
0x75: {  	v15 =	vshrl.u32 v3, $0xD;
	v1 =	vadd.s32 v1, v5;
	v5 =	vand.u32 $0x40000, v14  }
0x76: {  	v16 =	vshrl.u32 v4, $0xD;
	[tilespmem:$0x140] =	vst v1;
	v1 =	vadd.s32 v2, v5;
	v2 =	vand.u32 $0x40000, v15  }
0x77: {  	[tilespmem:$0x150] =	vst v1;
	v1 =	vadd.s32 v3, v2;
	v2 =	vand.u32 $0x40000, v16  }
0x78: {  	[tilespmem:$0x160] =	vst v1;
	v1 =	vadd.s32 v4, v2  }
0x79: {  	s26 =	simm.s32 $0x140;
	s24 =	simm.s32 $0xC080;
	[tilespmem:$0x170] =	vst v1  }
0x7a: {  	[tilespmem:s24], [sflag:$0x6] =	stream.indirect.gather [hbm4b:s1+s18], $0x80, s26, s18, $0xb8;
	[tilespmem:$0x12080] =	vst v63  }
0x7b: {  	_ =	swait.ge [sflag:s0], $0x2000  }
0x7c: {  	[sflag:s0] =	ssyncset.done $0x0  }
0x7d: {  	s28 =	rddreg [dreg:$0x9];
	[sflag:s0] =	ssyncadd.s32 $0xFFFFE000  }
0x7e: {  	[hbm4b:s28+s3] =	stream.linear.scatter [tilespmem:s19], [sflag:$0xB], $0x2000, $0x38;
	[tilespmem:$0x12080] =	vst v63  }
0x7f: {  	v1 =	vld [tilespmem:$0x180]  }
0x80: {  	v2 =	vld [tilespmem:$0x190]  }
0x81: {  	v3 =	vld [tilespmem:$0x1A0]  }
0x82: {  	v17 =	vld [tilespmem:$0x1B0];
	_ =	sdelay $0x2  }
0x83: {  	v1 =	vsub.s32 v1, v0  }
0x84: {  	v2 =	vsub.s32 v2, v0;
	v3 =	vsub.s32 v3, v0;
	v18 =	vshrl.u32 v1, $0xD  }
0x85: {  	v4 =	vsub.s32 v17, v0;
	v19 =	vshrl.u32 v2, $0xD;
	v5 =	vand.u32 $0x40000, v18  }
0x86: {  	v20 =	vshrl.u32 v3, $0xD;
	v1 =	vadd.s32 v1, v5;
	v5 =	vand.u32 $0x40000, v19  }
0x87: {  	v21 =	vshrl.u32 v4, $0xD;
	[tilespmem:$0x180] =	vst v1;
	v1 =	vadd.s32 v2, v5;
	v2 =	vand.u32 $0x40000, v20  }
0x88: {  	[tilespmem:$0x190] =	vst v1;
	v1 =	vadd.s32 v3, v2;
	v2 =	vand.u32 $0x40000, v21  }
0x89: {  	[tilespmem:$0x1A0] =	vst v1;
	v1 =	vadd.s32 v4, v2  }
0x8a: {  	s31 =	simm.s32 $0x180;
	s26 =	simm.s32 $0xE080;
	[tilespmem:$0x1B0] =	vst v1  }
0x8b: {  	[tilespmem:s26], [sflag:$0x7] =	stream.indirect.gather [hbm4b:s1+s18], $0x80, s31, s18, $0xb8;
	[tilespmem:$0x12080] =	vst v63  }
0x8c: {  	_ =	swait.ge [sflag:s21], $0x2000  }
0x8d: {  	[sflag:s21] =	ssyncset.done $0x0  }
0x8e: {  	s14 =	rddreg [dreg:$0xa];
	[sflag:s21] =	ssyncadd.s32 $0xFFFFE000  }
0x8f: {  	[hbm4b:s14+s3] =	stream.linear.scatter [tilespmem:s22], [sflag:$0xC], $0x2000, $0x38;
	[tilespmem:$0x12080] =	vst v63  }
0x90: {  	v1 =	vld [tilespmem:$0x1C0]  }
0x91: {  	v2 =	vld [tilespmem:$0x1D0]  }
0x92: {  	v3 =	vld [tilespmem:$0x1E0]  }
0x93: {  	v22 =	vld [tilespmem:$0x1F0];
	_ =	sdelay $0x2  }
0x94: {  	v1 =	vsub.s32 v1, v0  }
0x95: {  	v2 =	vsub.s32 v2, v0;
	v3 =	vsub.s32 v3, v0;
	v23 =	vshrl.u32 v1, $0xD  }
0x96: {  	v4 =	vsub.s32 v22, v0;
	v24 =	vshrl.u32 v2, $0xD;
	v5 =	vand.u32 $0x40000, v23  }
0x97: {  	v25 =	vshrl.u32 v3, $0xD;
	v1 =	vadd.s32 v1, v5;
	v5 =	vand.u32 $0x40000, v24  }
0x98: {  	v26 =	vshrl.u32 v4, $0xD;
	[tilespmem:$0x1C0] =	vst v1;
	v1 =	vadd.s32 v2, v5;
	v2 =	vand.u32 $0x40000, v25  }
0x99: {  	[tilespmem:$0x1D0] =	vst v1;
	v1 =	vadd.s32 v3, v2;
	v2 =	vand.u32 $0x40000, v26  }
0x9a: {  	[tilespmem:$0x1E0] =	vst v1;
	v1 =	vadd.s32 v4, v2  }
0x9b: {  	s15 =	simm.s32 $0x1C0;
	s25 =	simm.s32 $0x10080;
	[tilespmem:$0x1F0] =	vst v1  }
0x9c: {  	[tilespmem:s25], [sflag:$0x8] =	stream.indirect.gather [hbm4b:s1+s18], $0x80, s15, s18, $0xb8;
	[tilespmem:$0x12080] =	vst v63  }
0x9d: {  	_ =	swait.ge [sflag:s30], $0x2000  }
0x9e: {  	[sflag:s30] =	ssyncset.done $0x0;
	s15 =	rddreg [dreg:$0x10]  }
0x9f: {  	s5 =	simm.s32 $0x0;
	[sflag:s30] =	ssyncadd.s32 $0xFFFFE000;
	s28 =	sadd.s32 $0xFFFFE400, s15  }
0xa0: {  	[hbm4b:s28+s3] =	stream.linear.scatter [tilespmem:s17], [sflag:$0xD], $0x2000, $0x38;
	[tilespmem:$0x12080] =	vst v63  }
0xa1: {  	v1 =	vld [tilespmem:s5+$0x230]  }
0xa2: {  	v2 =	vld [tilespmem:s5+$0x220]  }
0xa3: {  	v3 =	vld [tilespmem:s5+$0x200]  }
0xa4: {  	v27 =	vld [tilespmem:s5+$0x210];
	_ =	sdelay $0x2  }
0xa5: {  	v1 =	vsub.s32 v1, v0  }
0xa6: {  	v2 =	vsub.s32 v2, v0;
	v3 =	vsub.s32 v3, v0;
	v28 =	vshrl.u32 v1, $0xD  }
0xa7: {  	v4 =	vsub.s32 v27, v0;
	v29 =	vshrl.u32 v3, $0xD;
	v5 =	vand.u32 $0x40000, v28  }
0xa8: {  	v7 =	vshrl.u32 v4, $0xD;
	v6 =	vand.u32 $0x40000, v29;
	v1 =	vadd.s32 v1, v5  }
0xa9: {  	v30 =	vshrl.u32 v2, $0xD;
	v31 =	vand.u32 $0x40000, v7;
	v3 =	vadd.s32 v3, v6;
	[tilespmem:s5+$0x230] =	vst v1  }
0xaa: {  	v1 =	vand.u32 $0x40000, v30;
	[tilespmem:s5+$0x200] =	vst v3;
	v3 =	vadd.s32 v4, v31  }
0xab: {  	v1 =	vadd.s32 v2, v1;
	[tilespmem:s5+$0x210] =	vst v3  }
0xac: {  	[tilespmem:s5+$0x220] =	vst v1  }
0xad: {  	_ =	swait.ge [sflag:s2], $0x2000  }
0xae: {  	[sflag:s2] =	ssyncset.done $0x0  }
0xaf: {  	s31 =	simm.s32 $0x200;
	[sflag:s2] =	ssyncadd.s32 $0xFFFFE000  }
0xb0: {  	[tilespmem:s20], [sflag:$0x1] =	stream.indirect.gather [hbm4b:s1+s18], $0x80, s31, s18, $0xb8;
	[tilespmem:$0x12080] =	vst v63  }
0xb1: {  	_ =	swait.ge [sflag:s23], $0x2000  }
0xb2: {  	[sflag:s23] =	ssyncset.done $0x0  }
0xb3: {  	s28 =	sadd.s32 $0xFFFFE800, s15;
	[sflag:s23] =	ssyncadd.s32 $0xFFFFE000  }
0xb4: {  	[hbm4b:s28+s3] =	stream.linear.scatter [tilespmem:s24], [sflag:$0xE], $0x2000, $0x38;
	[tilespmem:$0x12080] =	vst v63  }
0xb5: {  	v1 =	vld [tilespmem:s5+$0x240]  }
0xb6: {  	v2 =	vld [tilespmem:s5+$0x250]  }
0xb7: {  	v3 =	vld [tilespmem:s5+$0x260]  }
0xb8: {  	v32 =	vld [tilespmem:s5+$0x270];
	_ =	sdelay $0x2  }
0xb9: {  	v1 =	vsub.s32 v1, v0  }
0xba: {  	v2 =	vsub.s32 v2, v0;
	v3 =	vsub.s32 v3, v0;
	v33 =	vshrl.u32 v1, $0xD  }
0xbb: {  	v4 =	vsub.s32 v32, v0;
	v34 =	vshrl.u32 v2, $0xD;
	v5 =	vand.u32 $0x40000, v33  }
0xbc: {  	v36 =	vshrl.u32 v4, $0xD;
	v35 =	vand.u32 $0x40000, v34;
	v1 =	vadd.s32 v1, v5  }
0xbd: {  	v37 =	vshrl.u32 v3, $0xD;
	[tilespmem:s5+$0x240] =	vst v1;
	v1 =	vadd.s32 v2, v35;
	v2 =	vand.u32 $0x40000, v36  }
0xbe: {  	v38 =	vand.u32 $0x40000, v37;
	[tilespmem:s5+$0x250] =	vst v1;
	v1 =	vadd.s32 v4, v2  }
0xbf: {  	v2 =	vadd.s32 v3, v38;
	[tilespmem:s5+$0x270] =	vst v1  }
0xc0: {  	[tilespmem:s5+$0x260] =	vst v2  }
0xc1: {  	_ =	swait.ge [sflag:s4], $0x2000  }
0xc2: {  	[sflag:s4] =	ssyncset.done $0x0  }
0xc3: {  	s31 =	simm.s32 $0x240;
	[sflag:s4] =	ssyncadd.s32 $0xFFFFE000  }
0xc4: {  	[tilespmem:s16], [sflag:$0x2] =	stream.indirect.gather [hbm4b:s1+s18], $0x80, s31, s18, $0xb8;
	[tilespmem:$0x12080] =	vst v63  }
0xc5: {  	_ =	swait.ge [sflag:s6], $0x2000  }
0xc6: {  	[sflag:s6] =	ssyncset.done $0x0  }
0xc7: {  	s28 =	sadd.s32 $0xFFFFEC00, s15;
	[sflag:s6] =	ssyncadd.s32 $0xFFFFE000  }
0xc8: {  	[hbm4b:s28+s3] =	stream.linear.scatter [tilespmem:s26], [sflag:$0xF], $0x2000, $0x38;
	[tilespmem:$0x12080] =	vst v63  }
0xc9: {  	v1 =	vld [tilespmem:s5+$0x280]  }
0xca: {  	v2 =	vld [tilespmem:s5+$0x290]  }
0xcb: {  	v3 =	vld [tilespmem:s5+$0x2A0]  }
0xcc: {  	v39 =	vld [tilespmem:s5+$0x2B0];
	_ =	sdelay $0x2  }
0xcd: {  	v2 =	vsub.s32 v2, v0  }
0xce: {  	v1 =	vsub.s32 v1, v0;
	v3 =	vsub.s32 v3, v0;
	v40 =	vshrl.u32 v2, $0xD  }
0xcf: {  	v4 =	vsub.s32 v39, v0;
	v44 =	vshrl.u32 v1, $0xD;
	v5 =	vand.u32 $0x40000, v40  }
0xd0: {  	v41 =	vshrl.u32 v3, $0xD;
	v45 =	vand.u32 $0x40000, v44;
	v2 =	vadd.s32 v2, v5  }
0xd1: {  	v43 =	vshrl.u32 v4, $0xD;
	v42 =	vand.u32 $0x40000, v41;
	v1 =	vadd.s32 v1, v45;
	[tilespmem:s5+$0x290] =	vst v2  }
0xd2: {  	v2 =	vadd.s32 v3, v42;
	v3 =	vand.u32 $0x40000, v43;
	[tilespmem:s5+$0x280] =	vst v1  }
0xd3: {  	[tilespmem:s5+$0x2A0] =	vst v2;
	v2 =	vadd.s32 v4, v3  }
0xd4: {  	[tilespmem:s5+$0x2B0] =	vst v2  }
0xd5: {  	_ =	swait.ge [sflag:s7], $0x2000  }
0xd6: {  	[sflag:s7] =	ssyncset.done $0x0  }
0xd7: {  	s31 =	simm.s32 $0x280;
	[sflag:s7] =	ssyncadd.s32 $0xFFFFE000  }
0xd8: {  	[tilespmem:s19], [sflag:$0x3] =	stream.indirect.gather [hbm4b:s1+s18], $0x80, s31, s18, $0xb8;
	[tilespmem:$0x12080] =	vst v63  }
0xd9: {  	_ =	swait.ge [sflag:s8], $0x2000  }
0xda: {  	[sflag:s8] =	ssyncset.done $0x0  }
0xdb: {  	s26 =	sadd.s32 $0xFFFFF000, s15;
	[sflag:s8] =	ssyncadd.s32 $0xFFFFE000  }
0xdc: {  	[hbm4b:s26+s3] =	stream.linear.scatter [tilespmem:s25], [sflag:$0x10], $0x2000, $0x38;
	[tilespmem:$0x12080] =	vst v63  }
0xdd: {  	v1 =	vld [tilespmem:s5+$0x2C0]  }
0xde: {  	v2 =	vld [tilespmem:s5+$0x2D0]  }
0xdf: {  	v3 =	vld [tilespmem:s5+$0x2E0]  }
0xe0: {  	v46 =	vld [tilespmem:s5+$0x2F0];
	_ =	sdelay $0x2  }
0xe1: {  	v1 =	vsub.s32 v1, v0  }
0xe2: {  	v2 =	vsub.s32 v2, v0;
	v3 =	vsub.s32 v3, v0;
	v47 =	vshrl.u32 v1, $0xD  }
0xe3: {  	v4 =	vsub.s32 v46, v0;
	v48 =	vshrl.u32 v2, $0xD;
	v5 =	vand.u32 $0x40000, v47  }
0xe4: {  	v50 =	vshrl.u32 v3, $0xD;
	v49 =	vand.u32 $0x40000, v48;
	v1 =	vadd.s32 v1, v5  }
0xe5: {  	v51 =	vshrl.u32 v4, $0xD;
	[tilespmem:s5+$0x2C0] =	vst v1;
	v1 =	vadd.s32 v2, v49;
	v2 =	vand.u32 $0x40000, v50  }
0xe6: {  	[tilespmem:s5+$0x2D0] =	vst v1;
	v1 =	vadd.s32 v3, v2;
	v2 =	vand.u32 $0x40000, v51  }
0xe7: {  	[tilespmem:s5+$0x2E0] =	vst v1;
	v1 =	vadd.s32 v4, v2  }
0xe8: {  	[tilespmem:s5+$0x2F0] =	vst v1  }
0xe9: {  	_ =	swait.ge [sflag:s9], $0x2000  }
0xea: {  	[sflag:s9] =	ssyncset.done $0x0  }
0xeb: {  	s28 =	simm.s32 $0x1;
	s31 =	simm.s32 $0x2C0;
	[sflag:s9] =	ssyncadd.s32 $0xFFFFE000  }
0xec: {  	[tilespmem:s22], [sflag:$0x4] =	stream.indirect.gather [hbm4b:s1+s18], $0x80, s31, s18, $0xb8;
	[tilespmem:$0x12080] =	vst v63  }
0xed: {  	_ =	swait.ge [sflag:s28], $0x2000  }
0xee: {  	[sflag:s28] =	ssyncset.done $0x0  }
0xef: {  	s22 =	sadd.s32 $0xFFFFF400, s15;
	[sflag:s28] =	ssyncadd.s32 $0xFFFFE000  }
0xf0: {  	[hbm4b:s22+s3] =	stream.linear.scatter [tilespmem:s20], [sflag:$0x9], $0x2000, $0x38;
	[tilespmem:$0x12080] =	vst v63  }
0xf1: {  	v1 =	vld [tilespmem:s5+$0x300]  }
0xf2: {  	v2 =	vld [tilespmem:s5+$0x310]  }
0xf3: {  	v3 =	vld [tilespmem:s5+$0x320]  }
0xf4: {  	v52 =	vld [tilespmem:s5+$0x330];
	_ =	sdelay $0x2  }
0xf5: {  	v1 =	vsub.s32 v1, v0  }
0xf6: {  	v2 =	vsub.s32 v2, v0;
	v3 =	vsub.s32 v3, v0;
	v53 =	vshrl.u32 v1, $0xD  }
0xf7: {  	v4 =	vsub.s32 v52, v0;
	v54 =	vshrl.u32 v2, $0xD;
	v5 =	vand.u32 $0x40000, v53  }
0xf8: {  	v56 =	vshrl.u32 v4, $0xD;
	v55 =	vand.u32 $0x40000, v54;
	v1 =	vadd.s32 v1, v5  }
0xf9: {  	v57 =	vand.u32 $0x40000, v56;
	[tilespmem:s5+$0x300] =	vst v1;
	v1 =	vadd.s32 v2, v55;
	v2 =	vshrl.u32 v3, $0xD  }
0xfa: {  	[tilespmem:s5+$0x310] =	vst v1;
	v1 =	vand.u32 $0x40000, v2;
	v2 =	vadd.s32 v4, v57  }
0xfb: {  	v1 =	vadd.s32 v3, v1;
	[tilespmem:s5+$0x330] =	vst v2  }
0xfc: {  	[tilespmem:s5+$0x320] =	vst v1  }
0xfd: {  	_ =	swait.ge [sflag:s10], $0x2000  }
0xfe: {  	[sflag:s10] =	ssyncset.done $0x0  }
0xff: {  	s25 =	simm.s32 $0x300;
	[sflag:s10] =	ssyncadd.s32 $0xFFFFE000  }
0x100: {  	[tilespmem:s17], [sflag:$0x5] =	stream.indirect.gather [hbm4b:s1+s18], $0x80, s25, s18, $0xb8;
	[tilespmem:$0x12080] =	vst v63  }
0x101: {  	_ =	swait.ge [sflag:s29], $0x2000  }
0x102: {  	[sflag:s29] =	ssyncset.done $0x0  }
0x103: {  	s26 =	sadd.s32 $0xFFFFF800, s15;
	[sflag:s29] =	ssyncadd.s32 $0xFFFFE000  }
0x104: {  	[hbm4b:s26+s3] =	stream.linear.scatter [tilespmem:s16], [sflag:$0xA], $0x2000, $0x38;
	[tilespmem:$0x12080] =	vst v63  }
0x105: {  	v1 =	vld [tilespmem:s5+$0x340]  }
0x106: {  	v2 =	vld [tilespmem:s5+$0x350]  }
0x107: {  	v3 =	vld [tilespmem:s5+$0x370]  }
0x108: {  	v58 =	vld [tilespmem:s5+$0x360];
	_ =	sdelay $0x2  }
0x109: {  	v2 =	vsub.s32 v2, v0  }
0x10a: {  	v1 =	vsub.s32 v1, v0;
	v3 =	vsub.s32 v3, v0;
	v60 =	vshrl.u32 v2, $0xD  }
0x10b: {  	v4 =	vsub.s32 v58, v0;
	v59 =	vshrl.u32 v1, $0xD;
	v6 =	vand.u32 $0x40000, v60  }
0x10c: {  	v61 =	vshrl.u32 v3, $0xD;
	v5 =	vand.u32 $0x40000, v59;
	v2 =	vadd.s32 v2, v6  }
0x10d: {  	v62 =	vshrl.u32 v4, $0xD;
	v1 =	vadd.s32 v1, v5;
	[tilespmem:s5+$0x350] =	vst v2;
	v2 =	vand.u32 $0x40000, v61  }
0x10e: {  	v63 =	vand.u32 $0x40000, v62;
	[tilespmem:s5+$0x340] =	vst v1;
	v1 =	vadd.s32 v3, v2  }
0x10f: {  	v2 =	vadd.s32 v4, v63;
	[tilespmem:s5+$0x370] =	vst v1  }
0x110: {  	[tilespmem:s5+$0x360] =	vst v2  }
0x111: {  	_ =	swait.ge [sflag:s11], $0x2000  }
0x112: {  	[sflag:s11] =	ssyncset.done $0x0  }
0x113: {  	s28 =	simm.s32 $0x340;
	[sflag:s11] =	ssyncadd.s32 $0xFFFFE000  }
0x114: {  	[tilespmem:s24], [sflag:$0x6] =	stream.indirect.gather [hbm4b:s1+s18], $0x80, s28, s18, $0xb8;
	[tilespmem:$0x12080] =	vst v63  }
0x115: {  	_ =	swait.ge [sflag:s0], $0x2000  }
0x116: {  	[sflag:s0] =	ssyncset.done $0x0  }
0x117: {  	s14 =	simm.s32 $0x800;
	s31 =	sadd.s32 $0xFFFFFC00, s15;
	[sflag:s0] =	ssyncadd.s32 $0xFFFFE000  }
0x118: {  	[hbm4b:s31+s3] =	stream.linear.scatter [tilespmem:s19], [sflag:$0xB], $0x2000, $0x38;
	[tilespmem:$0x12080] =	vst v63  }
0x119: {  	s22 =	simm.s32 $0x4080;
	s16 =	smov.u32 s15;
	s24 =	simm.s32 $0x6080;
	v1 =	vld [tilespmem:s5+$0x380]  }
.LBB2_2:
0x11a: {  	p0 =	sne.s32 s14, $0x7000  }
0x11b: {  	v2 =	vld [tilespmem:s5+$0x3A0];
	s16 =	sadd.s32 $0x2000, s16;
	s19 =	smov.u32 s14;
	s14 =	sadd.s32 $0x800, s14  }
0x11c: {  	v3 =	vld [tilespmem:s5+$0x390];
	_ =	sdelay $0x1  }
0x11d: {  	v4 =	vld [tilespmem:s5+$0x3B0]  }
0x11e: {  	v1 =	vsub.s32 v1, v0  }
0x11f: {  	v5 =	vshrl.u32 v1, $0xD;
	v2 =	vsub.s32 v2, v0  }
0x120: {  	v5 =	vand.u32 $0x40000, v5;
	v3 =	vsub.s32 v3, v0;
	v6 =	vshrl.u32 v2, $0xD  }
0x121: {  	v1 =	vadd.s32 v1, v5;
	v5 =	vshrl.u32 v3, $0xD;
	v6 =	vand.u32 $0x40000, v6  }
0x122: {  	[tilespmem:s5+$0x380] =	vst v1;
	v1 =	vand.u32 $0x40000, v5;
	v2 =	vadd.s32 v2, v6;
	v4 =	vsub.s32 v4, v0  }
0x123: {  	v1 =	vadd.s32 v3, v1;
	[tilespmem:s5+$0x3A0] =	vst v2;
	v2 =	vshrl.u32 v4, $0xD  }
0x124: {  	[tilespmem:s5+$0x390] =	vst v1;
	v1 =	vand.u32 $0x40000, v2  }
0x125: {  	v1 =	vadd.s32 v4, v1  }
0x126: {  	[tilespmem:s5+$0x3B0] =	vst v1  }
0x127: {  	_ =	swait.ge [sflag:s12], $0x2000  }
0x128: {  	[sflag:s12] =	ssyncset.done $0x0  }
0x129: {  	s20 =	sadd.s32 $0x380, s5;
	s31 =	simm.s32 $0xE080;
	[sflag:s12] =	ssyncadd.s32 $0xFFFFE000  }
0x12a: {  	[tilespmem:s31], [sflag:$0x7] =	stream.indirect.gather [hbm4b:s1+s18], $0x80, s20, s18, $0xb8;
	[tilespmem:$0x12080] =	vst v63  }
0x12b: {  	_ =	swait.ge [sflag:s21], $0x2000  }
0x12c: {  	[sflag:s21] =	ssyncset.done $0x0  }
0x12d: {  	s28 =	simm.s32 $0x8080;
	[sflag:s21] =	ssyncadd.s32 $0xFFFFE000  }
0x12e: {  	[hbm4b:s15+s3] =	stream.linear.scatter [tilespmem:s28], [sflag:$0xC], $0x2000, $0x38;
	[tilespmem:$0x12080] =	vst v63  }
0x12f: {  	s15 =	smov.u32 s16;
	v1 =	vld [tilespmem:s5+$0x3C0]  }
0x130: {  	v2 =	vld [tilespmem:s5+$0x3D0]  }
0x131: {  	v3 =	vld [tilespmem:s5+$0x3E0]  }
0x132: {  	v4 =	vld [tilespmem:s5+$0x3F0];
	_ =	sdelay $0x1  }
0x133: {  	v1 =	vsub.s32 v1, v0  }
0x134: {  	v5 =	vshrl.u32 v1, $0xD;
	v2 =	vsub.s32 v2, v0  }
0x135: {  	v5 =	vand.u32 $0x40000, v5;
	v6 =	vshrl.u32 v2, $0xD;
	v3 =	vsub.s32 v3, v0  }
0x136: {  	v6 =	vand.u32 $0x40000, v6;
	v7 =	vshrl.u32 v3, $0xD;
	v4 =	vsub.s32 v4, v0  }
0x137: {  	v2 =	vadd.s32 v2, v6;
	v6 =	vand.u32 $0x40000, v7;
	v7 =	vshrl.u32 v4, $0xD  }
0x138: {  	v1 =	vadd.s32 v1, v5;
	[tilespmem:s5+$0x3D0] =	vst v2;
	v2 =	vadd.s32 v3, v6;
	v3 =	vand.u32 $0x40000, v7  }
0x139: {  	[tilespmem:s5+$0x3E0] =	vst v2;
	v2 =	vadd.s32 v4, v3  }
0x13a: {  	[tilespmem:s5+$0x3F0] =	vst v2  }
0x13b: {  	[tilespmem:s5+$0x3C0] =	vst v1  }
0x13c: {  	_ =	swait.ge [sflag:s13], $0x2000  }
0x13d: {  	[sflag:s13] =	ssyncset.done $0x0  }
0x13e: {  	s25 =	simm.s32 $0x10080;
	s5 =	sadd.s32 $0x3C0, s5;
	[sflag:s13] =	ssyncadd.s32 $0xFFFFE000  }
0x13f: {  	[tilespmem:s25], [sflag:$0x8] =	stream.indirect.gather [hbm4b:s1+s18], $0x80, s5, s18, $0xb8;
	[tilespmem:$0x12080] =	vst v63  }
0x140: {  	_ = 	snop  }
0x141: {  	_ =	swait.ge [sflag:s30], $0x2000  }
0x142: {  	s17 =	simm.s32 $0xA080;
	[sflag:s30] =	ssyncset.done $0x0  }
0x143: {  	s20 =	sadd.s32 $0xFFFFE400, s16;
	s5 =	sshra.s32 s19, $0x2;
	[sflag:s30] =	ssyncadd.s32 $0xFFFFE000  }
0x144: {  	[hbm4b:s20+s3] =	stream.linear.scatter [tilespmem:s17], [sflag:$0xD], $0x2000, $0x38;
	[tilespmem:$0x12080] =	vst v63  }
0x145: {  	s20 =	simm.s32 $0x2080  }
0x146: {  	v1 =	vld [tilespmem:s5+$0x230]  }
0x147: {  	v2 =	vld [tilespmem:s5+$0x220]  }
0x148: {  	v3 =	vld [tilespmem:s5+$0x200]  }
0x149: {  	v4 =	vld [tilespmem:s5+$0x210];
	_ =	sdelay $0x2  }
0x14a: {  	v1 =	vsub.s32 v1, v0;
	v2 =	vsub.s32 v2, v0  }
0x14b: {  	v6 =	vshrl.u32 v1, $0xD;
	v3 =	vsub.s32 v3, v0;
	v5 =	vshrl.u32 v2, $0xD  }
0x14c: {  	v6 =	vand.u32 $0x40000, v6;
	v7 =	vshrl.u32 v3, $0xD;
	v4 =	vsub.s32 v4, v0  }
0x14d: {  	v1 =	vadd.s32 v1, v6;
	v7 =	vand.u32 $0x40000, v7;
	v8 =	vshrl.u32 v4, $0xD  }
0x14e: {  	v5 =	vand.u32 $0x40000, v5;
	v3 =	vadd.s32 v3, v7;
	v6 =	vand.u32 $0x40000, v8;
	[tilespmem:s5+$0x230] =	vst v1  }
0x14f: {  	v2 =	vadd.s32 v2, v5;
	[tilespmem:s5+$0x200] =	vst v3;
	v1 =	vadd.s32 v4, v6  }
0x150: {  	[tilespmem:s5+$0x210] =	vst v1  }
0x151: {  	[tilespmem:s5+$0x220] =	vst v2  }
0x152: {  	_ =	swait.ge [sflag:s2], $0x2000  }
0x153: {  	[sflag:s2] =	ssyncset.done $0x0  }
0x154: {  	s19 =	sadd.s32 $0x200, s5;
	[sflag:s2] =	ssyncadd.s32 $0xFFFFE000  }
0x155: {  	[tilespmem:s20], [sflag:$0x1] =	stream.indirect.gather [hbm4b:s1+s18], $0x80, s19, s18, $0xb8;
	[tilespmem:$0x12080] =	vst v63  }
0x156: {  	_ =	swait.ge [sflag:s23], $0x2000  }
0x157: {  	[sflag:s23] =	ssyncset.done $0x0  }
0x158: {  	s26 =	simm.s32 $0xC080;
	s19 =	sadd.s32 $0xFFFFE800, s16;
	[sflag:s23] =	ssyncadd.s32 $0xFFFFE000  }
0x159: {  	[hbm4b:s19+s3] =	stream.linear.scatter [tilespmem:s26], [sflag:$0xE], $0x2000, $0x38;
	[tilespmem:$0x12080] =	vst v63  }
0x15a: {  	v1 =	vld [tilespmem:s5+$0x240]  }
0x15b: {  	v2 =	vld [tilespmem:s5+$0x250]  }
0x15c: {  	v3 =	vld [tilespmem:s5+$0x260]  }
0x15d: {  	v4 =	vld [tilespmem:s5+$0x270];
	_ =	sdelay $0x1  }
0x15e: {  	v1 =	vsub.s32 v1, v0  }
0x15f: {  	v5 =	vshrl.u32 v1, $0xD;
	v2 =	vsub.s32 v2, v0  }
0x160: {  	v5 =	vand.u32 $0x40000, v5;
	v6 =	vshrl.u32 v2, $0xD;
	v3 =	vsub.s32 v3, v0  }
0x161: {  	v1 =	vadd.s32 v1, v5;
	v5 =	vshrl.u32 v3, $0xD;
	v4 =	vsub.s32 v4, v0  }
0x162: {  	[tilespmem:s5+$0x240] =	vst v1;
	v1 =	vand.u32 $0x40000, v6;
	v5 =	vand.u32 $0x40000, v5;
	v6 =	vshrl.u32 v4, $0xD  }
0x163: {  	v1 =	vadd.s32 v2, v1;
	v2 =	vadd.s32 v3, v5;
	v3 =	vand.u32 $0x40000, v6  }
0x164: {  	[tilespmem:s5+$0x250] =	vst v1;
	v1 =	vadd.s32 v4, v3  }
0x165: {  	[tilespmem:s5+$0x270] =	vst v1  }
0x166: {  	[tilespmem:s5+$0x260] =	vst v2  }
0x167: {  	_ =	swait.ge [sflag:s4], $0x2000  }
0x168: {  	[sflag:s4] =	ssyncset.done $0x0  }
0x169: {  	s19 =	sadd.s32 $0x240, s5;
	[sflag:s4] =	ssyncadd.s32 $0xFFFFE000  }
0x16a: {  	[tilespmem:s22], [sflag:$0x2] =	stream.indirect.gather [hbm4b:s1+s18], $0x80, s19, s18, $0xb8;
	[tilespmem:$0x12080] =	vst v63  }
0x16b: {  	_ =	swait.ge [sflag:s6], $0x2000  }
0x16c: {  	[sflag:s6] =	ssyncset.done $0x0  }
0x16d: {  	s19 =	sadd.s32 $0xFFFFEC00, s16;
	[sflag:s6] =	ssyncadd.s32 $0xFFFFE000  }
0x16e: {  	[hbm4b:s19+s3] =	stream.linear.scatter [tilespmem:s31], [sflag:$0xF], $0x2000, $0x38;
	[tilespmem:$0x12080] =	vst v63  }
0x16f: {  	v1 =	vld [tilespmem:s5+$0x280]  }
0x170: {  	v2 =	vld [tilespmem:s5+$0x290]  }
0x171: {  	v3 =	vld [tilespmem:s5+$0x2A0]  }
0x172: {  	v4 =	vld [tilespmem:s5+$0x2B0];
	_ =	sdelay $0x1  }
0x173: {  	v1 =	vsub.s32 v1, v0  }
0x174: {  	v5 =	vshrl.u32 v1, $0xD;
	v2 =	vsub.s32 v2, v0  }
0x175: {  	v5 =	vand.u32 $0x40000, v5;
	v6 =	vshrl.u32 v2, $0xD;
	v3 =	vsub.s32 v3, v0  }
0x176: {  	v6 =	vand.u32 $0x40000, v6;
	v7 =	vshrl.u32 v3, $0xD;
	v4 =	vsub.s32 v4, v0  }
0x177: {  	v2 =	vadd.s32 v2, v6;
	v6 =	vand.u32 $0x40000, v7;
	v7 =	vshrl.u32 v4, $0xD  }
0x178: {  	v1 =	vadd.s32 v1, v5;
	[tilespmem:s5+$0x290] =	vst v2;
	v2 =	vadd.s32 v3, v6;
	v3 =	vand.u32 $0x40000, v7  }
0x179: {  	[tilespmem:s5+$0x2A0] =	vst v2;
	v2 =	vadd.s32 v4, v3  }
0x17a: {  	[tilespmem:s5+$0x2B0] =	vst v2  }
0x17b: {  	[tilespmem:s5+$0x280] =	vst v1  }
0x17c: {  	_ =	swait.ge [sflag:s7], $0x2000  }
0x17d: {  	[sflag:s7] =	ssyncset.done $0x0  }
0x17e: {  	s19 =	sadd.s32 $0x280, s5;
	[sflag:s7] =	ssyncadd.s32 $0xFFFFE000  }
0x17f: {  	[tilespmem:s24], [sflag:$0x3] =	stream.indirect.gather [hbm4b:s1+s18], $0x80, s19, s18, $0xb8;
	[tilespmem:$0x12080] =	vst v63  }
0x180: {  	_ =	swait.ge [sflag:s8], $0x2000  }
0x181: {  	[sflag:s8] =	ssyncset.done $0x0  }
0x182: {  	s19 =	sadd.s32 $0xFFFFF000, s16;
	[sflag:s8] =	ssyncadd.s32 $0xFFFFE000  }
0x183: {  	[hbm4b:s19+s3] =	stream.linear.scatter [tilespmem:s25], [sflag:$0x10], $0x2000, $0x38;
	[tilespmem:$0x12080] =	vst v63  }
0x184: {  	s25 =	simm.s32 $0x1  }
0x185: {  	v1 =	vld [tilespmem:s5+$0x2C0]  }
0x186: {  	v2 =	vld [tilespmem:s5+$0x2D0]  }
0x187: {  	v3 =	vld [tilespmem:s5+$0x2E0];
	_ =	sdelay $0x1  }
0x188: {  	v4 =	vld [tilespmem:s5+$0x2F0]  }
0x189: {  	v1 =	vsub.s32 v1, v0  }
0x18a: {  	v5 =	vshrl.u32 v1, $0xD;
	v2 =	vsub.s32 v2, v0  }
0x18b: {  	v5 =	vand.u32 $0x40000, v5;
	v6 =	vshrl.u32 v2, $0xD;
	v3 =	vsub.s32 v3, v0  }
0x18c: {  	v1 =	vadd.s32 v1, v5;
	v5 =	vand.u32 $0x40000, v6;
	v6 =	vshrl.u32 v3, $0xD  }
0x18d: {  	[tilespmem:s5+$0x2C0] =	vst v1;
	v1 =	vadd.s32 v2, v5;
	v2 =	vand.u32 $0x40000, v6;
	v4 =	vsub.s32 v4, v0  }
0x18e: {  	[tilespmem:s5+$0x2D0] =	vst v1;
	v1 =	vadd.s32 v3, v2;
	v2 =	vshrl.u32 v4, $0xD  }
0x18f: {  	[tilespmem:s5+$0x2E0] =	vst v1;
	v1 =	vand.u32 $0x40000, v2  }
0x190: {  	v1 =	vadd.s32 v4, v1  }
0x191: {  	[tilespmem:s5+$0x2F0] =	vst v1  }
0x192: {  	_ =	swait.ge [sflag:s9], $0x2000  }
0x193: {  	[sflag:s9] =	ssyncset.done $0x0  }
0x194: {  	s31 =	simm.s32 $0x8080;
	s19 =	sadd.s32 $0x2C0, s5;
	[sflag:s9] =	ssyncadd.s32 $0xFFFFE000  }
0x195: {  	[tilespmem:s28], [sflag:$0x4] =	stream.indirect.gather [hbm4b:s1+s18], $0x80, s19, s18, $0xb8;
	[tilespmem:$0x12080] =	vst v63  }
0x196: {  	_ =	swait.ge [sflag:s25], $0x2000  }
0x197: {  	[sflag:s25] =	ssyncset.done $0x0  }
0x198: {  	s19 =	sadd.s32 $0xFFFFF400, s16;
	[sflag:s25] =	ssyncadd.s32 $0xFFFFE000  }
0x199: {  	[hbm4b:s19+s3] =	stream.linear.scatter [tilespmem:s20], [sflag:$0x9], $0x2000, $0x38;
	[tilespmem:$0x12080] =	vst v63  }
0x19a: {  	v1 =	vld [tilespmem:s5+$0x300]  }
0x19b: {  	v2 =	vld [tilespmem:s5+$0x310]  }
0x19c: {  	v3 =	vld [tilespmem:s5+$0x320]  }
0x19d: {  	v4 =	vld [tilespmem:s5+$0x330];
	_ =	sdelay $0x1  }
0x19e: {  	v1 =	vsub.s32 v1, v0  }
0x19f: {  	v5 =	vshrl.u32 v1, $0xD;
	v2 =	vsub.s32 v2, v0  }
0x1a0: {  	v5 =	vand.u32 $0x40000, v5;
	v6 =	vshrl.u32 v2, $0xD;
	v3 =	vsub.s32 v3, v0  }
0x1a1: {  	v1 =	vadd.s32 v1, v5;
	v5 =	vand.u32 $0x40000, v6;
	v4 =	vsub.s32 v4, v0  }
0x1a2: {  	[tilespmem:s5+$0x300] =	vst v1;
	v1 =	vadd.s32 v2, v5;
	v2 =	vshrl.u32 v3, $0xD;
	v5 =	vshrl.u32 v4, $0xD  }
0x1a3: {  	[tilespmem:s5+$0x310] =	vst v1;
	v1 =	vand.u32 $0x40000, v2;
	v2 =	vand.u32 $0x40000, v5  }
0x1a4: {  	v1 =	vadd.s32 v3, v1;
	v2 =	vadd.s32 v4, v2  }
0x1a5: {  	[tilespmem:s5+$0x330] =	vst v2  }
0x1a6: {  	[tilespmem:s5+$0x320] =	vst v1  }
0x1a7: {  	_ =	swait.ge [sflag:s10], $0x2000  }
0x1a8: {  	[sflag:s10] =	ssyncset.done $0x0  }
0x1a9: {  	s28 =	simm.s32 $0xA080;
	s19 =	sadd.s32 $0x300, s5;
	[sflag:s10] =	ssyncadd.s32 $0xFFFFE000  }
0x1aa: {  	[tilespmem:s17], [sflag:$0x5] =	stream.indirect.gather [hbm4b:s1+s18], $0x80, s19, s18, $0xb8;
	[tilespmem:$0x12080] =	vst v63  }
0x1ab: {  	_ =	swait.ge [sflag:s29], $0x2000  }
0x1ac: {  	[sflag:s29] =	ssyncset.done $0x0  }
0x1ad: {  	s19 =	sadd.s32 $0xFFFFF800, s16;
	[sflag:s29] =	ssyncadd.s32 $0xFFFFE000  }
0x1ae: {  	[hbm4b:s19+s3] =	stream.linear.scatter [tilespmem:s22], [sflag:$0xA], $0x2000, $0x38;
	[tilespmem:$0x12080] =	vst v63  }
0x1af: {  	v1 =	vld [tilespmem:s5+$0x340]  }
0x1b0: {  	v2 =	vld [tilespmem:s5+$0x350]  }
0x1b1: {  	v3 =	vld [tilespmem:s5+$0x360]  }
0x1b2: {  	v4 =	vld [tilespmem:s5+$0x370];
	_ =	sdelay $0x1  }
0x1b3: {  	v1 =	vsub.s32 v1, v0  }
0x1b4: {  	v5 =	vshrl.u32 v1, $0xD;
	v2 =	vsub.s32 v2, v0  }
0x1b5: {  	v5 =	vand.u32 $0x40000, v5;
	v6 =	vshrl.u32 v2, $0xD;
	v3 =	vsub.s32 v3, v0  }
0x1b6: {  	v6 =	vand.u32 $0x40000, v6;
	v7 =	vshrl.u32 v3, $0xD;
	v4 =	vsub.s32 v4, v0  }
0x1b7: {  	v2 =	vadd.s32 v2, v6;
	v6 =	vand.u32 $0x40000, v7;
	v7 =	vshrl.u32 v4, $0xD  }
0x1b8: {  	v1 =	vadd.s32 v1, v5;
	[tilespmem:s5+$0x350] =	vst v2;
	v2 =	vadd.s32 v3, v6;
	v3 =	vand.u32 $0x40000, v7  }
0x1b9: {  	[tilespmem:s5+$0x340] =	vst v1;
	v1 =	vadd.s32 v4, v3  }
0x1ba: {  	[tilespmem:s5+$0x370] =	vst v1  }
0x1bb: {  	[tilespmem:s5+$0x360] =	vst v2  }
0x1bc: {  	_ =	swait.ge [sflag:s11], $0x2000  }
0x1bd: {  	[sflag:s11] =	ssyncset.done $0x0  }
0x1be: {  	s17 =	simm.s32 $0xC080;
	s19 =	sadd.s32 $0x340, s5;
	[sflag:s11] =	ssyncadd.s32 $0xFFFFE000  }
0x1bf: {  	[tilespmem:s26], [sflag:$0x6] =	stream.indirect.gather [hbm4b:s1+s18], $0x80, s19, s18, $0xb8;
	[tilespmem:$0x12080] =	vst v63  }
.Ltmp0:
0x1c0: {  	_ =	swait.ge [sflag:s0], $0x2000;
	(pc) =	sbr.rel @p0 .LBB2_2-.Ltmp0, $4  }
0x1c1: {  	[sflag:s0] =	ssyncset.done $0x0  }
0x1c2: {  	s19 =	sadd.s32 $0xFFFFFC00, s16;
	[sflag:s0] =	ssyncadd.s32 $0xFFFFE000  }
0x1c3: {  	[hbm4b:s19+s3] =	stream.linear.scatter [tilespmem:s24], [sflag:$0xB], $0x2000, $0x38;
	[tilespmem:$0x12080] =	vst v63  }
0x1c4: {  	v1 =	vld [tilespmem:s5+$0x380]  }
0x1c5: {  	v2 =	vld [tilespmem:s5+$0x3A0]  }
0x1c6: {  	v3 =	vld [tilespmem:s5+$0x390]  }
0x1c7: {  	v4 =	vld [tilespmem:s5+$0x3B0];
	_ =	sdelay $0x2  }
0x1c8: {  	v1 =	vsub.s32 v1, v0  }
0x1c9: {  	v5 =	vshrl.u32 v1, $0xD;
	v2 =	vsub.s32 v2, v0;
	v3 =	vsub.s32 v3, v0  }
0x1ca: {  	v4 =	vsub.s32 v4, v0;
	v5 =	vand.u32 $0x40000, v5;
	v6 =	vshrl.u32 v2, $0xD  }
0x1cb: {  	v46 =	vshrl.u32 v3, $0xD;
	v1 =	vadd.s32 v1, v5;
	v6 =	vand.u32 $0x40000, v6  }
0x1cc: {  	v48 =	vshrl.u32 v4, $0xD;
	v47 =	vand.u32 $0x40000, v46;
	[tilespmem:s5+$0x380] =	vst v1;
	v2 =	vadd.s32 v2, v6  }
0x1cd: {  	v49 =	vand.u32 $0x40000, v48;
	v1 =	vadd.s32 v3, v47;
	[tilespmem:s5+$0x3A0] =	vst v2  }
0x1ce: {  	v50 =	vadd.s32 v4, v49;
	[tilespmem:s5+$0x390] =	vst v1  }
0x1cf: {  	[tilespmem:s5+$0x3B0] =	vst v50  }
0x1d0: {  	_ =	swait.ge [sflag:s12], $0x2000  }
0x1d1: {  	[sflag:s12] =	ssyncset.done $0x0  }
0x1d2: {  	s14 =	sadd.s32 $0x380, s5;
	s16 =	simm.s32 $0xE080;
	[sflag:s12] =	ssyncadd.s32 $0xFFFFE000  }
0x1d3: {  	[tilespmem:s16], [sflag:$0x7] =	stream.indirect.gather [hbm4b:s1+s18], $0x80, s14, s18, $0xb8;
	[tilespmem:$0x12080] =	vst v63  }
0x1d4: {  	_ =	swait.ge [sflag:s21], $0x2000  }
0x1d5: {  	[sflag:s21] =	ssyncset.done $0x0  }
0x1d6: {  	[sflag:s21] =	ssyncadd.s32 $0xFFFFE000  }
0x1d7: {  	[hbm4b:s15+s3] =	stream.linear.scatter [tilespmem:s31], [sflag:$0xC], $0x2000, $0x38;
	[tilespmem:$0x12080] =	vst v63  }
0x1d8: {  	v51 =	vld [tilespmem:s5+$0x3C0]  }
0x1d9: {  	v52 =	vld [tilespmem:s5+$0x3D0]  }
0x1da: {  	v53 =	vld [tilespmem:s5+$0x3E0]  }
0x1db: {  	v54 =	vld [tilespmem:s5+$0x3F0];
	_ =	sdelay $0x2  }
0x1dc: {  	v2 =	vsub.s32 v52, v0  }
0x1dd: {  	v1 =	vsub.s32 v51, v0;
	v3 =	vsub.s32 v53, v0;
	v55 =	vshrl.u32 v2, $0xD  }
0x1de: {  	v57 =	vsub.s32 v54, v0;
	v56 =	vshrl.u32 v3, $0xD;
	v5 =	vand.u32 $0x40000, v55  }
0x1df: {  	v59 =	vshrl.u32 v57, $0xD;
	v58 =	vand.u32 $0x40000, v56;
	v2 =	vadd.s32 v2, v5  }
0x1e0: {  	v60 =	vshrl.u32 v1, $0xD;
	v62 =	vand.u32 $0x40000, v59;
	v61 =	vadd.s32 v3, v58;
	[tilespmem:s5+$0x3D0] =	vst v2  }
0x1e1: {  	v63 =	vand.u32 $0x40000, v60;
	v0 =	vadd.s32 v57, v62;
	[tilespmem:s5+$0x3E0] =	vst v61  }
0x1e2: {  	v1 =	vadd.s32 v1, v63;
	[tilespmem:s5+$0x3F0] =	vst v0  }
0x1e3: {  	[tilespmem:s5+$0x3C0] =	vst v1  }
0x1e4: {  	_ =	swait.ge [sflag:s13], $0x2000  }
0x1e5: {  	[sflag:s13] =	ssyncset.done $0x0  }
0x1e6: {  	s14 =	sadd.s32 $0x3C0, s5;
	s15 =	simm.s32 $0x10080;
	[sflag:s13] =	ssyncadd.s32 $0xFFFFE000  }
0x1e7: {  	[tilespmem:s15], [sflag:$0x8] =	stream.indirect.gather [hbm4b:s1+s18], $0x80, s14, s18, $0xb8;
	[tilespmem:$0x12080] =	vst v63  }
0x1e8: {  	_ =	swait.ge [sflag:s30], $0x2000  }
0x1e9: {  	[sflag:s30] =	ssyncset.done $0x0  }
0x1ea: {  	s19 =	rddreg [dreg:$0xb];
	[sflag:s30] =	ssyncadd.s32 $0xFFFFE000  }
0x1eb: {  	[hbm4b:s19+s3] =	stream.linear.scatter [tilespmem:s28], [sflag:$0xD], $0x2000, $0x38;
	[tilespmem:$0x12080] =	vst v63  }
0x1ec: {  	_ =	swait.ge [sflag:s23], $0x2000  }
0x1ed: {  	[sflag:s23] =	ssyncset.done $0x0  }
0x1ee: {  	s22 =	rddreg [dreg:$0xc];
	[sflag:s23] =	ssyncadd.s32 $0xFFFFE000  }
0x1ef: {  	[hbm4b:s22+s3] =	stream.linear.scatter [tilespmem:s17], [sflag:$0xE], $0x2000, $0x38;
	[tilespmem:$0x12080] =	vst v63  }
0x1f0: {  	_ =	swait.ge [sflag:s6], $0x2000  }
0x1f1: {  	[sflag:s6] =	ssyncset.done $0x0  }
0x1f2: {  	s24 =	rddreg [dreg:$0xd];
	[sflag:s6] =	ssyncadd.s32 $0xFFFFE000  }
0x1f3: {  	[hbm4b:s24+s3] =	stream.linear.scatter [tilespmem:s16], [sflag:$0xF], $0x2000, $0x38;
	[tilespmem:$0x12080] =	vst v63  }
0x1f4: {  	_ =	swait.ge [sflag:s8], $0x2000  }
0x1f5: {  	[sflag:s8] =	ssyncset.done $0x0  }
0x1f6: {  	s26 =	rddreg [dreg:$0xe];
	[sflag:s8] =	ssyncadd.s32 $0xFFFFE000  }
0x1f7: {  	[hbm4b:s26+s3] =	stream.linear.scatter [tilespmem:s15], [sflag:$0x10], $0x2000, $0x38;
	[tilespmem:$0x12080] =	vst v63  }
0x1f8: {  	_ =	swait.ge [sflag:s2], $0x2000  }
0x1f9: {  	[sflag:s2] =	ssyncset.done $0x0  }
0x1fa: {  	[sflag:s2] =	ssyncadd.s32 $0xFFFFE000  }
0x1fb: {  	_ =	swait.ge [sflag:s4], $0x2000  }
0x1fc: {  	[sflag:s4] =	ssyncset.done $0x0  }
0x1fd: {  	[sflag:s4] =	ssyncadd.s32 $0xFFFFE000  }
0x1fe: {  	_ =	swait.ge [sflag:s7], $0x2000  }
0x1ff: {  	[sflag:s7] =	ssyncset.done $0x0  }
0x200: {  	[sflag:s7] =	ssyncadd.s32 $0xFFFFE000  }
0x201: {  	_ =	swait.ge [sflag:s9], $0x2000  }
0x202: {  	[sflag:s9] =	ssyncset.done $0x0  }
0x203: {  	[sflag:s9] =	ssyncadd.s32 $0xFFFFE000  }
0x204: {  	_ =	swait.ge [sflag:s10], $0x2000  }
0x205: {  	[sflag:s10] =	ssyncset.done $0x0  }
0x206: {  	[sflag:s10] =	ssyncadd.s32 $0xFFFFE000  }
0x207: {  	_ =	swait.ge [sflag:s11], $0x2000  }
0x208: {  	[sflag:s11] =	ssyncset.done $0x0  }
0x209: {  	[sflag:s11] =	ssyncadd.s32 $0xFFFFE000  }
0x20a: {  	_ =	swait.ge [sflag:s12], $0x2000  }
0x20b: {  	[sflag:s12] =	ssyncset.done $0x0  }
0x20c: {  	[sflag:s12] =	ssyncadd.s32 $0xFFFFE000  }
0x20d: {  	_ =	swait.ge [sflag:s13], $0x2000  }
0x20e: {  	s28 =	rddreg [dreg:$0x11]  }
0x20f: {  	s31 =	rddreg [dreg:$0xf];
	s14 =	sadd.s32 $0x1, s28  }
0x210: {  	p0 =	sne.s32 s14, s31  }
.Ltmp1:
0x211: {  	_ = 	snop;
	(pc) =	sbr.rel @p0 .LBB2_1-.Ltmp1, $3  }
0x212: {  	_ =	sdelay $0x1  }
0x213: {  	[sflag:s13] =	ssyncset.done $0x0  }
0x214: {  	s19 =	simm.s32 $0x6080;
	s16 =	simm.s32 $0x4080;
	[sflag:s13] =	ssyncadd.s32 $0xFFFFE000  }
0x215: {  	_ =	sfence.sel $0x180000  }
0x216: {  	[bflag:$0x0] =	sbarrier.arrive $0xFFFF  }
0x217: {  	_ =	strace $0x90000047  }
0x218: {  	s0 =	stileid.u32;
	[bflag:$0x2] =	sbarrier.arrive $0xFFFF  }
0x219: {  	p0 =	sne.s32 s0, $0x0;
	s0 =	rddreg [dreg:$0x4]  }
0x21a: {  	s0 =	sadd.s32 @!p0 $0x100000, s0  }
0x21b: {  	[sflag:s0] =	ssyncadd.tile.s32 @!p0 $0x1;
	_ =	shalt  }
.Lfunc_end2:
_tile_overlayer_lowered:
.L_overlay_start_2:
0x21c: {  	(tag) =	ssettag $0x2  }
0x21d: {  	s0 =	rddreg [dreg:$0x0];
	s2 =	stileid.u32  }
0x21e: {  	s1 =	rddreg [dreg:$0x1];
	p0 =	sne.s32 s2, $0x0  }
0x21f: {  	s3 =	rddreg [dreg:$0x2];
	[bflag:$0x3] =	sbarrier.arrive $0xFFFF;
	s2 =	simm.s32 @!p0 $0x1C11  }
0x220: {  	[timem:s3], [sflag:s2] =	dma.local @!p0 [hbm:s0], s1  }
0x221: {  	s0 =	simm.s32 @!p0 $0x11  }
0x222: {  	_ =	swait.ge @!p0 [sflag:s0], s1  }
0x223: {  	s1 =	ssub.s32 @!p0 $0x0, s1;
	[sflag:s0] =	ssyncset.done @!p0 $0x0  }
0x224: {  	[sflag:s0] =	ssyncadd.s32 @!p0 s1  }
0x225: {  	[bflag:$0x3] =	sbarrier.arrive $0xFFFF  }
0x226: {  	_ =	shalt  }

</sc_bundles>
